<compile_context>
chip_gen: v7x
topology: tpu7x:2x2x1
jax: 0.10.2.dev20260603
libtpu: 0.0.44.dev20260713+nightly
codegen_flags: <defaults>
</compile_context>

<pallas_src>
import functools

import jax
import jax.numpy as jnp
from jax import lax
from jax.experimental import pallas as pl
from jax.experimental.pallas import tpu as pltpu
from jax.experimental.pallas import tpu_sc as plsc

VOCAB = 100000
MAXLEN = 200
EMBED = 128
BATCH = 4096

NC = 2
NS = 16
NW = NC * NS
LANES = 16

ROWS = BATCH * MAXLEN
CHUNK = 40
NCHUNK = ROWS // CHUNK
CPW = NCHUNK // NW
NB = 10
LG = 6


def _body(idx_hbm, tok_hbm, pos_hbm, out_hbm, pos_v, idx_v, buf, isem, gsem, ssem):
    wid = lax.axis_index("s") * NC + lax.axis_index("c")
    cbase = wid * CPW

    def idx_copy(b, cid):
        return pltpu.make_async_copy(idx_hbm.at[cid], idx_v.at[b], isem.at[b])

    def gather(b):
        return pltpu.make_async_copy(tok_hbm.at[idx_v.at[b]], buf.at[b], gsem.at[b])

    def scatter(b, cid):
        return pltpu.make_async_copy(
            buf.at[b], out_hbm.at[pl.ds(cid * CHUNK, CHUNK)], ssem.at[b])

    pltpu.sync_copy(pos_hbm, pos_v.at[pl.ds(0, MAXLEN)])
    pltpu.sync_copy(pos_hbm.at[pl.ds(0, CHUNK)], pos_v.at[pl.ds(MAXLEN, CHUNK)])

    for b in range(NB):
        idx_copy(b, cbase + b).start()
    for b in range(LG):
        idx_copy(b, cbase + b).wait()
        gather(b).start()

    @pl.loop(0, CPW, step=NB)
    def _ring(g):
        for b in range(NB):
            t = g + b
            cid = cbase + t
            gather(b).wait()

            @pl.when(t + NB < CPW)
            def _():
                idx_copy(b, cbase + t + NB).start()

            poff = (b * CHUNK) % MAXLEN

            if False:
                @pl.loop(0, CHUNK)
                def _rows(m):
                    for c in range(EMBED // LANES):
                        sl = pl.ds(c * LANES, LANES)
                        plsc.addupdate(buf.at[b, m, sl], pos_v[poff + m, sl])

            scatter(b, cid).start()

            b2 = (b + LG) % NB
            @pl.when(t + LG < CPW)
            def _():
                @pl.when(t >= NB - LG)
                def _():
                    scatter(b2, cbase).wait()
                idx_copy(b2, cbase).wait()
                gather(b2).start()

    for b in range(NB):
        scatter(b, cbase).wait()


@functools.partial(jax.jit, static_argnums=())
def _run(idx, token_table, pos_table):
    kern = pl.kernel(
        _body,
        out_type=jax.ShapeDtypeStruct((ROWS, EMBED), jnp.float32),
        mesh=plsc.VectorSubcoreMesh(core_axis_name="c", subcore_axis_name="s"),
        scratch_types=[
            pltpu.VMEM((MAXLEN + CHUNK, EMBED), jnp.float32),
            pltpu.VMEM((NB, CHUNK), jnp.int32),
            pltpu.VMEM((NB, CHUNK, EMBED), jnp.float32),
            pltpu.SemaphoreType.DMA((NB,)),
            pltpu.SemaphoreType.DMA((NB,)),
            pltpu.SemaphoreType.DMA((NB,)),
        ],
    )
    return kern(idx, token_table, pos_table)


def kernel(inputs, token_table, pos_table):
    idx = inputs.astype(jnp.int32).reshape(NCHUNK, CHUNK)
    out = _run(idx, token_table, pos_table)
    return out.reshape(BATCH, MAXLEN, EMBED)

# --- scband reference (transcript-rebuilt; emitter-appended) ---
"""Pipeline reference for scband-model-embedding-3049426780339 (READ-ONLY COPY).

The authoritative reference and input builder live on the scoring server;
editing this copy changes nothing except your own understanding.
"""

import jax, jax.numpy as jnp
import numpy as np

VOCAB = 100000
MAXLEN = 200
EMBED_DIM = 128
BATCH = 4096

def setup_inputs(seed: int = 0) -> dict:
    key = jax.random.key(seed)
    k1, k2, k3 = jax.random.split(key, 3)
    inputs = jax.random.randint(k1, (BATCH, MAXLEN), 0, VOCAB, dtype=jnp.int64 if jax.config.read('jax_enable_x64') else jnp.int32)
    token_table = jax.random.normal(k2, (VOCAB, EMBED_DIM), dtype=jnp.float32) * 0.02
    pos_table = jax.random.normal(k3, (MAXLEN, EMBED_DIM), dtype=jnp.float32) * 0.02
    return {"inputs": inputs, "token_table": token_table, "pos_table": pos_table}

def reference(inputs, token_table, pos_table):
    # maxlen = tf.shape(inputs)[-1]
    maxlen = inputs.shape[-1]
    # positions = tf.range(0, maxlen)
    positions = jnp.arange(0, maxlen)
    # position_embeddings = self.pos_emb(positions)
    position_embeddings = jnp.take(pos_table, positions, axis=0)  # [maxlen, embed_dim]
    # token_embeddings = self.token_emb(inputs)
    token_embeddings = jnp.take(token_table, inputs, axis=0)  # [batch, maxlen, embed_dim]
    # broadcast add: [batch, maxlen, embed_dim] + [maxlen, embed_dim]
    return token_embeddings + position_embeddings

if __name__ == "__main__":
    import jax
    _d = setup_inputs()
    print(jax.jit(kernel)(*tuple(_d.values())))

</pallas_src>

<mosaic_0001>
#map = affine_map<(d0, d1) -> (0, 0)>
module attributes {stable_mosaic.version = 14 : i64} {
  func.func @_body(%arg0: i32, %arg1: i32, %arg2: memref<20480x40xi32, #tpu.memory_space<hbm>>, %arg3: memref<100000x128xf32, #tpu.memory_space<hbm>>, %arg4: memref<200x128xf32, #tpu.memory_space<hbm>>, %arg5: memref<819200x128xf32, #tpu.memory_space<hbm>>, %arg6: memref<240x128xf32, #tpu.memory_space<vmem>>, %arg7: memref<10x40xi32, #tpu.memory_space<vmem>>, %arg8: memref<10x40x128xf32, #tpu.memory_space<vmem>>, %arg9: memref<10x!tpu.dma_semaphore, #tpu.memory_space<semaphore_mem>>, %arg10: memref<10x!tpu.dma_semaphore, #tpu.memory_space<semaphore_mem>>, %arg11: memref<10x!tpu.dma_semaphore, #tpu.memory_space<semaphore_mem>>) attributes {dimension_semantics = [#tpu.dimension_semantics<core_parallel>, #tpu.dimension_semantics<subcore_parallel>], iteration_bounds = array<i64: 2, 16>, scalar_prefetch = 0 : i64, scratch_operands = 6 : i64, tpu.core_type = #tpu.core_type<sc_vector_subcore>, window_params = [{transform_indices = #map}, {transform_indices = #map}, {transform_indices = #map}, {transform_indices = #map}]} {
    %mul3A = arith.constant 2 : i32
    %mul3A_0 = arith.muli %arg1, %mul3A : i32
    %add3A = arith.addi %mul3A_0, %arg0 : i32
    %mul3A_1 = arith.constant 640 : i32
    %mul3A_2 = arith.muli %add3A, %mul3A_1 : i32
    "tpu.region"() ({
      %run_scoped3A = tpu.sem_alloc : memref<!tpu.dma_semaphore, #tpu.memory_space<semaphore_mem>>
      %dma_start3A_563 = arith.constant 0 : i32
      %dma_start3A_564 = arith.constant 0 : i32
      %dma_start3A_565 = tpu.memref_slice %arg6[%dma_start3A_563, %dma_start3A_564] : memref<240x128xf32, #tpu.memory_space<vmem>> -> memref<200x128xf32, #tpu.memory_space<vmem>>
      %dma_start3A_566 = arith.constant 0 : i32
      %dma_start3A_567 = arith.constant 0 : i32
      %dma_start3A_568 = tpu.memref_slice %arg6[%dma_start3A_566, %dma_start3A_567] : memref<240x128xf32, #tpu.memory_space<vmem>> -> memref<200x128xf32, #tpu.memory_space<vmem>>
      tpu.enqueue_dma source(%arg4 : memref<200x128xf32, #tpu.memory_space<hbm>>) target(%dma_start3A_568 : memref<200x128xf32, #tpu.memory_space<vmem>>) target_semaphore(%run_scoped3A : memref<!tpu.dma_semaphore, #tpu.memory_space<semaphore_mem>>)
      %dma_wait3A_569 = arith.constant 0 : i32
      %dma_wait3A_570 = arith.constant 0 : i32
      %dma_wait3A_571 = tpu.memref_slice %arg6[%dma_wait3A_569, %dma_wait3A_570] : memref<240x128xf32, #tpu.memory_space<vmem>> -> memref<200x128xf32, #tpu.memory_space<vmem>>
      %dma_wait3A_572 = arith.constant 0 : i32
      %dma_wait3A_573 = arith.constant 0 : i32
      %dma_wait3A_574 = tpu.memref_slice %arg6[%dma_wait3A_572, %dma_wait3A_573] : memref<240x128xf32, #tpu.memory_space<vmem>> -> memref<200x128xf32, #tpu.memory_space<vmem>>
      tpu.wait_dma2 semaphore(%run_scoped3A : memref<!tpu.dma_semaphore, #tpu.memory_space<semaphore_mem>>) src(%arg4 : memref<200x128xf32, #tpu.memory_space<hbm>>) dst(%dma_wait3A_574 : memref<200x128xf32, #tpu.memory_space<vmem>>)
      tpu.yield
    }) : () -> ()
    "tpu.region"() ({
      %run_scoped3A = tpu.sem_alloc : memref<!tpu.dma_semaphore, #tpu.memory_space<semaphore_mem>>
      %dma_start3A_563 = arith.constant 200 : i32
      %dma_start3A_564 = arith.constant 0 : i32
      %dma_start3A_565 = tpu.memref_slice %arg6[%dma_start3A_563, %dma_start3A_564] : memref<240x128xf32, #tpu.memory_space<vmem>> -> memref<40x128xf32, #tpu.memory_space<vmem>>
      %dma_start3A_566 = arith.constant 0 : i32
      %dma_start3A_567 = arith.constant 0 : i32
      %dma_start3A_568 = tpu.memref_slice %arg4[%dma_start3A_566, %dma_start3A_567] : memref<200x128xf32, #tpu.memory_space<hbm>> -> memref<40x128xf32, #tpu.memory_space<hbm>>
      %dma_start3A_569 = arith.constant 200 : i32
      %dma_start3A_570 = arith.constant 0 : i32
      %dma_start3A_571 = tpu.memref_slice %arg6[%dma_start3A_569, %dma_start3A_570] : memref<240x128xf32, #tpu.memory_space<vmem>> -> memref<40x128xf32, #tpu.memory_space<vmem>>
      %dma_start3A_572 = arith.constant 0 : i32
      %dma_start3A_573 = arith.constant 0 : i32
      %dma_start3A_574 = tpu.memref_slice %arg4[%dma_start3A_572, %dma_start3A_573] : memref<200x128xf32, #tpu.memory_space<hbm>> -> memref<40x128xf32, #tpu.memory_space<hbm>>
      tpu.enqueue_dma source(%dma_start3A_574 : memref<40x128xf32, #tpu.memory_space<hbm>>) target(%dma_start3A_571 : memref<40x128xf32, #tpu.memory_space<vmem>>) target_semaphore(%run_scoped3A : memref<!tpu.dma_semaphore, #tpu.memory_space<semaphore_mem>>)
      %dma_wait3A_575 = arith.constant 200 : i32
      %dma_wait3A_576 = arith.constant 0 : i32
      %dma_wait3A_577 = tpu.memref_slice %arg6[%dma_wait3A_575, %dma_wait3A_576] : memref<240x128xf32, #tpu.memory_space<vmem>> -> memref<40x128xf32, #tpu.memory_space<vmem>>
      %dma_wait3A_578 = arith.constant 0 : i32
      %dma_wait3A_579 = arith.constant 0 : i32
      %dma_wait3A_580 = tpu.memref_slice %arg4[%dma_wait3A_578, %dma_wait3A_579] : memref<200x128xf32, #tpu.memory_space<hbm>> -> memref<40x128xf32, #tpu.memory_space<hbm>>
      %dma_wait3A_581 = arith.constant 200 : i32
      %dma_wait3A_582 = arith.constant 0 : i32
      %dma_wait3A_583 = tpu.memref_slice %arg6[%dma_wait3A_581, %dma_wait3A_582] : memref<240x128xf32, #tpu.memory_space<vmem>> -> memref<40x128xf32, #tpu.memory_space<vmem>>
      %dma_wait3A_584 = arith.constant 0 : i32
      %dma_wait3A_585 = arith.constant 0 : i32
      %dma_wait3A_586 = tpu.memref_slice %arg4[%dma_wait3A_584, %dma_wait3A_585] : memref<200x128xf32, #tpu.memory_space<hbm>> -> memref<40x128xf32, #tpu.memory_space<hbm>>
      tpu.wait_dma2 semaphore(%run_scoped3A : memref<!tpu.dma_semaphore, #tpu.memory_space<semaphore_mem>>) src(%dma_wait3A_586 : memref<40x128xf32, #tpu.memory_space<hbm>>) dst(%dma_wait3A_583 : memref<40x128xf32, #tpu.memory_space<vmem>>)
      tpu.yield
    }) : () -> ()
    %add3A_3 = arith.constant 0 : i32
    %add3A_4 = arith.addi %mul3A_2, %add3A_3 : i32
    %dma_start3A = arith.constant 0 : i32
    %dma_start3A_5 = arith.constant 0 : i32
    %dma_start3A_6 = arith.constant 0 : i32
    %dma_start3A_7 = tpu.memref_slice %arg7[%dma_start3A, %dma_start3A_6] : memref<10x40xi32, #tpu.memory_space<vmem>> -> memref<1x40xi32, #tpu.memory_space<vmem>>
    %dma_start3A_8 = tpu.memref_squeeze %dma_start3A_7 : memref<1x40xi32, #tpu.memory_space<vmem>> -> memref<40xi32, #tpu.memory_space<vmem>>
    %dma_start3A_9 = arith.constant 0 : i32
    %dma_start3A_10 = tpu.memref_slice %arg2[%add3A_4, %dma_start3A_9] : memref<20480x40xi32, #tpu.memory_space<hbm>> -> memref<1x40xi32, #tpu.memory_space<hbm>>
    %dma_start3A_11 = tpu.memref_squeeze %dma_start3A_10 : memref<1x40xi32, #tpu.memory_space<hbm>> -> memref<40xi32, #tpu.memory_space<hbm>>
    %dma_start3A_12 = tpu.memref_slice %arg9[%dma_start3A_5] : memref<10x!tpu.dma_semaphore, #tpu.memory_space<semaphore_mem>> -> memref<1x!tpu.dma_semaphore, #tpu.memory_space<semaphore_mem>>
    %dma_start3A_13 = tpu.memref_squeeze %dma_start3A_12 : memref<1x!tpu.dma_semaphore, #tpu.memory_space<semaphore_mem>> -> memref<!tpu.dma_semaphore, #tpu.memory_space<semaphore_mem>>
    %dma_start3A_14 = arith.constant 0 : i32
    %dma_start3A_15 = tpu.memref_slice %arg7[%dma_start3A, %dma_start3A_14] : memref<10x40xi32, #tpu.memory_space<vmem>> -> memref<1x40xi32, #tpu.memory_space<vmem>>
    %dma_start3A_16 = tpu.memref_squeeze %dma_start3A_15 : memref<1x40xi32, #tpu.memory_space<vmem>> -> memref<40xi32, #tpu.memory_space<vmem>>
    %dma_start3A_17 = arith.constant 0 : i32
    %dma_start3A_18 = tpu.memref_slice %arg2[%add3A_4, %dma_start3A_17] : memref<20480x40xi32, #tpu.memory_space<hbm>> -> memref<1x40xi32, #tpu.memory_space<hbm>>
    %dma_start3A_19 = tpu.memref_squeeze %dma_start3A_18 : memref<1x40xi32, #tpu.memory_space<hbm>> -> memref<40xi32, #tpu.memory_space<hbm>>
    tpu.enqueue_dma source(%dma_start3A_19 : memref<40xi32, #tpu.memory_space<hbm>>) target(%dma_start3A_16 : memref<40xi32, #tpu.memory_space<vmem>>) target_semaphore(%dma_start3A_13 : memref<!tpu.dma_semaphore, #tpu.memory_space<semaphore_mem>>)
    %add3A_20 = arith.constant 1 : i32
    %add3A_21 = arith.addi %mul3A_2, %add3A_20 : i32
    %dma_start3A_22 = arith.constant 1 : i32
    %dma_start3A_23 = arith.constant 1 : i32
    %dma_start3A_24 = arith.constant 0 : i32
    %dma_start3A_25 = tpu.memref_slice %arg7[%dma_start3A_22, %dma_start3A_24] : memref<10x40xi32, #tpu.memory_space<vmem>> -> memref<1x40xi32, #tpu.memory_space<vmem>>
    %dma_start3A_26 = tpu.memref_squeeze %dma_start3A_25 : memref<1x40xi32, #tpu.memory_space<vmem>> -> memref<40xi32, #tpu.memory_space<vmem>>
    %dma_start3A_27 = arith.constant 0 : i32
    %dma_start3A_28 = tpu.memref_slice %arg2[%add3A_21, %dma_start3A_27] : memref<20480x40xi32, #tpu.memory_space<hbm>> -> memref<1x40xi32, #tpu.memory_space<hbm>>
    %dma_start3A_29 = tpu.memref_squeeze %dma_start3A_28 : memref<1x40xi32, #tpu.memory_space<hbm>> -> memref<40xi32, #tpu.memory_space<hbm>>
    %dma_start3A_30 = tpu.memref_slice %arg9[%dma_start3A_23] : memref<10x!tpu.dma_semaphore, #tpu.memory_space<semaphore_mem>> -> memref<1x!tpu.dma_semaphore, #tpu.memory_space<semaphore_mem>>
    %dma_start3A_31 = tpu.memref_squeeze %dma_start3A_30 : memref<1x!tpu.dma_semaphore, #tpu.memory_space<semaphore_mem>> -> memref<!tpu.dma_semaphore, #tpu.memory_space<semaphore_mem>>
    %dma_start3A_32 = arith.constant 0 : i32
    %dma_start3A_33 = tpu.memref_slice %arg7[%dma_start3A_22, %dma_start3A_32] : memref<10x40xi32, #tpu.memory_space<vmem>> -> memref<1x40xi32, #tpu.memory_space<vmem>>
    %dma_start3A_34 = tpu.memref_squeeze %dma_start3A_33 : memref<1x40xi32, #tpu.memory_space<vmem>> -> memref<40xi32, #tpu.memory_space<vmem>>
    %dma_start3A_35 = arith.constant 0 : i32
    %dma_start3A_36 = tpu.memref_slice %arg2[%add3A_21, %dma_start3A_35] : memref<20480x40xi32, #tpu.memory_space<hbm>> -> memref<1x40xi32, #tpu.memory_space<hbm>>
    %dma_start3A_37 = tpu.memref_squeeze %dma_start3A_36 : memref<1x40xi32, #tpu.memory_space<hbm>> -> memref<40xi32, #tpu.memory_space<hbm>>
    tpu.enqueue_dma source(%dma_start3A_37 : memref<40xi32, #tpu.memory_space<hbm>>) target(%dma_start3A_34 : memref<40xi32, #tpu.memory_space<vmem>>) target_semaphore(%dma_start3A_31 : memref<!tpu.dma_semaphore, #tpu.memory_space<semaphore_mem>>)
    %add3A_38 = arith.constant 2 : i32
    %add3A_39 = arith.addi %mul3A_2, %add3A_38 : i32
    %dma_start3A_40 = arith.constant 2 : i32
    %dma_start3A_41 = arith.constant 2 : i32
    %dma_start3A_42 = arith.constant 0 : i32
    %dma_start3A_43 = tpu.memref_slice %arg7[%dma_start3A_40, %dma_start3A_42] : memref<10x40xi32, #tpu.memory_space<vmem>> -> memref<1x40xi32, #tpu.memory_space<vmem>>
    %dma_start3A_44 = tpu.memref_squeeze %dma_start3A_43 : memref<1x40xi32, #tpu.memory_space<vmem>> -> memref<40xi32, #tpu.memory_space<vmem>>
    %dma_start3A_45 = arith.constant 0 : i32
    %dma_start3A_46 = tpu.memref_slice %arg2[%add3A_39, %dma_start3A_45] : memref<20480x40xi32, #tpu.memory_space<hbm>> -> memref<1x40xi32, #tpu.memory_space<hbm>>
    %dma_start3A_47 = tpu.memref_squeeze %dma_start3A_46 : memref<1x40xi32, #tpu.memory_space<hbm>> -> memref<40xi32, #tpu.memory_space<hbm>>
    %dma_start3A_48 = tpu.memref_slice %arg9[%dma_start3A_41] : memref<10x!tpu.dma_semaphore, #tpu.memory_space<semaphore_mem>> -> memref<1x!tpu.dma_semaphore, #tpu.memory_space<semaphore_mem>>
    %dma_start3A_49 = tpu.memref_squeeze %dma_start3A_48 : memref<1x!tpu.dma_semaphore, #tpu.memory_space<semaphore_mem>> -> memref<!tpu.dma_semaphore, #tpu.memory_space<semaphore_mem>>
    %dma_start3A_50 = arith.constant 0 : i32
    %dma_start3A_51 = tpu.memref_slice %arg7[%dma_start3A_40, %dma_start3A_50] : memref<10x40xi32, #tpu.memory_space<vmem>> -> memref<1x40xi32, #tpu.memory_space<vmem>>
    %dma_start3A_52 = tpu.memref_squeeze %dma_start3A_51 : memref<1x40xi32, #tpu.memory_space<vmem>> -> memref<40xi32, #tpu.memory_space<vmem>>
    %dma_start3A_53 = arith.constant 0 : i32
    %dma_start3A_54 = tpu.memref_slice %arg2[%add3A_39, %dma_start3A_53] : memref<20480x40xi32, #tpu.memory_space<hbm>> -> memref<1x40xi32, #tpu.memory_space<hbm>>
    %dma_start3A_55 = tpu.memref_squeeze %dma_start3A_54 : memref<1x40xi32, #tpu.memory_space<hbm>> -> memref<40xi32, #tpu.memory_space<hbm>>
    tpu.enqueue_dma source(%dma_start3A_55 : memref<40xi32, #tpu.memory_space<hbm>>) target(%dma_start3A_52 : memref<40xi32, #tpu.memory_space<vmem>>) target_semaphore(%dma_start3A_49 : memref<!tpu.dma_semaphore, #tpu.memory_space<semaphore_mem>>)
    %add3A_56 = arith.constant 3 : i32
    %add3A_57 = arith.addi %mul3A_2, %add3A_56 : i32
    %dma_start3A_58 = arith.constant 3 : i32
    %dma_start3A_59 = arith.constant 3 : i32
    %dma_start3A_60 = arith.constant 0 : i32
    %dma_start3A_61 = tpu.memref_slice %arg7[%dma_start3A_58, %dma_start3A_60] : memref<10x40xi32, #tpu.memory_space<vmem>> -> memref<1x40xi32, #tpu.memory_space<vmem>>
    %dma_start3A_62 = tpu.memref_squeeze %dma_start3A_61 : memref<1x40xi32, #tpu.memory_space<vmem>> -> memref<40xi32, #tpu.memory_space<vmem>>
    %dma_start3A_63 = arith.constant 0 : i32
    %dma_start3A_64 = tpu.memref_slice %arg2[%add3A_57, %dma_start3A_63] : memref<20480x40xi32, #tpu.memory_space<hbm>> -> memref<1x40xi32, #tpu.memory_space<hbm>>
    %dma_start3A_65 = tpu.memref_squeeze %dma_start3A_64 : memref<1x40xi32, #tpu.memory_space<hbm>> -> memref<40xi32, #tpu.memory_space<hbm>>
    %dma_start3A_66 = tpu.memref_slice %arg9[%dma_start3A_59] : memref<10x!tpu.dma_semaphore, #tpu.memory_space<semaphore_mem>> -> memref<1x!tpu.dma_semaphore, #tpu.memory_space<semaphore_mem>>
    %dma_start3A_67 = tpu.memref_squeeze %dma_start3A_66 : memref<1x!tpu.dma_semaphore, #tpu.memory_space<semaphore_mem>> -> memref<!tpu.dma_semaphore, #tpu.memory_space<semaphore_mem>>
    %dma_start3A_68 = arith.constant 0 : i32
    %dma_start3A_69 = tpu.memref_slice %arg7[%dma_start3A_58, %dma_start3A_68] : memref<10x40xi32, #tpu.memory_space<vmem>> -> memref<1x40xi32, #tpu.memory_space<vmem>>
    %dma_start3A_70 = tpu.memref_squeeze %dma_start3A_69 : memref<1x40xi32, #tpu.memory_space<vmem>> -> memref<40xi32, #tpu.memory_space<vmem>>
    %dma_start3A_71 = arith.constant 0 : i32
    %dma_start3A_72 = tpu.memref_slice %arg2[%add3A_57, %dma_start3A_71] : memref<20480x40xi32, #tpu.memory_space<hbm>> -> memref<1x40xi32, #tpu.memory_space<hbm>>
    %dma_start3A_73 = tpu.memref_squeeze %dma_start3A_72 : memref<1x40xi32, #tpu.memory_space<hbm>> -> memref<40xi32, #tpu.memory_space<hbm>>
    tpu.enqueue_dma source(%dma_start3A_73 : memref<40xi32, #tpu.memory_space<hbm>>) target(%dma_start3A_70 : memref<40xi32, #tpu.memory_space<vmem>>) target_semaphore(%dma_start3A_67 : memref<!tpu.dma_semaphore, #tpu.memory_space<semaphore_mem>>)
    %add3A_74 = arith.constant 4 : i32
    %add3A_75 = arith.addi %mul3A_2, %add3A_74 : i32
    %dma_start3A_76 = arith.constant 4 : i32
    %dma_start3A_77 = arith.constant 4 : i32
    %dma_start3A_78 = arith.constant 0 : i32
    %dma_start3A_79 = tpu.memref_slice %arg7[%dma_start3A_76, %dma_start3A_78] : memref<10x40xi32, #tpu.memory_space<vmem>> -> memref<1x40xi32, #tpu.memory_space<vmem>>
    %dma_start3A_80 = tpu.memref_squeeze %dma_start3A_79 : memref<1x40xi32, #tpu.memory_space<vmem>> -> memref<40xi32, #tpu.memory_space<vmem>>
    %dma_start3A_81 = arith.constant 0 : i32
    %dma_start3A_82 = tpu.memref_slice %arg2[%add3A_75, %dma_start3A_81] : memref<20480x40xi32, #tpu.memory_space<hbm>> -> memref<1x40xi32, #tpu.memory_space<hbm>>
    %dma_start3A_83 = tpu.memref_squeeze %dma_start3A_82 : memref<1x40xi32, #tpu.memory_space<hbm>> -> memref<40xi32, #tpu.memory_space<hbm>>
    %dma_start3A_84 = tpu.memref_slice %arg9[%dma_start3A_77] : memref<10x!tpu.dma_semaphore, #tpu.memory_space<semaphore_mem>> -> memref<1x!tpu.dma_semaphore, #tpu.memory_space<semaphore_mem>>
    %dma_start3A_85 = tpu.memref_squeeze %dma_start3A_84 : memref<1x!tpu.dma_semaphore, #tpu.memory_space<semaphore_mem>> -> memref<!tpu.dma_semaphore, #tpu.memory_space<semaphore_mem>>
    %dma_start3A_86 = arith.constant 0 : i32
    %dma_start3A_87 = tpu.memref_slice %arg7[%dma_start3A_76, %dma_start3A_86] : memref<10x40xi32, #tpu.memory_space<vmem>> -> memref<1x40xi32, #tpu.memory_space<vmem>>
    %dma_start3A_88 = tpu.memref_squeeze %dma_start3A_87 : memref<1x40xi32, #tpu.memory_space<vmem>> -> memref<40xi32, #tpu.memory_space<vmem>>
    %dma_start3A_89 = arith.constant 0 : i32
    %dma_start3A_90 = tpu.memref_slice %arg2[%add3A_75, %dma_start3A_89] : memref<20480x40xi32, #tpu.memory_space<hbm>> -> memref<1x40xi32, #tpu.memory_space<hbm>>
    %dma_start3A_91 = tpu.memref_squeeze %dma_start3A_90 : memref<1x40xi32, #tpu.memory_space<hbm>> -> memref<40xi32, #tpu.memory_space<hbm>>
    tpu.enqueue_dma source(%dma_start3A_91 : memref<40xi32, #tpu.memory_space<hbm>>) target(%dma_start3A_88 : memref<40xi32, #tpu.memory_space<vmem>>) target_semaphore(%dma_start3A_85 : memref<!tpu.dma_semaphore, #tpu.memory_space<semaphore_mem>>)
    %add3A_92 = arith.constant 5 : i32
    %add3A_93 = arith.addi %mul3A_2, %add3A_92 : i32
    %dma_start3A_94 = arith.constant 5 : i32
    %dma_start3A_95 = arith.constant 5 : i32
    %dma_start3A_96 = arith.constant 0 : i32
    %dma_start3A_97 = tpu.memref_slice %arg7[%dma_start3A_94, %dma_start3A_96] : memref<10x40xi32, #tpu.memory_space<vmem>> -> memref<1x40xi32, #tpu.memory_space<vmem>>
    %dma_start3A_98 = tpu.memref_squeeze %dma_start3A_97 : memref<1x40xi32, #tpu.memory_space<vmem>> -> memref<40xi32, #tpu.memory_space<vmem>>
    %dma_start3A_99 = arith.constant 0 : i32
    %dma_start3A_100 = tpu.memref_slice %arg2[%add3A_93, %dma_start3A_99] : memref<20480x40xi32, #tpu.memory_space<hbm>> -> memref<1x40xi32, #tpu.memory_space<hbm>>
    %dma_start3A_101 = tpu.memref_squeeze %dma_start3A_100 : memref<1x40xi32, #tpu.memory_space<hbm>> -> memref<40xi32, #tpu.memory_space<hbm>>
    %dma_start3A_102 = tpu.memref_slice %arg9[%dma_start3A_95] : memref<10x!tpu.dma_semaphore, #tpu.memory_space<semaphore_mem>> -> memref<1x!tpu.dma_semaphore, #tpu.memory_space<semaphore_mem>>
    %dma_start3A_103 = tpu.memref_squeeze %dma_start3A_102 : memref<1x!tpu.dma_semaphore, #tpu.memory_space<semaphore_mem>> -> memref<!tpu.dma_semaphore, #tpu.memory_space<semaphore_mem>>
    %dma_start3A_104 = arith.constant 0 : i32
    %dma_start3A_105 = tpu.memref_slice %arg7[%dma_start3A_94, %dma_start3A_104] : memref<10x40xi32, #tpu.memory_space<vmem>> -> memref<1x40xi32, #tpu.memory_space<vmem>>
    %dma_start3A_106 = tpu.memref_squeeze %dma_start3A_105 : memref<1x40xi32, #tpu.memory_space<vmem>> -> memref<40xi32, #tpu.memory_space<vmem>>
    %dma_start3A_107 = arith.constant 0 : i32
    %dma_start3A_108 = tpu.memref_slice %arg2[%add3A_93, %dma_start3A_107] : memref<20480x40xi32, #tpu.memory_space<hbm>> -> memref<1x40xi32, #tpu.memory_space<hbm>>
    %dma_start3A_109 = tpu.memref_squeeze %dma_start3A_108 : memref<1x40xi32, #tpu.memory_space<hbm>> -> memref<40xi32, #tpu.memory_space<hbm>>
    tpu.enqueue_dma source(%dma_start3A_109 : memref<40xi32, #tpu.memory_space<hbm>>) target(%dma_start3A_106 : memref<40xi32, #tpu.memory_space<vmem>>) target_semaphore(%dma_start3A_103 : memref<!tpu.dma_semaphore, #tpu.memory_space<semaphore_mem>>)
    %add3A_110 = arith.constant 6 : i32
    %add3A_111 = arith.addi %mul3A_2, %add3A_110 : i32
    %dma_start3A_112 = arith.constant 6 : i32
    %dma_start3A_113 = arith.constant 6 : i32
    %dma_start3A_114 = arith.constant 0 : i32
    %dma_start3A_115 = tpu.memref_slice %arg7[%dma_start3A_112, %dma_start3A_114] : memref<10x40xi32, #tpu.memory_space<vmem>> -> memref<1x40xi32, #tpu.memory_space<vmem>>
    %dma_start3A_116 = tpu.memref_squeeze %dma_start3A_115 : memref<1x40xi32, #tpu.memory_space<vmem>> -> memref<40xi32, #tpu.memory_space<vmem>>
    %dma_start3A_117 = arith.constant 0 : i32
    %dma_start3A_118 = tpu.memref_slice %arg2[%add3A_111, %dma_start3A_117] : memref<20480x40xi32, #tpu.memory_space<hbm>> -> memref<1x40xi32, #tpu.memory_space<hbm>>
    %dma_start3A_119 = tpu.memref_squeeze %dma_start3A_118 : memref<1x40xi32, #tpu.memory_space<hbm>> -> memref<40xi32, #tpu.memory_space<hbm>>
    %dma_start3A_120 = tpu.memref_slice %arg9[%dma_start3A_113] : memref<10x!tpu.dma_semaphore, #tpu.memory_space<semaphore_mem>> -> memref<1x!tpu.dma_semaphore, #tpu.memory_space<semaphore_mem>>
    %dma_start3A_121 = tpu.memref_squeeze %dma_start3A_120 : memref<1x!tpu.dma_semaphore, #tpu.memory_space<semaphore_mem>> -> memref<!tpu.dma_semaphore, #tpu.memory_space<semaphore_mem>>
    %dma_start3A_122 = arith.constant 0 : i32
    %dma_start3A_123 = tpu.memref_slice %arg7[%dma_start3A_112, %dma_start3A_122] : memref<10x40xi32, #tpu.memory_space<vmem>> -> memref<1x40xi32, #tpu.memory_space<vmem>>
    %dma_start3A_124 = tpu.memref_squeeze %dma_start3A_123 : memref<1x40xi32, #tpu.memory_space<vmem>> -> memref<40xi32, #tpu.memory_space<vmem>>
    %dma_start3A_125 = arith.constant 0 : i32
    %dma_start3A_126 = tpu.memref_slice %arg2[%add3A_111, %dma_start3A_125] : memref<20480x40xi32, #tpu.memory_space<hbm>> -> memref<1x40xi32, #tpu.memory_space<hbm>>
    %dma_start3A_127 = tpu.memref_squeeze %dma_start3A_126 : memref<1x40xi32, #tpu.memory_space<hbm>> -> memref<40xi32, #tpu.memory_space<hbm>>
    tpu.enqueue_dma source(%dma_start3A_127 : memref<40xi32, #tpu.memory_space<hbm>>) target(%dma_start3A_124 : memref<40xi32, #tpu.memory_space<vmem>>) target_semaphore(%dma_start3A_121 : memref<!tpu.dma_semaphore, #tpu.memory_space<semaphore_mem>>)
    %add3A_128 = arith.constant 7 : i32
    %add3A_129 = arith.addi %mul3A_2, %add3A_128 : i32
    %dma_start3A_130 = arith.constant 7 : i32
    %dma_start3A_131 = arith.constant 7 : i32
    %dma_start3A_132 = arith.constant 0 : i32
    %dma_start3A_133 = tpu.memref_slice %arg7[%dma_start3A_130, %dma_start3A_132] : memref<10x40xi32, #tpu.memory_space<vmem>> -> memref<1x40xi32, #tpu.memory_space<vmem>>
    %dma_start3A_134 = tpu.memref_squeeze %dma_start3A_133 : memref<1x40xi32, #tpu.memory_space<vmem>> -> memref<40xi32, #tpu.memory_space<vmem>>
    %dma_start3A_135 = arith.constant 0 : i32
    %dma_start3A_136 = tpu.memref_slice %arg2[%add3A_129, %dma_start3A_135] : memref<20480x40xi32, #tpu.memory_space<hbm>> -> memref<1x40xi32, #tpu.memory_space<hbm>>
    %dma_start3A_137 = tpu.memref_squeeze %dma_start3A_136 : memref<1x40xi32, #tpu.memory_space<hbm>> -> memref<40xi32, #tpu.memory_space<hbm>>
    %dma_start3A_138 = tpu.memref_slice %arg9[%dma_start3A_131] : memref<10x!tpu.dma_semaphore, #tpu.memory_space<semaphore_mem>> -> memref<1x!tpu.dma_semaphore, #tpu.memory_space<semaphore_mem>>
    %dma_start3A_139 = tpu.memref_squeeze %dma_start3A_138 : memref<1x!tpu.dma_semaphore, #tpu.memory_space<semaphore_mem>> -> memref<!tpu.dma_semaphore, #tpu.memory_space<semaphore_mem>>
    %dma_start3A_140 = arith.constant 0 : i32
    %dma_start3A_141 = tpu.memref_slice %arg7[%dma_start3A_130, %dma_start3A_140] : memref<10x40xi32, #tpu.memory_space<vmem>> -> memref<1x40xi32, #tpu.memory_space<vmem>>
    %dma_start3A_142 = tpu.memref_squeeze %dma_start3A_141 : memref<1x40xi32, #tpu.memory_space<vmem>> -> memref<40xi32, #tpu.memory_space<vmem>>
    %dma_start3A_143 = arith.constant 0 : i32
    %dma_start3A_144 = tpu.memref_slice %arg2[%add3A_129, %dma_start3A_143] : memref<20480x40xi32, #tpu.memory_space<hbm>> -> memref<1x40xi32, #tpu.memory_space<hbm>>
    %dma_start3A_145 = tpu.memref_squeeze %dma_start3A_144 : memref<1x40xi32, #tpu.memory_space<hbm>> -> memref<40xi32, #tpu.memory_space<hbm>>
    tpu.enqueue_dma source(%dma_start3A_145 : memref<40xi32, #tpu.memory_space<hbm>>) target(%dma_start3A_142 : memref<40xi32, #tpu.memory_space<vmem>>) target_semaphore(%dma_start3A_139 : memref<!tpu.dma_semaphore, #tpu.memory_space<semaphore_mem>>)
    %add3A_146 = arith.constant 8 : i32
    %add3A_147 = arith.addi %mul3A_2, %add3A_146 : i32
    %dma_start3A_148 = arith.constant 8 : i32
    %dma_start3A_149 = arith.constant 8 : i32
    %dma_start3A_150 = arith.constant 0 : i32
    %dma_start3A_151 = tpu.memref_slice %arg7[%dma_start3A_148, %dma_start3A_150] : memref<10x40xi32, #tpu.memory_space<vmem>> -> memref<1x40xi32, #tpu.memory_space<vmem>>
    %dma_start3A_152 = tpu.memref_squeeze %dma_start3A_151 : memref<1x40xi32, #tpu.memory_space<vmem>> -> memref<40xi32, #tpu.memory_space<vmem>>
    %dma_start3A_153 = arith.constant 0 : i32
    %dma_start3A_154 = tpu.memref_slice %arg2[%add3A_147, %dma_start3A_153] : memref<20480x40xi32, #tpu.memory_space<hbm>> -> memref<1x40xi32, #tpu.memory_space<hbm>>
    %dma_start3A_155 = tpu.memref_squeeze %dma_start3A_154 : memref<1x40xi32, #tpu.memory_space<hbm>> -> memref<40xi32, #tpu.memory_space<hbm>>
    %dma_start3A_156 = tpu.memref_slice %arg9[%dma_start3A_149] : memref<10x!tpu.dma_semaphore, #tpu.memory_space<semaphore_mem>> -> memref<1x!tpu.dma_semaphore, #tpu.memory_space<semaphore_mem>>
    %dma_start3A_157 = tpu.memref_squeeze %dma_start3A_156 : memref<1x!tpu.dma_semaphore, #tpu.memory_space<semaphore_mem>> -> memref<!tpu.dma_semaphore, #tpu.memory_space<semaphore_mem>>
    %dma_start3A_158 = arith.constant 0 : i32
    %dma_start3A_159 = tpu.memref_slice %arg7[%dma_start3A_148, %dma_start3A_158] : memref<10x40xi32, #tpu.memory_space<vmem>> -> memref<1x40xi32, #tpu.memory_space<vmem>>
    %dma_start3A_160 = tpu.memref_squeeze %dma_start3A_159 : memref<1x40xi32, #tpu.memory_space<vmem>> -> memref<40xi32, #tpu.memory_space<vmem>>
    %dma_start3A_161 = arith.constant 0 : i32
    %dma_start3A_162 = tpu.memref_slice %arg2[%add3A_147, %dma_start3A_161] : memref<20480x40xi32, #tpu.memory_space<hbm>> -> memref<1x40xi32, #tpu.memory_space<hbm>>
    %dma_start3A_163 = tpu.memref_squeeze %dma_start3A_162 : memref<1x40xi32, #tpu.memory_space<hbm>> -> memref<40xi32, #tpu.memory_space<hbm>>
    tpu.enqueue_dma source(%dma_start3A_163 : memref<40xi32, #tpu.memory_space<hbm>>) target(%dma_start3A_160 : memref<40xi32, #tpu.memory_space<vmem>>) target_semaphore(%dma_start3A_157 : memref<!tpu.dma_semaphore, #tpu.memory_space<semaphore_mem>>)
    %add3A_164 = arith.constant 9 : i32
    %add3A_165 = arith.addi %mul3A_2, %add3A_164 : i32
    %dma_start3A_166 = arith.constant 9 : i32
    %dma_start3A_167 = arith.constant 9 : i32
    %dma_start3A_168 = arith.constant 0 : i32
    %dma_start3A_169 = tpu.memref_slice %arg7[%dma_start3A_166, %dma_start3A_168] : memref<10x40xi32, #tpu.memory_space<vmem>> -> memref<1x40xi32, #tpu.memory_space<vmem>>
    %dma_start3A_170 = tpu.memref_squeeze %dma_start3A_169 : memref<1x40xi32, #tpu.memory_space<vmem>> -> memref<40xi32, #tpu.memory_space<vmem>>
    %dma_start3A_171 = arith.constant 0 : i32
    %dma_start3A_172 = tpu.memref_slice %arg2[%add3A_165, %dma_start3A_171] : memref<20480x40xi32, #tpu.memory_space<hbm>> -> memref<1x40xi32, #tpu.memory_space<hbm>>
    %dma_start3A_173 = tpu.memref_squeeze %dma_start3A_172 : memref<1x40xi32, #tpu.memory_space<hbm>> -> memref<40xi32, #tpu.memory_space<hbm>>
    %dma_start3A_174 = tpu.memref_slice %arg9[%dma_start3A_167] : memref<10x!tpu.dma_semaphore, #tpu.memory_space<semaphore_mem>> -> memref<1x!tpu.dma_semaphore, #tpu.memory_space<semaphore_mem>>
    %dma_start3A_175 = tpu.memref_squeeze %dma_start3A_174 : memref<1x!tpu.dma_semaphore, #tpu.memory_space<semaphore_mem>> -> memref<!tpu.dma_semaphore, #tpu.memory_space<semaphore_mem>>
    %dma_start3A_176 = arith.constant 0 : i32
    %dma_start3A_177 = tpu.memref_slice %arg7[%dma_start3A_166, %dma_start3A_176] : memref<10x40xi32, #tpu.memory_space<vmem>> -> memref<1x40xi32, #tpu.memory_space<vmem>>
    %dma_start3A_178 = tpu.memref_squeeze %dma_start3A_177 : memref<1x40xi32, #tpu.memory_space<vmem>> -> memref<40xi32, #tpu.memory_space<vmem>>
    %dma_start3A_179 = arith.constant 0 : i32
    %dma_start3A_180 = tpu.memref_slice %arg2[%add3A_165, %dma_start3A_179] : memref<20480x40xi32, #tpu.memory_space<hbm>> -> memref<1x40xi32, #tpu.memory_space<hbm>>
    %dma_start3A_181 = tpu.memref_squeeze %dma_start3A_180 : memref<1x40xi32, #tpu.memory_space<hbm>> -> memref<40xi32, #tpu.memory_space<hbm>>
    tpu.enqueue_dma source(%dma_start3A_181 : memref<40xi32, #tpu.memory_space<hbm>>) target(%dma_start3A_178 : memref<40xi32, #tpu.memory_space<vmem>>) target_semaphore(%dma_start3A_175 : memref<!tpu.dma_semaphore, #tpu.memory_space<semaphore_mem>>)
    %add3A_182 = arith.constant 0 : i32
    %add3A_183 = arith.addi %mul3A_2, %add3A_182 : i32
    %dma_wait3A = arith.constant 0 : i32
    %dma_wait3A_184 = arith.constant 0 : i32
    %dma_wait3A_185 = arith.constant 0 : i32
    %dma_wait3A_186 = tpu.memref_slice %arg7[%dma_wait3A, %dma_wait3A_185] : memref<10x40xi32, #tpu.memory_space<vmem>> -> memref<1x40xi32, #tpu.memory_space<vmem>>
    %dma_wait3A_187 = tpu.memref_squeeze %dma_wait3A_186 : memref<1x40xi32, #tpu.memory_space<vmem>> -> memref<40xi32, #tpu.memory_space<vmem>>
    %dma_wait3A_188 = arith.constant 0 : i32
    %dma_wait3A_189 = tpu.memref_slice %arg2[%add3A_183, %dma_wait3A_188] : memref<20480x40xi32, #tpu.memory_space<hbm>> -> memref<1x40xi32, #tpu.memory_space<hbm>>
    %dma_wait3A_190 = tpu.memref_squeeze %dma_wait3A_189 : memref<1x40xi32, #tpu.memory_space<hbm>> -> memref<40xi32, #tpu.memory_space<hbm>>
    %dma_wait3A_191 = tpu.memref_slice %arg9[%dma_wait3A_184] : memref<10x!tpu.dma_semaphore, #tpu.memory_space<semaphore_mem>> -> memref<1x!tpu.dma_semaphore, #tpu.memory_space<semaphore_mem>>
    %dma_wait3A_192 = tpu.memref_squeeze %dma_wait3A_191 : memref<1x!tpu.dma_semaphore, #tpu.memory_space<semaphore_mem>> -> memref<!tpu.dma_semaphore, #tpu.memory_space<semaphore_mem>>
    %dma_wait3A_193 = arith.constant 0 : i32
    %dma_wait3A_194 = tpu.memref_slice %arg7[%dma_wait3A, %dma_wait3A_193] : memref<10x40xi32, #tpu.memory_space<vmem>> -> memref<1x40xi32, #tpu.memory_space<vmem>>
    %dma_wait3A_195 = tpu.memref_squeeze %dma_wait3A_194 : memref<1x40xi32, #tpu.memory_space<vmem>> -> memref<40xi32, #tpu.memory_space<vmem>>
    %dma_wait3A_196 = arith.constant 0 : i32
    %dma_wait3A_197 = tpu.memref_slice %arg2[%add3A_183, %dma_wait3A_196] : memref<20480x40xi32, #tpu.memory_space<hbm>> -> memref<1x40xi32, #tpu.memory_space<hbm>>
    %dma_wait3A_198 = tpu.memref_squeeze %dma_wait3A_197 : memref<1x40xi32, #tpu.memory_space<hbm>> -> memref<40xi32, #tpu.memory_space<hbm>>
    tpu.wait_dma2 semaphore(%dma_wait3A_192 : memref<!tpu.dma_semaphore, #tpu.memory_space<semaphore_mem>>) src(%dma_wait3A_198 : memref<40xi32, #tpu.memory_space<hbm>>) dst(%dma_wait3A_195 : memref<40xi32, #tpu.memory_space<vmem>>)
    %dma_start3A_199 = arith.constant 0 : i32
    %dma_start3A_200 = arith.constant 0 : i32
    %dma_start3A_201 = arith.constant 0 : i32
    %dma_start3A_202 = arith.constant 0 : i32
    %dma_start3A_203 = arith.constant 0 : i32
    %dma_start3A_204 = tpu.memref_slice %arg8[%dma_start3A_200, %dma_start3A_202, %dma_start3A_203] : memref<10x40x128xf32, #tpu.memory_space<vmem>> -> memref<1x40x128xf32, #tpu.memory_space<vmem>>
    %dma_start3A_205 = tpu.memref_squeeze %dma_start3A_204 : memref<1x40x128xf32, #tpu.memory_space<vmem>> -> memref<40x128xf32, #tpu.memory_space<vmem>>
    %dma_start3A_206 = arith.constant 0 : i32
    %dma_start3A_207 = tpu.memref_slice %arg7[%dma_start3A_199, %dma_start3A_206] : memref<10x40xi32, #tpu.memory_space<vmem>> -> memref<1x40xi32, #tpu.memory_space<vmem>>
    %dma_start3A_208 = tpu.memref_squeeze %dma_start3A_207 : memref<1x40xi32, #tpu.memory_space<vmem>> -> memref<40xi32, #tpu.memory_space<vmem>>
    %dma_start3A_209 = arith.constant 0 : i32
    %dma_start3A_210 = arith.constant 0 : i32
    %dma_start3A_211 = tpu.memref_slice %arg3[%dma_start3A_209, %dma_start3A_210] : memref<100000x128xf32, #tpu.memory_space<hbm>> -> memref<100000x128xf32, #tpu.memory_space<hbm>>
    %dma_start3A_212 = tpu.memref_slice %arg10[%dma_start3A_201] : memref<10x!tpu.dma_semaphore, #tpu.memory_space<semaphore_mem>> -> memref<1x!tpu.dma_semaphore, #tpu.memory_space<semaphore_mem>>
    %dma_start3A_213 = tpu.memref_squeeze %dma_start3A_212 : memref<1x!tpu.dma_semaphore, #tpu.memory_space<semaphore_mem>> -> memref<!tpu.dma_semaphore, #tpu.memory_space<semaphore_mem>>
    tpu.enqueue_indirect_dma source(%dma_start3A_211 : memref<100000x128xf32, #tpu.memory_space<hbm>>) target(%dma_start3A_205 : memref<40x128xf32, #tpu.memory_space<vmem>>) offsets(%dma_start3A_208 : memref<40xi32, #tpu.memory_space<vmem>>) semaphore(%dma_start3A_213 : memref<!tpu.dma_semaphore, #tpu.memory_space<semaphore_mem>>)
    %add3A_214 = arith.constant 1 : i32
    %add3A_215 = arith.addi %mul3A_2, %add3A_214 : i32
    %dma_wait3A_216 = arith.constant 1 : i32
    %dma_wait3A_217 = arith.constant 1 : i32
    %dma_wait3A_218 = arith.constant 0 : i32
    %dma_wait3A_219 = tpu.memref_slice %arg7[%dma_wait3A_216, %dma_wait3A_218] : memref<10x40xi32, #tpu.memory_space<vmem>> -> memref<1x40xi32, #tpu.memory_space<vmem>>
    %dma_wait3A_220 = tpu.memref_squeeze %dma_wait3A_219 : memref<1x40xi32, #tpu.memory_space<vmem>> -> memref<40xi32, #tpu.memory_space<vmem>>
    %dma_wait3A_221 = arith.constant 0 : i32
    %dma_wait3A_222 = tpu.memref_slice %arg2[%add3A_215, %dma_wait3A_221] : memref<20480x40xi32, #tpu.memory_space<hbm>> -> memref<1x40xi32, #tpu.memory_space<hbm>>
    %dma_wait3A_223 = tpu.memref_squeeze %dma_wait3A_222 : memref<1x40xi32, #tpu.memory_space<hbm>> -> memref<40xi32, #tpu.memory_space<hbm>>
    %dma_wait3A_224 = tpu.memref_slice %arg9[%dma_wait3A_217] : memref<10x!tpu.dma_semaphore, #tpu.memory_space<semaphore_mem>> -> memref<1x!tpu.dma_semaphore, #tpu.memory_space<semaphore_mem>>
    %dma_wait3A_225 = tpu.memref_squeeze %dma_wait3A_224 : memref<1x!tpu.dma_semaphore, #tpu.memory_space<semaphore_mem>> -> memref<!tpu.dma_semaphore, #tpu.memory_space<semaphore_mem>>
    %dma_wait3A_226 = arith.constant 0 : i32
    %dma_wait3A_227 = tpu.memref_slice %arg7[%dma_wait3A_216, %dma_wait3A_226] : memref<10x40xi32, #tpu.memory_space<vmem>> -> memref<1x40xi32, #tpu.memory_space<vmem>>
    %dma_wait3A_228 = tpu.memref_squeeze %dma_wait3A_227 : memref<1x40xi32, #tpu.memory_space<vmem>> -> memref<40xi32, #tpu.memory_space<vmem>>
    %dma_wait3A_229 = arith.constant 0 : i32
    %dma_wait3A_230 = tpu.memref_slice %arg2[%add3A_215, %dma_wait3A_229] : memref<20480x40xi32, #tpu.memory_space<hbm>> -> memref<1x40xi32, #tpu.memory_space<hbm>>
    %dma_wait3A_231 = tpu.memref_squeeze %dma_wait3A_230 : memref<1x40xi32, #tpu.memory_space<hbm>> -> memref<40xi32, #tpu.memory_space<hbm>>
    tpu.wait_dma2 semaphore(%dma_wait3A_225 : memref<!tpu.dma_semaphore, #tpu.memory_space<semaphore_mem>>) src(%dma_wait3A_231 : memref<40xi32, #tpu.memory_space<hbm>>) dst(%dma_wait3A_228 : memref<40xi32, #tpu.memory_space<vmem>>)
    %dma_start3A_232 = arith.constant 1 : i32
    %dma_start3A_233 = arith.constant 1 : i32
    %dma_start3A_234 = arith.constant 1 : i32
    %dma_start3A_235 = arith.constant 0 : i32
    %dma_start3A_236 = arith.constant 0 : i32
    %dma_start3A_237 = tpu.memref_slice %arg8[%dma_start3A_233, %dma_start3A_235, %dma_start3A_236] : memref<10x40x128xf32, #tpu.memory_space<vmem>> -> memref<1x40x128xf32, #tpu.memory_space<vmem>>
    %dma_start3A_238 = tpu.memref_squeeze %dma_start3A_237 : memref<1x40x128xf32, #tpu.memory_space<vmem>> -> memref<40x128xf32, #tpu.memory_space<vmem>>
    %dma_start3A_239 = arith.constant 0 : i32
    %dma_start3A_240 = tpu.memref_slice %arg7[%dma_start3A_232, %dma_start3A_239] : memref<10x40xi32, #tpu.memory_space<vmem>> -> memref<1x40xi32, #tpu.memory_space<vmem>>
    %dma_start3A_241 = tpu.memref_squeeze %dma_start3A_240 : memref<1x40xi32, #tpu.memory_space<vmem>> -> memref<40xi32, #tpu.memory_space<vmem>>
    %dma_start3A_242 = arith.constant 0 : i32
    %dma_start3A_243 = arith.constant 0 : i32
    %dma_start3A_244 = tpu.memref_slice %arg3[%dma_start3A_242, %dma_start3A_243] : memref<100000x128xf32, #tpu.memory_space<hbm>> -> memref<100000x128xf32, #tpu.memory_space<hbm>>
    %dma_start3A_245 = tpu.memref_slice %arg10[%dma_start3A_234] : memref<10x!tpu.dma_semaphore, #tpu.memory_space<semaphore_mem>> -> memref<1x!tpu.dma_semaphore, #tpu.memory_space<semaphore_mem>>
    %dma_start3A_246 = tpu.memref_squeeze %dma_start3A_245 : memref<1x!tpu.dma_semaphore, #tpu.memory_space<semaphore_mem>> -> memref<!tpu.dma_semaphore, #tpu.memory_space<semaphore_mem>>
    tpu.enqueue_indirect_dma source(%dma_start3A_244 : memref<100000x128xf32, #tpu.memory_space<hbm>>) target(%dma_start3A_238 : memref<40x128xf32, #tpu.memory_space<vmem>>) offsets(%dma_start3A_241 : memref<40xi32, #tpu.memory_space<vmem>>) semaphore(%dma_start3A_246 : memref<!tpu.dma_semaphore, #tpu.memory_space<semaphore_mem>>)
    %add3A_247 = arith.constant 2 : i32
    %add3A_248 = arith.addi %mul3A_2, %add3A_247 : i32
    %dma_wait3A_249 = arith.constant 2 : i32
    %dma_wait3A_250 = arith.constant 2 : i32
    %dma_wait3A_251 = arith.constant 0 : i32
    %dma_wait3A_252 = tpu.memref_slice %arg7[%dma_wait3A_249, %dma_wait3A_251] : memref<10x40xi32, #tpu.memory_space<vmem>> -> memref<1x40xi32, #tpu.memory_space<vmem>>
    %dma_wait3A_253 = tpu.memref_squeeze %dma_wait3A_252 : memref<1x40xi32, #tpu.memory_space<vmem>> -> memref<40xi32, #tpu.memory_space<vmem>>
    %dma_wait3A_254 = arith.constant 0 : i32
    %dma_wait3A_255 = tpu.memref_slice %arg2[%add3A_248, %dma_wait3A_254] : memref<20480x40xi32, #tpu.memory_space<hbm>> -> memref<1x40xi32, #tpu.memory_space<hbm>>
    %dma_wait3A_256 = tpu.memref_squeeze %dma_wait3A_255 : memref<1x40xi32, #tpu.memory_space<hbm>> -> memref<40xi32, #tpu.memory_space<hbm>>
    %dma_wait3A_257 = tpu.memref_slice %arg9[%dma_wait3A_250] : memref<10x!tpu.dma_semaphore, #tpu.memory_space<semaphore_mem>> -> memref<1x!tpu.dma_semaphore, #tpu.memory_space<semaphore_mem>>
    %dma_wait3A_258 = tpu.memref_squeeze %dma_wait3A_257 : memref<1x!tpu.dma_semaphore, #tpu.memory_space<semaphore_mem>> -> memref<!tpu.dma_semaphore, #tpu.memory_space<semaphore_mem>>
    %dma_wait3A_259 = arith.constant 0 : i32
    %dma_wait3A_260 = tpu.memref_slice %arg7[%dma_wait3A_249, %dma_wait3A_259] : memref<10x40xi32, #tpu.memory_space<vmem>> -> memref<1x40xi32, #tpu.memory_space<vmem>>
    %dma_wait3A_261 = tpu.memref_squeeze %dma_wait3A_260 : memref<1x40xi32, #tpu.memory_space<vmem>> -> memref<40xi32, #tpu.memory_space<vmem>>
    %dma_wait3A_262 = arith.constant 0 : i32
    %dma_wait3A_263 = tpu.memref_slice %arg2[%add3A_248, %dma_wait3A_262] : memref<20480x40xi32, #tpu.memory_space<hbm>> -> memref<1x40xi32, #tpu.memory_space<hbm>>
    %dma_wait3A_264 = tpu.memref_squeeze %dma_wait3A_263 : memref<1x40xi32, #tpu.memory_space<hbm>> -> memref<40xi32, #tpu.memory_space<hbm>>
    tpu.wait_dma2 semaphore(%dma_wait3A_258 : memref<!tpu.dma_semaphore, #tpu.memory_space<semaphore_mem>>) src(%dma_wait3A_264 : memref<40xi32, #tpu.memory_space<hbm>>) dst(%dma_wait3A_261 : memref<40xi32, #tpu.memory_space<vmem>>)
    %dma_start3A_265 = arith.constant 2 : i32
    %dma_start3A_266 = arith.constant 2 : i32
    %dma_start3A_267 = arith.constant 2 : i32
    %dma_start3A_268 = arith.constant 0 : i32
    %dma_start3A_269 = arith.constant 0 : i32
    %dma_start3A_270 = tpu.memref_slice %arg8[%dma_start3A_266, %dma_start3A_268, %dma_start3A_269] : memref<10x40x128xf32, #tpu.memory_space<vmem>> -> memref<1x40x128xf32, #tpu.memory_space<vmem>>
    %dma_start3A_271 = tpu.memref_squeeze %dma_start3A_270 : memref<1x40x128xf32, #tpu.memory_space<vmem>> -> memref<40x128xf32, #tpu.memory_space<vmem>>
    %dma_start3A_272 = arith.constant 0 : i32
    %dma_start3A_273 = tpu.memref_slice %arg7[%dma_start3A_265, %dma_start3A_272] : memref<10x40xi32, #tpu.memory_space<vmem>> -> memref<1x40xi32, #tpu.memory_space<vmem>>
    %dma_start3A_274 = tpu.memref_squeeze %dma_start3A_273 : memref<1x40xi32, #tpu.memory_space<vmem>> -> memref<40xi32, #tpu.memory_space<vmem>>
    %dma_start3A_275 = arith.constant 0 : i32
    %dma_start3A_276 = arith.constant 0 : i32
    %dma_start3A_277 = tpu.memref_slice %arg3[%dma_start3A_275, %dma_start3A_276] : memref<100000x128xf32, #tpu.memory_space<hbm>> -> memref<100000x128xf32, #tpu.memory_space<hbm>>
    %dma_start3A_278 = tpu.memref_slice %arg10[%dma_start3A_267] : memref<10x!tpu.dma_semaphore, #tpu.memory_space<semaphore_mem>> -> memref<1x!tpu.dma_semaphore, #tpu.memory_space<semaphore_mem>>
    %dma_start3A_279 = tpu.memref_squeeze %dma_start3A_278 : memref<1x!tpu.dma_semaphore, #tpu.memory_space<semaphore_mem>> -> memref<!tpu.dma_semaphore, #tpu.memory_space<semaphore_mem>>
    tpu.enqueue_indirect_dma source(%dma_start3A_277 : memref<100000x128xf32, #tpu.memory_space<hbm>>) target(%dma_start3A_271 : memref<40x128xf32, #tpu.memory_space<vmem>>) offsets(%dma_start3A_274 : memref<40xi32, #tpu.memory_space<vmem>>) semaphore(%dma_start3A_279 : memref<!tpu.dma_semaphore, #tpu.memory_space<semaphore_mem>>)
    %add3A_280 = arith.constant 3 : i32
    %add3A_281 = arith.addi %mul3A_2, %add3A_280 : i32
    %dma_wait3A_282 = arith.constant 3 : i32
    %dma_wait3A_283 = arith.constant 3 : i32
    %dma_wait3A_284 = arith.constant 0 : i32
    %dma_wait3A_285 = tpu.memref_slice %arg7[%dma_wait3A_282, %dma_wait3A_284] : memref<10x40xi32, #tpu.memory_space<vmem>> -> memref<1x40xi32, #tpu.memory_space<vmem>>
    %dma_wait3A_286 = tpu.memref_squeeze %dma_wait3A_285 : memref<1x40xi32, #tpu.memory_space<vmem>> -> memref<40xi32, #tpu.memory_space<vmem>>
    %dma_wait3A_287 = arith.constant 0 : i32
    %dma_wait3A_288 = tpu.memref_slice %arg2[%add3A_281, %dma_wait3A_287] : memref<20480x40xi32, #tpu.memory_space<hbm>> -> memref<1x40xi32, #tpu.memory_space<hbm>>
    %dma_wait3A_289 = tpu.memref_squeeze %dma_wait3A_288 : memref<1x40xi32, #tpu.memory_space<hbm>> -> memref<40xi32, #tpu.memory_space<hbm>>
    %dma_wait3A_290 = tpu.memref_slice %arg9[%dma_wait3A_283] : memref<10x!tpu.dma_semaphore, #tpu.memory_space<semaphore_mem>> -> memref<1x!tpu.dma_semaphore, #tpu.memory_space<semaphore_mem>>
    %dma_wait3A_291 = tpu.memref_squeeze %dma_wait3A_290 : memref<1x!tpu.dma_semaphore, #tpu.memory_space<semaphore_mem>> -> memref<!tpu.dma_semaphore, #tpu.memory_space<semaphore_mem>>
    %dma_wait3A_292 = arith.constant 0 : i32
    %dma_wait3A_293 = tpu.memref_slice %arg7[%dma_wait3A_282, %dma_wait3A_292] : memref<10x40xi32, #tpu.memory_space<vmem>> -> memref<1x40xi32, #tpu.memory_space<vmem>>
    %dma_wait3A_294 = tpu.memref_squeeze %dma_wait3A_293 : memref<1x40xi32, #tpu.memory_space<vmem>> -> memref<40xi32, #tpu.memory_space<vmem>>
    %dma_wait3A_295 = arith.constant 0 : i32
    %dma_wait3A_296 = tpu.memref_slice %arg2[%add3A_281, %dma_wait3A_295] : memref<20480x40xi32, #tpu.memory_space<hbm>> -> memref<1x40xi32, #tpu.memory_space<hbm>>
    %dma_wait3A_297 = tpu.memref_squeeze %dma_wait3A_296 : memref<1x40xi32, #tpu.memory_space<hbm>> -> memref<40xi32, #tpu.memory_space<hbm>>
    tpu.wait_dma2 semaphore(%dma_wait3A_291 : memref<!tpu.dma_semaphore, #tpu.memory_space<semaphore_mem>>) src(%dma_wait3A_297 : memref<40xi32, #tpu.memory_space<hbm>>) dst(%dma_wait3A_294 : memref<40xi32, #tpu.memory_space<vmem>>)
    %dma_start3A_298 = arith.constant 3 : i32
    %dma_start3A_299 = arith.constant 3 : i32
    %dma_start3A_300 = arith.constant 3 : i32
    %dma_start3A_301 = arith.constant 0 : i32
    %dma_start3A_302 = arith.constant 0 : i32
    %dma_start3A_303 = tpu.memref_slice %arg8[%dma_start3A_299, %dma_start3A_301, %dma_start3A_302] : memref<10x40x128xf32, #tpu.memory_space<vmem>> -> memref<1x40x128xf32, #tpu.memory_space<vmem>>
    %dma_start3A_304 = tpu.memref_squeeze %dma_start3A_303 : memref<1x40x128xf32, #tpu.memory_space<vmem>> -> memref<40x128xf32, #tpu.memory_space<vmem>>
    %dma_start3A_305 = arith.constant 0 : i32
    %dma_start3A_306 = tpu.memref_slice %arg7[%dma_start3A_298, %dma_start3A_305] : memref<10x40xi32, #tpu.memory_space<vmem>> -> memref<1x40xi32, #tpu.memory_space<vmem>>
    %dma_start3A_307 = tpu.memref_squeeze %dma_start3A_306 : memref<1x40xi32, #tpu.memory_space<vmem>> -> memref<40xi32, #tpu.memory_space<vmem>>
    %dma_start3A_308 = arith.constant 0 : i32
    %dma_start3A_309 = arith.constant 0 : i32
    %dma_start3A_310 = tpu.memref_slice %arg3[%dma_start3A_308, %dma_start3A_309] : memref<100000x128xf32, #tpu.memory_space<hbm>> -> memref<100000x128xf32, #tpu.memory_space<hbm>>
    %dma_start3A_311 = tpu.memref_slice %arg10[%dma_start3A_300] : memref<10x!tpu.dma_semaphore, #tpu.memory_space<semaphore_mem>> -> memref<1x!tpu.dma_semaphore, #tpu.memory_space<semaphore_mem>>
    %dma_start3A_312 = tpu.memref_squeeze %dma_start3A_311 : memref<1x!tpu.dma_semaphore, #tpu.memory_space<semaphore_mem>> -> memref<!tpu.dma_semaphore, #tpu.memory_space<semaphore_mem>>
    tpu.enqueue_indirect_dma source(%dma_start3A_310 : memref<100000x128xf32, #tpu.memory_space<hbm>>) target(%dma_start3A_304 : memref<40x128xf32, #tpu.memory_space<vmem>>) offsets(%dma_start3A_307 : memref<40xi32, #tpu.memory_space<vmem>>) semaphore(%dma_start3A_312 : memref<!tpu.dma_semaphore, #tpu.memory_space<semaphore_mem>>)
    %add3A_313 = arith.constant 4 : i32
    %add3A_314 = arith.addi %mul3A_2, %add3A_313 : i32
    %dma_wait3A_315 = arith.constant 4 : i32
    %dma_wait3A_316 = arith.constant 4 : i32
    %dma_wait3A_317 = arith.constant 0 : i32
    %dma_wait3A_318 = tpu.memref_slice %arg7[%dma_wait3A_315, %dma_wait3A_317] : memref<10x40xi32, #tpu.memory_space<vmem>> -> memref<1x40xi32, #tpu.memory_space<vmem>>
    %dma_wait3A_319 = tpu.memref_squeeze %dma_wait3A_318 : memref<1x40xi32, #tpu.memory_space<vmem>> -> memref<40xi32, #tpu.memory_space<vmem>>
    %dma_wait3A_320 = arith.constant 0 : i32
    %dma_wait3A_321 = tpu.memref_slice %arg2[%add3A_314, %dma_wait3A_320] : memref<20480x40xi32, #tpu.memory_space<hbm>> -> memref<1x40xi32, #tpu.memory_space<hbm>>
    %dma_wait3A_322 = tpu.memref_squeeze %dma_wait3A_321 : memref<1x40xi32, #tpu.memory_space<hbm>> -> memref<40xi32, #tpu.memory_space<hbm>>
    %dma_wait3A_323 = tpu.memref_slice %arg9[%dma_wait3A_316] : memref<10x!tpu.dma_semaphore, #tpu.memory_space<semaphore_mem>> -> memref<1x!tpu.dma_semaphore, #tpu.memory_space<semaphore_mem>>
    %dma_wait3A_324 = tpu.memref_squeeze %dma_wait3A_323 : memref<1x!tpu.dma_semaphore, #tpu.memory_space<semaphore_mem>> -> memref<!tpu.dma_semaphore, #tpu.memory_space<semaphore_mem>>
    %dma_wait3A_325 = arith.constant 0 : i32
    %dma_wait3A_326 = tpu.memref_slice %arg7[%dma_wait3A_315, %dma_wait3A_325] : memref<10x40xi32, #tpu.memory_space<vmem>> -> memref<1x40xi32, #tpu.memory_space<vmem>>
    %dma_wait3A_327 = tpu.memref_squeeze %dma_wait3A_326 : memref<1x40xi32, #tpu.memory_space<vmem>> -> memref<40xi32, #tpu.memory_space<vmem>>
    %dma_wait3A_328 = arith.constant 0 : i32
    %dma_wait3A_329 = tpu.memref_slice %arg2[%add3A_314, %dma_wait3A_328] : memref<20480x40xi32, #tpu.memory_space<hbm>> -> memref<1x40xi32, #tpu.memory_space<hbm>>
    %dma_wait3A_330 = tpu.memref_squeeze %dma_wait3A_329 : memref<1x40xi32, #tpu.memory_space<hbm>> -> memref<40xi32, #tpu.memory_space<hbm>>
    tpu.wait_dma2 semaphore(%dma_wait3A_324 : memref<!tpu.dma_semaphore, #tpu.memory_space<semaphore_mem>>) src(%dma_wait3A_330 : memref<40xi32, #tpu.memory_space<hbm>>) dst(%dma_wait3A_327 : memref<40xi32, #tpu.memory_space<vmem>>)
    %dma_start3A_331 = arith.constant 4 : i32
    %dma_start3A_332 = arith.constant 4 : i32
    %dma_start3A_333 = arith.constant 4 : i32
    %dma_start3A_334 = arith.constant 0 : i32
    %dma_start3A_335 = arith.constant 0 : i32
    %dma_start3A_336 = tpu.memref_slice %arg8[%dma_start3A_332, %dma_start3A_334, %dma_start3A_335] : memref<10x40x128xf32, #tpu.memory_space<vmem>> -> memref<1x40x128xf32, #tpu.memory_space<vmem>>
    %dma_start3A_337 = tpu.memref_squeeze %dma_start3A_336 : memref<1x40x128xf32, #tpu.memory_space<vmem>> -> memref<40x128xf32, #tpu.memory_space<vmem>>
    %dma_start3A_338 = arith.constant 0 : i32
    %dma_start3A_339 = tpu.memref_slice %arg7[%dma_start3A_331, %dma_start3A_338] : memref<10x40xi32, #tpu.memory_space<vmem>> -> memref<1x40xi32, #tpu.memory_space<vmem>>
    %dma_start3A_340 = tpu.memref_squeeze %dma_start3A_339 : memref<1x40xi32, #tpu.memory_space<vmem>> -> memref<40xi32, #tpu.memory_space<vmem>>
    %dma_start3A_341 = arith.constant 0 : i32
    %dma_start3A_342 = arith.constant 0 : i32
    %dma_start3A_343 = tpu.memref_slice %arg3[%dma_start3A_341, %dma_start3A_342] : memref<100000x128xf32, #tpu.memory_space<hbm>> -> memref<100000x128xf32, #tpu.memory_space<hbm>>
    %dma_start3A_344 = tpu.memref_slice %arg10[%dma_start3A_333] : memref<10x!tpu.dma_semaphore, #tpu.memory_space<semaphore_mem>> -> memref<1x!tpu.dma_semaphore, #tpu.memory_space<semaphore_mem>>
    %dma_start3A_345 = tpu.memref_squeeze %dma_start3A_344 : memref<1x!tpu.dma_semaphore, #tpu.memory_space<semaphore_mem>> -> memref<!tpu.dma_semaphore, #tpu.memory_space<semaphore_mem>>
    tpu.enqueue_indirect_dma source(%dma_start3A_343 : memref<100000x128xf32, #tpu.memory_space<hbm>>) target(%dma_start3A_337 : memref<40x128xf32, #tpu.memory_space<vmem>>) offsets(%dma_start3A_340 : memref<40xi32, #tpu.memory_space<vmem>>) semaphore(%dma_start3A_345 : memref<!tpu.dma_semaphore, #tpu.memory_space<semaphore_mem>>)
    %add3A_346 = arith.constant 5 : i32
    %add3A_347 = arith.addi %mul3A_2, %add3A_346 : i32
    %dma_wait3A_348 = arith.constant 5 : i32
    %dma_wait3A_349 = arith.constant 5 : i32
    %dma_wait3A_350 = arith.constant 0 : i32
    %dma_wait3A_351 = tpu.memref_slice %arg7[%dma_wait3A_348, %dma_wait3A_350] : memref<10x40xi32, #tpu.memory_space<vmem>> -> memref<1x40xi32, #tpu.memory_space<vmem>>
    %dma_wait3A_352 = tpu.memref_squeeze %dma_wait3A_351 : memref<1x40xi32, #tpu.memory_space<vmem>> -> memref<40xi32, #tpu.memory_space<vmem>>
    %dma_wait3A_353 = arith.constant 0 : i32
    %dma_wait3A_354 = tpu.memref_slice %arg2[%add3A_347, %dma_wait3A_353] : memref<20480x40xi32, #tpu.memory_space<hbm>> -> memref<1x40xi32, #tpu.memory_space<hbm>>
    %dma_wait3A_355 = tpu.memref_squeeze %dma_wait3A_354 : memref<1x40xi32, #tpu.memory_space<hbm>> -> memref<40xi32, #tpu.memory_space<hbm>>
    %dma_wait3A_356 = tpu.memref_slice %arg9[%dma_wait3A_349] : memref<10x!tpu.dma_semaphore, #tpu.memory_space<semaphore_mem>> -> memref<1x!tpu.dma_semaphore, #tpu.memory_space<semaphore_mem>>
    %dma_wait3A_357 = tpu.memref_squeeze %dma_wait3A_356 : memref<1x!tpu.dma_semaphore, #tpu.memory_space<semaphore_mem>> -> memref<!tpu.dma_semaphore, #tpu.memory_space<semaphore_mem>>
    %dma_wait3A_358 = arith.constant 0 : i32
    %dma_wait3A_359 = tpu.memref_slice %arg7[%dma_wait3A_348, %dma_wait3A_358] : memref<10x40xi32, #tpu.memory_space<vmem>> -> memref<1x40xi32, #tpu.memory_space<vmem>>
    %dma_wait3A_360 = tpu.memref_squeeze %dma_wait3A_359 : memref<1x40xi32, #tpu.memory_space<vmem>> -> memref<40xi32, #tpu.memory_space<vmem>>
    %dma_wait3A_361 = arith.constant 0 : i32
    %dma_wait3A_362 = tpu.memref_slice %arg2[%add3A_347, %dma_wait3A_361] : memref<20480x40xi32, #tpu.memory_space<hbm>> -> memref<1x40xi32, #tpu.memory_space<hbm>>
    %dma_wait3A_363 = tpu.memref_squeeze %dma_wait3A_362 : memref<1x40xi32, #tpu.memory_space<hbm>> -> memref<40xi32, #tpu.memory_space<hbm>>
    tpu.wait_dma2 semaphore(%dma_wait3A_357 : memref<!tpu.dma_semaphore, #tpu.memory_space<semaphore_mem>>) src(%dma_wait3A_363 : memref<40xi32, #tpu.memory_space<hbm>>) dst(%dma_wait3A_360 : memref<40xi32, #tpu.memory_space<vmem>>)
    %dma_start3A_364 = arith.constant 5 : i32
    %dma_start3A_365 = arith.constant 5 : i32
    %dma_start3A_366 = arith.constant 5 : i32
    %dma_start3A_367 = arith.constant 0 : i32
    %dma_start3A_368 = arith.constant 0 : i32
    %dma_start3A_369 = tpu.memref_slice %arg8[%dma_start3A_365, %dma_start3A_367, %dma_start3A_368] : memref<10x40x128xf32, #tpu.memory_space<vmem>> -> memref<1x40x128xf32, #tpu.memory_space<vmem>>
    %dma_start3A_370 = tpu.memref_squeeze %dma_start3A_369 : memref<1x40x128xf32, #tpu.memory_space<vmem>> -> memref<40x128xf32, #tpu.memory_space<vmem>>
    %dma_start3A_371 = arith.constant 0 : i32
    %dma_start3A_372 = tpu.memref_slice %arg7[%dma_start3A_364, %dma_start3A_371] : memref<10x40xi32, #tpu.memory_space<vmem>> -> memref<1x40xi32, #tpu.memory_space<vmem>>
    %dma_start3A_373 = tpu.memref_squeeze %dma_start3A_372 : memref<1x40xi32, #tpu.memory_space<vmem>> -> memref<40xi32, #tpu.memory_space<vmem>>
    %dma_start3A_374 = arith.constant 0 : i32
    %dma_start3A_375 = arith.constant 0 : i32
    %dma_start3A_376 = tpu.memref_slice %arg3[%dma_start3A_374, %dma_start3A_375] : memref<100000x128xf32, #tpu.memory_space<hbm>> -> memref<100000x128xf32, #tpu.memory_space<hbm>>
    %dma_start3A_377 = tpu.memref_slice %arg10[%dma_start3A_366] : memref<10x!tpu.dma_semaphore, #tpu.memory_space<semaphore_mem>> -> memref<1x!tpu.dma_semaphore, #tpu.memory_space<semaphore_mem>>
    %dma_start3A_378 = tpu.memref_squeeze %dma_start3A_377 : memref<1x!tpu.dma_semaphore, #tpu.memory_space<semaphore_mem>> -> memref<!tpu.dma_semaphore, #tpu.memory_space<semaphore_mem>>
    tpu.enqueue_indirect_dma source(%dma_start3A_376 : memref<100000x128xf32, #tpu.memory_space<hbm>>) target(%dma_start3A_370 : memref<40x128xf32, #tpu.memory_space<vmem>>) offsets(%dma_start3A_373 : memref<40xi32, #tpu.memory_space<vmem>>) semaphore(%dma_start3A_378 : memref<!tpu.dma_semaphore, #tpu.memory_space<semaphore_mem>>)
    %scan3A = arith.constant 0 : i32
    %scan3A_379 = arith.constant 64 : i32
    %scan3A_380 = arith.addi %scan3A, %scan3A_379 : i32
    %scan3A_381 = arith.constant 1 : i32
    scf.for %scan3A_563 = %scan3A to %scan3A_380 step %scan3A_381  : i32 {
      %mul3A_564 = arith.constant 10 : i32
      %mul3A_565 = arith.muli %scan3A_563, %mul3A_564 : i32
      %add3A_566 = arith.constant 0 : i32
      %add3A_567 = arith.addi %add3A_566, %mul3A_565 : i32
      %add3A_568 = arith.constant 0 : i32
      %add3A_569 = arith.addi %add3A_567, %add3A_568 : i32
      %add3A_570 = arith.addi %mul3A_2, %add3A_569 : i32
      %dma_wait3A_571 = arith.constant 0 : i32
      %dma_wait3A_572 = arith.constant 0 : i32
      %dma_wait3A_573 = arith.constant 0 : i32
      %dma_wait3A_574 = arith.constant 0 : i32
      %dma_wait3A_575 = arith.constant 0 : i32
      %dma_wait3A_576 = tpu.memref_slice %arg8[%dma_wait3A_572, %dma_wait3A_574, %dma_wait3A_575] : memref<10x40x128xf32, #tpu.memory_space<vmem>> -> memref<1x40x128xf32, #tpu.memory_space<vmem>>
      %dma_wait3A_577 = tpu.memref_squeeze %dma_wait3A_576 : memref<1x40x128xf32, #tpu.memory_space<vmem>> -> memref<40x128xf32, #tpu.memory_space<vmem>>
      %dma_wait3A_578 = arith.constant 0 : i32
      %dma_wait3A_579 = tpu.memref_slice %arg7[%dma_wait3A_571, %dma_wait3A_578] : memref<10x40xi32, #tpu.memory_space<vmem>> -> memref<1x40xi32, #tpu.memory_space<vmem>>
      %dma_wait3A_580 = tpu.memref_squeeze %dma_wait3A_579 : memref<1x40xi32, #tpu.memory_space<vmem>> -> memref<40xi32, #tpu.memory_space<vmem>>
      %dma_wait3A_581 = arith.constant 0 : i32
      %dma_wait3A_582 = arith.constant 0 : i32
      %dma_wait3A_583 = tpu.memref_slice %arg3[%dma_wait3A_581, %dma_wait3A_582] : memref<100000x128xf32, #tpu.memory_space<hbm>> -> memref<100000x128xf32, #tpu.memory_space<hbm>>
      %dma_wait3A_584 = tpu.memref_slice %arg10[%dma_wait3A_573] : memref<10x!tpu.dma_semaphore, #tpu.memory_space<semaphore_mem>> -> memref<1x!tpu.dma_semaphore, #tpu.memory_space<semaphore_mem>>
      %dma_wait3A_585 = tpu.memref_squeeze %dma_wait3A_584 : memref<1x!tpu.dma_semaphore, #tpu.memory_space<semaphore_mem>> -> memref<!tpu.dma_semaphore, #tpu.memory_space<semaphore_mem>>
      tpu.wait_indirect_dma semaphore(%dma_wait3A_585 : memref<!tpu.dma_semaphore, #tpu.memory_space<semaphore_mem>>) src(%dma_wait3A_583 : memref<100000x128xf32, #tpu.memory_space<hbm>>) dst(%dma_wait3A_577 : memref<40x128xf32, #tpu.memory_space<vmem>>)
      %add3A_586 = arith.constant 10 : i32
      %add3A_587 = arith.addi %add3A_569, %add3A_586 : i32
      %lt3A = arith.constant 640 : i32
      %lt3A_588 = arith.cmpi slt, %add3A_587, %lt3A : i32
      %convert_element_type3A = arith.extui %lt3A_588 : i1 to i32
      %cond3A = arith.constant 0 : i32
      %cond3A_589 = arith.cmpi ne, %convert_element_type3A, %cond3A : i32
      scf.if %cond3A_589 {
        %add3A_1065 = arith.addi %mul3A_2, %add3A_569 : i32
        %add3A_1066 = arith.constant 10 : i32
        %add3A_1067 = arith.addi %add3A_1065, %add3A_1066 : i32
        %dma_start3A_1068 = arith.constant 0 : i32
        %dma_start3A_1069 = arith.constant 0 : i32
        %dma_start3A_1070 = arith.constant 0 : i32
        %dma_start3A_1071 = tpu.memref_slice %arg7[%dma_start3A_1068, %dma_start3A_1070] : memref<10x40xi32, #tpu.memory_space<vmem>> -> memref<1x40xi32, #tpu.memory_space<vmem>>
        %dma_start3A_1072 = tpu.memref_squeeze %dma_start3A_1071 : memref<1x40xi32, #tpu.memory_space<vmem>> -> memref<40xi32, #tpu.memory_space<vmem>>
        %dma_start3A_1073 = arith.constant 0 : i32
        %dma_start3A_1074 = tpu.memref_slice %arg2[%add3A_1067, %dma_start3A_1073] : memref<20480x40xi32, #tpu.memory_space<hbm>> -> memref<1x40xi32, #tpu.memory_space<hbm>>
        %dma_start3A_1075 = tpu.memref_squeeze %dma_start3A_1074 : memref<1x40xi32, #tpu.memory_space<hbm>> -> memref<40xi32, #tpu.memory_space<hbm>>
        %dma_start3A_1076 = tpu.memref_slice %arg9[%dma_start3A_1069] : memref<10x!tpu.dma_semaphore, #tpu.memory_space<semaphore_mem>> -> memref<1x!tpu.dma_semaphore, #tpu.memory_space<semaphore_mem>>
        %dma_start3A_1077 = tpu.memref_squeeze %dma_start3A_1076 : memref<1x!tpu.dma_semaphore, #tpu.memory_space<semaphore_mem>> -> memref<!tpu.dma_semaphore, #tpu.memory_space<semaphore_mem>>
        %dma_start3A_1078 = arith.constant 0 : i32
        %dma_start3A_1079 = tpu.memref_slice %arg7[%dma_start3A_1068, %dma_start3A_1078] : memref<10x40xi32, #tpu.memory_space<vmem>> -> memref<1x40xi32, #tpu.memory_space<vmem>>
        %dma_start3A_1080 = tpu.memref_squeeze %dma_start3A_1079 : memref<1x40xi32, #tpu.memory_space<vmem>> -> memref<40xi32, #tpu.memory_space<vmem>>
        %dma_start3A_1081 = arith.constant 0 : i32
        %dma_start3A_1082 = tpu.memref_slice %arg2[%add3A_1067, %dma_start3A_1081] : memref<20480x40xi32, #tpu.memory_space<hbm>> -> memref<1x40xi32, #tpu.memory_space<hbm>>
        %dma_start3A_1083 = tpu.memref_squeeze %dma_start3A_1082 : memref<1x40xi32, #tpu.memory_space<hbm>> -> memref<40xi32, #tpu.memory_space<hbm>>
        tpu.enqueue_dma source(%dma_start3A_1083 : memref<40xi32, #tpu.memory_space<hbm>>) target(%dma_start3A_1080 : memref<40xi32, #tpu.memory_space<vmem>>) target_semaphore(%dma_start3A_1077 : memref<!tpu.dma_semaphore, #tpu.memory_space<semaphore_mem>>)
      } else {
      }
      %mul3A_590 = arith.constant 40 : i32
      %mul3A_591 = arith.muli %add3A_570, %mul3A_590 : i32
      %dma_start3A_592 = arith.constant 0 : i32
      %dma_start3A_593 = arith.constant 0 : i32
      %dma_start3A_594 = arith.constant 0 : i32
      %dma_start3A_595 = arith.constant 0 : i32
      %dma_start3A_596 = tpu.memref_slice %arg8[%dma_start3A_592, %dma_start3A_594, %dma_start3A_595] : memref<10x40x128xf32, #tpu.memory_space<vmem>> -> memref<1x40x128xf32, #tpu.memory_space<vmem>>
      %dma_start3A_597 = tpu.memref_squeeze %dma_start3A_596 : memref<1x40x128xf32, #tpu.memory_space<vmem>> -> memref<40x128xf32, #tpu.memory_space<vmem>>
      %dma_start3A_598 = arith.constant 0 : i32
      %dma_start3A_599 = tpu.memref_slice %arg5[%mul3A_591, %dma_start3A_598] : memref<819200x128xf32, #tpu.memory_space<hbm>> -> memref<40x128xf32, #tpu.memory_space<hbm>>
      %dma_start3A_600 = tpu.memref_slice %arg11[%dma_start3A_593] : memref<10x!tpu.dma_semaphore, #tpu.memory_space<semaphore_mem>> -> memref<1x!tpu.dma_semaphore, #tpu.memory_space<semaphore_mem>>
      %dma_start3A_601 = tpu.memref_squeeze %dma_start3A_600 : memref<1x!tpu.dma_semaphore, #tpu.memory_space<semaphore_mem>> -> memref<!tpu.dma_semaphore, #tpu.memory_space<semaphore_mem>>
      %dma_start3A_602 = arith.constant 0 : i32
      %dma_start3A_603 = tpu.memref_slice %arg5[%mul3A_591, %dma_start3A_602] : memref<819200x128xf32, #tpu.memory_space<hbm>> -> memref<40x128xf32, #tpu.memory_space<hbm>>
      %dma_start3A_604 = arith.constant 0 : i32
      %dma_start3A_605 = arith.constant 0 : i32
      %dma_start3A_606 = tpu.memref_slice %arg8[%dma_start3A_592, %dma_start3A_604, %dma_start3A_605] : memref<10x40x128xf32, #tpu.memory_space<vmem>> -> memref<1x40x128xf32, #tpu.memory_space<vmem>>
      %dma_start3A_607 = tpu.memref_squeeze %dma_start3A_606 : memref<1x40x128xf32, #tpu.memory_space<vmem>> -> memref<40x128xf32, #tpu.memory_space<vmem>>
      tpu.enqueue_dma source(%dma_start3A_607 : memref<40x128xf32, #tpu.memory_space<vmem>>) target(%dma_start3A_603 : memref<40x128xf32, #tpu.memory_space<hbm>>) target_semaphore(%dma_start3A_601 : memref<!tpu.dma_semaphore, #tpu.memory_space<semaphore_mem>>)
      %add3A_608 = arith.constant 6 : i32
      %add3A_609 = arith.addi %add3A_569, %add3A_608 : i32
      %lt3A_610 = arith.constant 640 : i32
      %lt3A_611 = arith.cmpi slt, %add3A_609, %lt3A_610 : i32
      %convert_element_type3A_612 = arith.extui %lt3A_611 : i1 to i32
      %cond3A_613 = arith.constant 0 : i32
      %cond3A_614 = arith.cmpi ne, %convert_element_type3A_612, %cond3A_613 : i32
      scf.if %cond3A_614 {
        %ge3A = arith.constant 4 : i32
        %ge3A_1065 = arith.cmpi sge, %add3A_569, %ge3A : i32
        %convert_element_type3A_1066 = arith.extui %ge3A_1065 : i1 to i32
        %cond3A_1067 = arith.constant 0 : i32
        %cond3A_1068 = arith.cmpi ne, %convert_element_type3A_1066, %cond3A_1067 : i32
        scf.if %cond3A_1068 {
          %mul3A_1100 = arith.constant 40 : i32
          %mul3A_1101 = arith.muli %mul3A_2, %mul3A_1100 : i32
          %dma_wait3A_1102 = arith.constant 6 : i32
          %dma_wait3A_1103 = arith.constant 6 : i32
          %dma_wait3A_1104 = arith.constant 0 : i32
          %dma_wait3A_1105 = arith.constant 0 : i32
          %dma_wait3A_1106 = tpu.memref_slice %arg8[%dma_wait3A_1102, %dma_wait3A_1104, %dma_wait3A_1105] : memref<10x40x128xf32, #tpu.memory_space<vmem>> -> memref<1x40x128xf32, #tpu.memory_space<vmem>>
          %dma_wait3A_1107 = tpu.memref_squeeze %dma_wait3A_1106 : memref<1x40x128xf32, #tpu.memory_space<vmem>> -> memref<40x128xf32, #tpu.memory_space<vmem>>
          %dma_wait3A_1108 = arith.constant 0 : i32
          %dma_wait3A_1109 = tpu.memref_slice %arg5[%mul3A_1101, %dma_wait3A_1108] : memref<819200x128xf32, #tpu.memory_space<hbm>> -> memref<40x128xf32, #tpu.memory_space<hbm>>
          %dma_wait3A_1110 = tpu.memref_slice %arg11[%dma_wait3A_1103] : memref<10x!tpu.dma_semaphore, #tpu.memory_space<semaphore_mem>> -> memref<1x!tpu.dma_semaphore, #tpu.memory_space<semaphore_mem>>
          %dma_wait3A_1111 = tpu.memref_squeeze %dma_wait3A_1110 : memref<1x!tpu.dma_semaphore, #tpu.memory_space<semaphore_mem>> -> memref<!tpu.dma_semaphore, #tpu.memory_space<semaphore_mem>>
          %dma_wait3A_1112 = arith.constant 0 : i32
          %dma_wait3A_1113 = tpu.memref_slice %arg5[%mul3A_1101, %dma_wait3A_1112] : memref<819200x128xf32, #tpu.memory_space<hbm>> -> memref<40x128xf32, #tpu.memory_space<hbm>>
          %dma_wait3A_1114 = arith.constant 0 : i32
          %dma_wait3A_1115 = arith.constant 0 : i32
          %dma_wait3A_1116 = tpu.memref_slice %arg8[%dma_wait3A_1102, %dma_wait3A_1114, %dma_wait3A_1115] : memref<10x40x128xf32, #tpu.memory_space<vmem>> -> memref<1x40x128xf32, #tpu.memory_space<vmem>>
          %dma_wait3A_1117 = tpu.memref_squeeze %dma_wait3A_1116 : memref<1x40x128xf32, #tpu.memory_space<vmem>> -> memref<40x128xf32, #tpu.memory_space<vmem>>
          tpu.wait_dma2 semaphore(%dma_wait3A_1111 : memref<!tpu.dma_semaphore, #tpu.memory_space<semaphore_mem>>) src(%dma_wait3A_1117 : memref<40x128xf32, #tpu.memory_space<vmem>>) dst(%dma_wait3A_1113 : memref<40x128xf32, #tpu.memory_space<hbm>>)
        } else {
        }
        %dma_wait3A_1069 = arith.constant 6 : i32
        %dma_wait3A_1070 = arith.constant 6 : i32
        %dma_wait3A_1071 = arith.constant 0 : i32
        %dma_wait3A_1072 = tpu.memref_slice %arg7[%dma_wait3A_1069, %dma_wait3A_1071] : memref<10x40xi32, #tpu.memory_space<vmem>> -> memref<1x40xi32, #tpu.memory_space<vmem>>
        %dma_wait3A_1073 = tpu.memref_squeeze %dma_wait3A_1072 : memref<1x40xi32, #tpu.memory_space<vmem>> -> memref<40xi32, #tpu.memory_space<vmem>>
        %dma_wait3A_1074 = arith.constant 0 : i32
        %dma_wait3A_1075 = tpu.memref_slice %arg2[%mul3A_2, %dma_wait3A_1074] : memref<20480x40xi32, #tpu.memory_space<hbm>> -> memref<1x40xi32, #tpu.memory_space<hbm>>
        %dma_wait3A_1076 = tpu.memref_squeeze %dma_wait3A_1075 : memref<1x40xi32, #tpu.memory_space<hbm>> -> memref<40xi32, #tpu.memory_space<hbm>>
        %dma_wait3A_1077 = tpu.memref_slice %arg9[%dma_wait3A_1070] : memref<10x!tpu.dma_semaphore, #tpu.memory_space<semaphore_mem>> -> memref<1x!tpu.dma_semaphore, #tpu.memory_space<semaphore_mem>>
        %dma_wait3A_1078 = tpu.memref_squeeze %dma_wait3A_1077 : memref<1x!tpu.dma_semaphore, #tpu.memory_space<semaphore_mem>> -> memref<!tpu.dma_semaphore, #tpu.memory_space<semaphore_mem>>
        %dma_wait3A_1079 = arith.constant 0 : i32
        %dma_wait3A_1080 = tpu.memref_slice %arg7[%dma_wait3A_1069, %dma_wait3A_1079] : memref<10x40xi32, #tpu.memory_space<vmem>> -> memref<1x40xi32, #tpu.memory_space<vmem>>
        %dma_wait3A_1081 = tpu.memref_squeeze %dma_wait3A_1080 : memref<1x40xi32, #tpu.memory_space<vmem>> -> memref<40xi32, #tpu.memory_space<vmem>>
        %dma_wait3A_1082 = arith.constant 0 : i32
        %dma_wait3A_1083 = tpu.memref_slice %arg2[%mul3A_2, %dma_wait3A_1082] : memref<20480x40xi32, #tpu.memory_space<hbm>> -> memref<1x40xi32, #tpu.memory_space<hbm>>
        %dma_wait3A_1084 = tpu.memref_squeeze %dma_wait3A_1083 : memref<1x40xi32, #tpu.memory_space<hbm>> -> memref<40xi32, #tpu.memory_space<hbm>>
        tpu.wait_dma2 semaphore(%dma_wait3A_1078 : memref<!tpu.dma_semaphore, #tpu.memory_space<semaphore_mem>>) src(%dma_wait3A_1084 : memref<40xi32, #tpu.memory_space<hbm>>) dst(%dma_wait3A_1081 : memref<40xi32, #tpu.memory_space<vmem>>)
        %dma_start3A_1085 = arith.constant 6 : i32
        %dma_start3A_1086 = arith.constant 6 : i32
        %dma_start3A_1087 = arith.constant 6 : i32
        %dma_start3A_1088 = arith.constant 0 : i32
        %dma_start3A_1089 = arith.constant 0 : i32
        %dma_start3A_1090 = tpu.memref_slice %arg8[%dma_start3A_1086, %dma_start3A_1088, %dma_start3A_1089] : memref<10x40x128xf32, #tpu.memory_space<vmem>> -> memref<1x40x128xf32, #tpu.memory_space<vmem>>
        %dma_start3A_1091 = tpu.memref_squeeze %dma_start3A_1090 : memref<1x40x128xf32, #tpu.memory_space<vmem>> -> memref<40x128xf32, #tpu.memory_space<vmem>>
        %dma_start3A_1092 = arith.constant 0 : i32
        %dma_start3A_1093 = tpu.memref_slice %arg7[%dma_start3A_1085, %dma_start3A_1092] : memref<10x40xi32, #tpu.memory_space<vmem>> -> memref<1x40xi32, #tpu.memory_space<vmem>>
        %dma_start3A_1094 = tpu.memref_squeeze %dma_start3A_1093 : memref<1x40xi32, #tpu.memory_space<vmem>> -> memref<40xi32, #tpu.memory_space<vmem>>
        %dma_start3A_1095 = arith.constant 0 : i32
        %dma_start3A_1096 = arith.constant 0 : i32
        %dma_start3A_1097 = tpu.memref_slice %arg3[%dma_start3A_1095, %dma_start3A_1096] : memref<100000x128xf32, #tpu.memory_space<hbm>> -> memref<100000x128xf32, #tpu.memory_space<hbm>>
        %dma_start3A_1098 = tpu.memref_slice %arg10[%dma_start3A_1087] : memref<10x!tpu.dma_semaphore, #tpu.memory_space<semaphore_mem>> -> memref<1x!tpu.dma_semaphore, #tpu.memory_space<semaphore_mem>>
        %dma_start3A_1099 = tpu.memref_squeeze %dma_start3A_1098 : memref<1x!tpu.dma_semaphore, #tpu.memory_space<semaphore_mem>> -> memref<!tpu.dma_semaphore, #tpu.memory_space<semaphore_mem>>
        tpu.enqueue_indirect_dma source(%dma_start3A_1097 : memref<100000x128xf32, #tpu.memory_space<hbm>>) target(%dma_start3A_1091 : memref<40x128xf32, #tpu.memory_space<vmem>>) offsets(%dma_start3A_1094 : memref<40xi32, #tpu.memory_space<vmem>>) semaphore(%dma_start3A_1099 : memref<!tpu.dma_semaphore, #tpu.memory_space<semaphore_mem>>)
      } else {
      }
      %add3A_615 = arith.constant 1 : i32
      %add3A_616 = arith.addi %add3A_567, %add3A_615 : i32
      %add3A_617 = arith.addi %mul3A_2, %add3A_616 : i32
      %dma_wait3A_618 = arith.constant 1 : i32
      %dma_wait3A_619 = arith.constant 1 : i32
      %dma_wait3A_620 = arith.constant 1 : i32
      %dma_wait3A_621 = arith.constant 0 : i32
      %dma_wait3A_622 = arith.constant 0 : i32
      %dma_wait3A_623 = tpu.memref_slice %arg8[%dma_wait3A_619, %dma_wait3A_621, %dma_wait3A_622] : memref<10x40x128xf32, #tpu.memory_space<vmem>> -> memref<1x40x128xf32, #tpu.memory_space<vmem>>
      %dma_wait3A_624 = tpu.memref_squeeze %dma_wait3A_623 : memref<1x40x128xf32, #tpu.memory_space<vmem>> -> memref<40x128xf32, #tpu.memory_space<vmem>>
      %dma_wait3A_625 = arith.constant 0 : i32
      %dma_wait3A_626 = tpu.memref_slice %arg7[%dma_wait3A_618, %dma_wait3A_625] : memref<10x40xi32, #tpu.memory_space<vmem>> -> memref<1x40xi32, #tpu.memory_space<vmem>>
      %dma_wait3A_627 = tpu.memref_squeeze %dma_wait3A_626 : memref<1x40xi32, #tpu.memory_space<vmem>> -> memref<40xi32, #tpu.memory_space<vmem>>
      %dma_wait3A_628 = arith.constant 0 : i32
      %dma_wait3A_629 = arith.constant 0 : i32
      %dma_wait3A_630 = tpu.memref_slice %arg3[%dma_wait3A_628, %dma_wait3A_629] : memref<100000x128xf32, #tpu.memory_space<hbm>> -> memref<100000x128xf32, #tpu.memory_space<hbm>>
      %dma_wait3A_631 = tpu.memref_slice %arg10[%dma_wait3A_620] : memref<10x!tpu.dma_semaphore, #tpu.memory_space<semaphore_mem>> -> memref<1x!tpu.dma_semaphore, #tpu.memory_space<semaphore_mem>>
      %dma_wait3A_632 = tpu.memref_squeeze %dma_wait3A_631 : memref<1x!tpu.dma_semaphore, #tpu.memory_space<semaphore_mem>> -> memref<!tpu.dma_semaphore, #tpu.memory_space<semaphore_mem>>
      tpu.wait_indirect_dma semaphore(%dma_wait3A_632 : memref<!tpu.dma_semaphore, #tpu.memory_space<semaphore_mem>>) src(%dma_wait3A_630 : memref<100000x128xf32, #tpu.memory_space<hbm>>) dst(%dma_wait3A_624 : memref<40x128xf32, #tpu.memory_space<vmem>>)
      %add3A_633 = arith.constant 10 : i32
      %add3A_634 = arith.addi %add3A_616, %add3A_633 : i32
      %lt3A_635 = arith.constant 640 : i32
      %lt3A_636 = arith.cmpi slt, %add3A_634, %lt3A_635 : i32
      %convert_element_type3A_637 = arith.extui %lt3A_636 : i1 to i32
      %cond3A_638 = arith.constant 0 : i32
      %cond3A_639 = arith.cmpi ne, %convert_element_type3A_637, %cond3A_638 : i32
      scf.if %cond3A_639 {
        %add3A_1065 = arith.addi %mul3A_2, %add3A_616 : i32
        %add3A_1066 = arith.constant 10 : i32
        %add3A_1067 = arith.addi %add3A_1065, %add3A_1066 : i32
        %dma_start3A_1068 = arith.constant 1 : i32
        %dma_start3A_1069 = arith.constant 1 : i32
        %dma_start3A_1070 = arith.constant 0 : i32
        %dma_start3A_1071 = tpu.memref_slice %arg7[%dma_start3A_1068, %dma_start3A_1070] : memref<10x40xi32, #tpu.memory_space<vmem>> -> memref<1x40xi32, #tpu.memory_space<vmem>>
        %dma_start3A_1072 = tpu.memref_squeeze %dma_start3A_1071 : memref<1x40xi32, #tpu.memory_space<vmem>> -> memref<40xi32, #tpu.memory_space<vmem>>
        %dma_start3A_1073 = arith.constant 0 : i32
        %dma_start3A_1074 = tpu.memref_slice %arg2[%add3A_1067, %dma_start3A_1073] : memref<20480x40xi32, #tpu.memory_space<hbm>> -> memref<1x40xi32, #tpu.memory_space<hbm>>
        %dma_start3A_1075 = tpu.memref_squeeze %dma_start3A_1074 : memref<1x40xi32, #tpu.memory_space<hbm>> -> memref<40xi32, #tpu.memory_space<hbm>>
        %dma_start3A_1076 = tpu.memref_slice %arg9[%dma_start3A_1069] : memref<10x!tpu.dma_semaphore, #tpu.memory_space<semaphore_mem>> -> memref<1x!tpu.dma_semaphore, #tpu.memory_space<semaphore_mem>>
        %dma_start3A_1077 = tpu.memref_squeeze %dma_start3A_1076 : memref<1x!tpu.dma_semaphore, #tpu.memory_space<semaphore_mem>> -> memref<!tpu.dma_semaphore, #tpu.memory_space<semaphore_mem>>
        %dma_start3A_1078 = arith.constant 0 : i32
        %dma_start3A_1079 = tpu.memref_slice %arg7[%dma_start3A_1068, %dma_start3A_1078] : memref<10x40xi32, #tpu.memory_space<vmem>> -> memref<1x40xi32, #tpu.memory_space<vmem>>
        %dma_start3A_1080 = tpu.memref_squeeze %dma_start3A_1079 : memref<1x40xi32, #tpu.memory_space<vmem>> -> memref<40xi32, #tpu.memory_space<vmem>>
        %dma_start3A_1081 = arith.constant 0 : i32
        %dma_start3A_1082 = tpu.memref_slice %arg2[%add3A_1067, %dma_start3A_1081] : memref<20480x40xi32, #tpu.memory_space<hbm>> -> memref<1x40xi32, #tpu.memory_space<hbm>>
        %dma_start3A_1083 = tpu.memref_squeeze %dma_start3A_1082 : memref<1x40xi32, #tpu.memory_space<hbm>> -> memref<40xi32, #tpu.memory_space<hbm>>
        tpu.enqueue_dma source(%dma_start3A_1083 : memref<40xi32, #tpu.memory_space<hbm>>) target(%dma_start3A_1080 : memref<40xi32, #tpu.memory_space<vmem>>) target_semaphore(%dma_start3A_1077 : memref<!tpu.dma_semaphore, #tpu.memory_space<semaphore_mem>>)
      } else {
      }
      %mul3A_640 = arith.constant 40 : i32
      %mul3A_641 = arith.muli %add3A_617, %mul3A_640 : i32
      %dma_start3A_642 = arith.constant 1 : i32
      %dma_start3A_643 = arith.constant 1 : i32
      %dma_start3A_644 = arith.constant 0 : i32
      %dma_start3A_645 = arith.constant 0 : i32
      %dma_start3A_646 = tpu.memref_slice %arg8[%dma_start3A_642, %dma_start3A_644, %dma_start3A_645] : memref<10x40x128xf32, #tpu.memory_space<vmem>> -> memref<1x40x128xf32, #tpu.memory_space<vmem>>
      %dma_start3A_647 = tpu.memref_squeeze %dma_start3A_646 : memref<1x40x128xf32, #tpu.memory_space<vmem>> -> memref<40x128xf32, #tpu.memory_space<vmem>>
      %dma_start3A_648 = arith.constant 0 : i32
      %dma_start3A_649 = tpu.memref_slice %arg5[%mul3A_641, %dma_start3A_648] : memref<819200x128xf32, #tpu.memory_space<hbm>> -> memref<40x128xf32, #tpu.memory_space<hbm>>
      %dma_start3A_650 = tpu.memref_slice %arg11[%dma_start3A_643] : memref<10x!tpu.dma_semaphore, #tpu.memory_space<semaphore_mem>> -> memref<1x!tpu.dma_semaphore, #tpu.memory_space<semaphore_mem>>
      %dma_start3A_651 = tpu.memref_squeeze %dma_start3A_650 : memref<1x!tpu.dma_semaphore, #tpu.memory_space<semaphore_mem>> -> memref<!tpu.dma_semaphore, #tpu.memory_space<semaphore_mem>>
      %dma_start3A_652 = arith.constant 0 : i32
      %dma_start3A_653 = tpu.memref_slice %arg5[%mul3A_641, %dma_start3A_652] : memref<819200x128xf32, #tpu.memory_space<hbm>> -> memref<40x128xf32, #tpu.memory_space<hbm>>
      %dma_start3A_654 = arith.constant 0 : i32
      %dma_start3A_655 = arith.constant 0 : i32
      %dma_start3A_656 = tpu.memref_slice %arg8[%dma_start3A_642, %dma_start3A_654, %dma_start3A_655] : memref<10x40x128xf32, #tpu.memory_space<vmem>> -> memref<1x40x128xf32, #tpu.memory_space<vmem>>
      %dma_start3A_657 = tpu.memref_squeeze %dma_start3A_656 : memref<1x40x128xf32, #tpu.memory_space<vmem>> -> memref<40x128xf32, #tpu.memory_space<vmem>>
      tpu.enqueue_dma source(%dma_start3A_657 : memref<40x128xf32, #tpu.memory_space<vmem>>) target(%dma_start3A_653 : memref<40x128xf32, #tpu.memory_space<hbm>>) target_semaphore(%dma_start3A_651 : memref<!tpu.dma_semaphore, #tpu.memory_space<semaphore_mem>>)
      %add3A_658 = arith.constant 6 : i32
      %add3A_659 = arith.addi %add3A_616, %add3A_658 : i32
      %lt3A_660 = arith.constant 640 : i32
      %lt3A_661 = arith.cmpi slt, %add3A_659, %lt3A_660 : i32
      %convert_element_type3A_662 = arith.extui %lt3A_661 : i1 to i32
      %cond3A_663 = arith.constant 0 : i32
      %cond3A_664 = arith.cmpi ne, %convert_element_type3A_662, %cond3A_663 : i32
      scf.if %cond3A_664 {
        %ge3A = arith.constant 4 : i32
        %ge3A_1065 = arith.cmpi sge, %add3A_616, %ge3A : i32
        %convert_element_type3A_1066 = arith.extui %ge3A_1065 : i1 to i32
        %cond3A_1067 = arith.constant 0 : i32
        %cond3A_1068 = arith.cmpi ne, %convert_element_type3A_1066, %cond3A_1067 : i32
        scf.if %cond3A_1068 {
          %mul3A_1100 = arith.constant 40 : i32
          %mul3A_1101 = arith.muli %mul3A_2, %mul3A_1100 : i32
          %dma_wait3A_1102 = arith.constant 7 : i32
          %dma_wait3A_1103 = arith.constant 7 : i32
          %dma_wait3A_1104 = arith.constant 0 : i32
          %dma_wait3A_1105 = arith.constant 0 : i32
          %dma_wait3A_1106 = tpu.memref_slice %arg8[%dma_wait3A_1102, %dma_wait3A_1104, %dma_wait3A_1105] : memref<10x40x128xf32, #tpu.memory_space<vmem>> -> memref<1x40x128xf32, #tpu.memory_space<vmem>>
          %dma_wait3A_1107 = tpu.memref_squeeze %dma_wait3A_1106 : memref<1x40x128xf32, #tpu.memory_space<vmem>> -> memref<40x128xf32, #tpu.memory_space<vmem>>
          %dma_wait3A_1108 = arith.constant 0 : i32
          %dma_wait3A_1109 = tpu.memref_slice %arg5[%mul3A_1101, %dma_wait3A_1108] : memref<819200x128xf32, #tpu.memory_space<hbm>> -> memref<40x128xf32, #tpu.memory_space<hbm>>
          %dma_wait3A_1110 = tpu.memref_slice %arg11[%dma_wait3A_1103] : memref<10x!tpu.dma_semaphore, #tpu.memory_space<semaphore_mem>> -> memref<1x!tpu.dma_semaphore, #tpu.memory_space<semaphore_mem>>
          %dma_wait3A_1111 = tpu.memref_squeeze %dma_wait3A_1110 : memref<1x!tpu.dma_semaphore, #tpu.memory_space<semaphore_mem>> -> memref<!tpu.dma_semaphore, #tpu.memory_space<semaphore_mem>>
          %dma_wait3A_1112 = arith.constant 0 : i32
          %dma_wait3A_1113 = tpu.memref_slice %arg5[%mul3A_1101, %dma_wait3A_1112] : memref<819200x128xf32, #tpu.memory_space<hbm>> -> memref<40x128xf32, #tpu.memory_space<hbm>>
          %dma_wait3A_1114 = arith.constant 0 : i32
          %dma_wait3A_1115 = arith.constant 0 : i32
          %dma_wait3A_1116 = tpu.memref_slice %arg8[%dma_wait3A_1102, %dma_wait3A_1114, %dma_wait3A_1115] : memref<10x40x128xf32, #tpu.memory_space<vmem>> -> memref<1x40x128xf32, #tpu.memory_space<vmem>>
          %dma_wait3A_1117 = tpu.memref_squeeze %dma_wait3A_1116 : memref<1x40x128xf32, #tpu.memory_space<vmem>> -> memref<40x128xf32, #tpu.memory_space<vmem>>
          tpu.wait_dma2 semaphore(%dma_wait3A_1111 : memref<!tpu.dma_semaphore, #tpu.memory_space<semaphore_mem>>) src(%dma_wait3A_1117 : memref<40x128xf32, #tpu.memory_space<vmem>>) dst(%dma_wait3A_1113 : memref<40x128xf32, #tpu.memory_space<hbm>>)
        } else {
        }
        %dma_wait3A_1069 = arith.constant 7 : i32
        %dma_wait3A_1070 = arith.constant 7 : i32
        %dma_wait3A_1071 = arith.constant 0 : i32
        %dma_wait3A_1072 = tpu.memref_slice %arg7[%dma_wait3A_1069, %dma_wait3A_1071] : memref<10x40xi32, #tpu.memory_space<vmem>> -> memref<1x40xi32, #tpu.memory_space<vmem>>
        %dma_wait3A_1073 = tpu.memref_squeeze %dma_wait3A_1072 : memref<1x40xi32, #tpu.memory_space<vmem>> -> memref<40xi32, #tpu.memory_space<vmem>>
        %dma_wait3A_1074 = arith.constant 0 : i32
        %dma_wait3A_1075 = tpu.memref_slice %arg2[%mul3A_2, %dma_wait3A_1074] : memref<20480x40xi32, #tpu.memory_space<hbm>> -> memref<1x40xi32, #tpu.memory_space<hbm>>
        %dma_wait3A_1076 = tpu.memref_squeeze %dma_wait3A_1075 : memref<1x40xi32, #tpu.memory_space<hbm>> -> memref<40xi32, #tpu.memory_space<hbm>>
        %dma_wait3A_1077 = tpu.memref_slice %arg9[%dma_wait3A_1070] : memref<10x!tpu.dma_semaphore, #tpu.memory_space<semaphore_mem>> -> memref<1x!tpu.dma_semaphore, #tpu.memory_space<semaphore_mem>>
        %dma_wait3A_1078 = tpu.memref_squeeze %dma_wait3A_1077 : memref<1x!tpu.dma_semaphore, #tpu.memory_space<semaphore_mem>> -> memref<!tpu.dma_semaphore, #tpu.memory_space<semaphore_mem>>
        %dma_wait3A_1079 = arith.constant 0 : i32
        %dma_wait3A_1080 = tpu.memref_slice %arg7[%dma_wait3A_1069, %dma_wait3A_1079] : memref<10x40xi32, #tpu.memory_space<vmem>> -> memref<1x40xi32, #tpu.memory_space<vmem>>
        %dma_wait3A_1081 = tpu.memref_squeeze %dma_wait3A_1080 : memref<1x40xi32, #tpu.memory_space<vmem>> -> memref<40xi32, #tpu.memory_space<vmem>>
        %dma_wait3A_1082 = arith.constant 0 : i32
        %dma_wait3A_1083 = tpu.memref_slice %arg2[%mul3A_2, %dma_wait3A_1082] : memref<20480x40xi32, #tpu.memory_space<hbm>> -> memref<1x40xi32, #tpu.memory_space<hbm>>
        %dma_wait3A_1084 = tpu.memref_squeeze %dma_wait3A_1083 : memref<1x40xi32, #tpu.memory_space<hbm>> -> memref<40xi32, #tpu.memory_space<hbm>>
        tpu.wait_dma2 semaphore(%dma_wait3A_1078 : memref<!tpu.dma_semaphore, #tpu.memory_space<semaphore_mem>>) src(%dma_wait3A_1084 : memref<40xi32, #tpu.memory_space<hbm>>) dst(%dma_wait3A_1081 : memref<40xi32, #tpu.memory_space<vmem>>)
        %dma_start3A_1085 = arith.constant 7 : i32
        %dma_start3A_1086 = arith.constant 7 : i32
        %dma_start3A_1087 = arith.constant 7 : i32
        %dma_start3A_1088 = arith.constant 0 : i32
        %dma_start3A_1089 = arith.constant 0 : i32
        %dma_start3A_1090 = tpu.memref_slice %arg8[%dma_start3A_1086, %dma_start3A_1088, %dma_start3A_1089] : memref<10x40x128xf32, #tpu.memory_space<vmem>> -> memref<1x40x128xf32, #tpu.memory_space<vmem>>
        %dma_start3A_1091 = tpu.memref_squeeze %dma_start3A_1090 : memref<1x40x128xf32, #tpu.memory_space<vmem>> -> memref<40x128xf32, #tpu.memory_space<vmem>>
        %dma_start3A_1092 = arith.constant 0 : i32
        %dma_start3A_1093 = tpu.memref_slice %arg7[%dma_start3A_1085, %dma_start3A_1092] : memref<10x40xi32, #tpu.memory_space<vmem>> -> memref<1x40xi32, #tpu.memory_space<vmem>>
        %dma_start3A_1094 = tpu.memref_squeeze %dma_start3A_1093 : memref<1x40xi32, #tpu.memory_space<vmem>> -> memref<40xi32, #tpu.memory_space<vmem>>
        %dma_start3A_1095 = arith.constant 0 : i32
        %dma_start3A_1096 = arith.constant 0 : i32
        %dma_start3A_1097 = tpu.memref_slice %arg3[%dma_start3A_1095, %dma_start3A_1096] : memref<100000x128xf32, #tpu.memory_space<hbm>> -> memref<100000x128xf32, #tpu.memory_space<hbm>>
        %dma_start3A_1098 = tpu.memref_slice %arg10[%dma_start3A_1087] : memref<10x!tpu.dma_semaphore, #tpu.memory_space<semaphore_mem>> -> memref<1x!tpu.dma_semaphore, #tpu.memory_space<semaphore_mem>>
        %dma_start3A_1099 = tpu.memref_squeeze %dma_start3A_1098 : memref<1x!tpu.dma_semaphore, #tpu.memory_space<semaphore_mem>> -> memref<!tpu.dma_semaphore, #tpu.memory_space<semaphore_mem>>
        tpu.enqueue_indirect_dma source(%dma_start3A_1097 : memref<100000x128xf32, #tpu.memory_space<hbm>>) target(%dma_start3A_1091 : memref<40x128xf32, #tpu.memory_space<vmem>>) offsets(%dma_start3A_1094 : memref<40xi32, #tpu.memory_space<vmem>>) semaphore(%dma_start3A_1099 : memref<!tpu.dma_semaphore, #tpu.memory_space<semaphore_mem>>)
      } else {
      }
      %add3A_665 = arith.constant 2 : i32
      %add3A_666 = arith.addi %add3A_567, %add3A_665 : i32
      %add3A_667 = arith.addi %mul3A_2, %add3A_666 : i32
      %dma_wait3A_668 = arith.constant 2 : i32
      %dma_wait3A_669 = arith.constant 2 : i32
      %dma_wait3A_670 = arith.constant 2 : i32
      %dma_wait3A_671 = arith.constant 0 : i32
      %dma_wait3A_672 = arith.constant 0 : i32
      %dma_wait3A_673 = tpu.memref_slice %arg8[%dma_wait3A_669, %dma_wait3A_671, %dma_wait3A_672] : memref<10x40x128xf32, #tpu.memory_space<vmem>> -> memref<1x40x128xf32, #tpu.memory_space<vmem>>
      %dma_wait3A_674 = tpu.memref_squeeze %dma_wait3A_673 : memref<1x40x128xf32, #tpu.memory_space<vmem>> -> memref<40x128xf32, #tpu.memory_space<vmem>>
      %dma_wait3A_675 = arith.constant 0 : i32
      %dma_wait3A_676 = tpu.memref_slice %arg7[%dma_wait3A_668, %dma_wait3A_675] : memref<10x40xi32, #tpu.memory_space<vmem>> -> memref<1x40xi32, #tpu.memory_space<vmem>>
      %dma_wait3A_677 = tpu.memref_squeeze %dma_wait3A_676 : memref<1x40xi32, #tpu.memory_space<vmem>> -> memref<40xi32, #tpu.memory_space<vmem>>
      %dma_wait3A_678 = arith.constant 0 : i32
      %dma_wait3A_679 = arith.constant 0 : i32
      %dma_wait3A_680 = tpu.memref_slice %arg3[%dma_wait3A_678, %dma_wait3A_679] : memref<100000x128xf32, #tpu.memory_space<hbm>> -> memref<100000x128xf32, #tpu.memory_space<hbm>>
      %dma_wait3A_681 = tpu.memref_slice %arg10[%dma_wait3A_670] : memref<10x!tpu.dma_semaphore, #tpu.memory_space<semaphore_mem>> -> memref<1x!tpu.dma_semaphore, #tpu.memory_space<semaphore_mem>>
      %dma_wait3A_682 = tpu.memref_squeeze %dma_wait3A_681 : memref<1x!tpu.dma_semaphore, #tpu.memory_space<semaphore_mem>> -> memref<!tpu.dma_semaphore, #tpu.memory_space<semaphore_mem>>
      tpu.wait_indirect_dma semaphore(%dma_wait3A_682 : memref<!tpu.dma_semaphore, #tpu.memory_space<semaphore_mem>>) src(%dma_wait3A_680 : memref<100000x128xf32, #tpu.memory_space<hbm>>) dst(%dma_wait3A_674 : memref<40x128xf32, #tpu.memory_space<vmem>>)
      %add3A_683 = arith.constant 10 : i32
      %add3A_684 = arith.addi %add3A_666, %add3A_683 : i32
      %lt3A_685 = arith.constant 640 : i32
      %lt3A_686 = arith.cmpi slt, %add3A_684, %lt3A_685 : i32
      %convert_element_type3A_687 = arith.extui %lt3A_686 : i1 to i32
      %cond3A_688 = arith.constant 0 : i32
      %cond3A_689 = arith.cmpi ne, %convert_element_type3A_687, %cond3A_688 : i32
      scf.if %cond3A_689 {
        %add3A_1065 = arith.addi %mul3A_2, %add3A_666 : i32
        %add3A_1066 = arith.constant 10 : i32
        %add3A_1067 = arith.addi %add3A_1065, %add3A_1066 : i32
        %dma_start3A_1068 = arith.constant 2 : i32
        %dma_start3A_1069 = arith.constant 2 : i32
        %dma_start3A_1070 = arith.constant 0 : i32
        %dma_start3A_1071 = tpu.memref_slice %arg7[%dma_start3A_1068, %dma_start3A_1070] : memref<10x40xi32, #tpu.memory_space<vmem>> -> memref<1x40xi32, #tpu.memory_space<vmem>>
        %dma_start3A_1072 = tpu.memref_squeeze %dma_start3A_1071 : memref<1x40xi32, #tpu.memory_space<vmem>> -> memref<40xi32, #tpu.memory_space<vmem>>
        %dma_start3A_1073 = arith.constant 0 : i32
        %dma_start3A_1074 = tpu.memref_slice %arg2[%add3A_1067, %dma_start3A_1073] : memref<20480x40xi32, #tpu.memory_space<hbm>> -> memref<1x40xi32, #tpu.memory_space<hbm>>
        %dma_start3A_1075 = tpu.memref_squeeze %dma_start3A_1074 : memref<1x40xi32, #tpu.memory_space<hbm>> -> memref<40xi32, #tpu.memory_space<hbm>>
        %dma_start3A_1076 = tpu.memref_slice %arg9[%dma_start3A_1069] : memref<10x!tpu.dma_semaphore, #tpu.memory_space<semaphore_mem>> -> memref<1x!tpu.dma_semaphore, #tpu.memory_space<semaphore_mem>>
        %dma_start3A_1077 = tpu.memref_squeeze %dma_start3A_1076 : memref<1x!tpu.dma_semaphore, #tpu.memory_space<semaphore_mem>> -> memref<!tpu.dma_semaphore, #tpu.memory_space<semaphore_mem>>
        %dma_start3A_1078 = arith.constant 0 : i32
        %dma_start3A_1079 = tpu.memref_slice %arg7[%dma_start3A_1068, %dma_start3A_1078] : memref<10x40xi32, #tpu.memory_space<vmem>> -> memref<1x40xi32, #tpu.memory_space<vmem>>
        %dma_start3A_1080 = tpu.memref_squeeze %dma_start3A_1079 : memref<1x40xi32, #tpu.memory_space<vmem>> -> memref<40xi32, #tpu.memory_space<vmem>>
        %dma_start3A_1081 = arith.constant 0 : i32
        %dma_start3A_1082 = tpu.memref_slice %arg2[%add3A_1067, %dma_start3A_1081] : memref<20480x40xi32, #tpu.memory_space<hbm>> -> memref<1x40xi32, #tpu.memory_space<hbm>>
        %dma_start3A_1083 = tpu.memref_squeeze %dma_start3A_1082 : memref<1x40xi32, #tpu.memory_space<hbm>> -> memref<40xi32, #tpu.memory_space<hbm>>
        tpu.enqueue_dma source(%dma_start3A_1083 : memref<40xi32, #tpu.memory_space<hbm>>) target(%dma_start3A_1080 : memref<40xi32, #tpu.memory_space<vmem>>) target_semaphore(%dma_start3A_1077 : memref<!tpu.dma_semaphore, #tpu.memory_space<semaphore_mem>>)
      } else {
      }
      %mul3A_690 = arith.constant 40 : i32
      %mul3A_691 = arith.muli %add3A_667, %mul3A_690 : i32
      %dma_start3A_692 = arith.constant 2 : i32
      %dma_start3A_693 = arith.constant 2 : i32
      %dma_start3A_694 = arith.constant 0 : i32
      %dma_start3A_695 = arith.constant 0 : i32
      %dma_start3A_696 = tpu.memref_slice %arg8[%dma_start3A_692, %dma_start3A_694, %dma_start3A_695] : memref<10x40x128xf32, #tpu.memory_space<vmem>> -> memref<1x40x128xf32, #tpu.memory_space<vmem>>
      %dma_start3A_697 = tpu.memref_squeeze %dma_start3A_696 : memref<1x40x128xf32, #tpu.memory_space<vmem>> -> memref<40x128xf32, #tpu.memory_space<vmem>>
      %dma_start3A_698 = arith.constant 0 : i32
      %dma_start3A_699 = tpu.memref_slice %arg5[%mul3A_691, %dma_start3A_698] : memref<819200x128xf32, #tpu.memory_space<hbm>> -> memref<40x128xf32, #tpu.memory_space<hbm>>
      %dma_start3A_700 = tpu.memref_slice %arg11[%dma_start3A_693] : memref<10x!tpu.dma_semaphore, #tpu.memory_space<semaphore_mem>> -> memref<1x!tpu.dma_semaphore, #tpu.memory_space<semaphore_mem>>
      %dma_start3A_701 = tpu.memref_squeeze %dma_start3A_700 : memref<1x!tpu.dma_semaphore, #tpu.memory_space<semaphore_mem>> -> memref<!tpu.dma_semaphore, #tpu.memory_space<semaphore_mem>>
      %dma_start3A_702 = arith.constant 0 : i32
      %dma_start3A_703 = tpu.memref_slice %arg5[%mul3A_691, %dma_start3A_702] : memref<819200x128xf32, #tpu.memory_space<hbm>> -> memref<40x128xf32, #tpu.memory_space<hbm>>
      %dma_start3A_704 = arith.constant 0 : i32
      %dma_start3A_705 = arith.constant 0 : i32
      %dma_start3A_706 = tpu.memref_slice %arg8[%dma_start3A_692, %dma_start3A_704, %dma_start3A_705] : memref<10x40x128xf32, #tpu.memory_space<vmem>> -> memref<1x40x128xf32, #tpu.memory_space<vmem>>
      %dma_start3A_707 = tpu.memref_squeeze %dma_start3A_706 : memref<1x40x128xf32, #tpu.memory_space<vmem>> -> memref<40x128xf32, #tpu.memory_space<vmem>>
      tpu.enqueue_dma source(%dma_start3A_707 : memref<40x128xf32, #tpu.memory_space<vmem>>) target(%dma_start3A_703 : memref<40x128xf32, #tpu.memory_space<hbm>>) target_semaphore(%dma_start3A_701 : memref<!tpu.dma_semaphore, #tpu.memory_space<semaphore_mem>>)
      %add3A_708 = arith.constant 6 : i32
      %add3A_709 = arith.addi %add3A_666, %add3A_708 : i32
      %lt3A_710 = arith.constant 640 : i32
      %lt3A_711 = arith.cmpi slt, %add3A_709, %lt3A_710 : i32
      %convert_element_type3A_712 = arith.extui %lt3A_711 : i1 to i32
      %cond3A_713 = arith.constant 0 : i32
      %cond3A_714 = arith.cmpi ne, %convert_element_type3A_712, %cond3A_713 : i32
      scf.if %cond3A_714 {
        %ge3A = arith.constant 4 : i32
        %ge3A_1065 = arith.cmpi sge, %add3A_666, %ge3A : i32
        %convert_element_type3A_1066 = arith.extui %ge3A_1065 : i1 to i32
        %cond3A_1067 = arith.constant 0 : i32
        %cond3A_1068 = arith.cmpi ne, %convert_element_type3A_1066, %cond3A_1067 : i32
        scf.if %cond3A_1068 {
          %mul3A_1100 = arith.constant 40 : i32
          %mul3A_1101 = arith.muli %mul3A_2, %mul3A_1100 : i32
          %dma_wait3A_1102 = arith.constant 8 : i32
          %dma_wait3A_1103 = arith.constant 8 : i32
          %dma_wait3A_1104 = arith.constant 0 : i32
          %dma_wait3A_1105 = arith.constant 0 : i32
          %dma_wait3A_1106 = tpu.memref_slice %arg8[%dma_wait3A_1102, %dma_wait3A_1104, %dma_wait3A_1105] : memref<10x40x128xf32, #tpu.memory_space<vmem>> -> memref<1x40x128xf32, #tpu.memory_space<vmem>>
          %dma_wait3A_1107 = tpu.memref_squeeze %dma_wait3A_1106 : memref<1x40x128xf32, #tpu.memory_space<vmem>> -> memref<40x128xf32, #tpu.memory_space<vmem>>
          %dma_wait3A_1108 = arith.constant 0 : i32
          %dma_wait3A_1109 = tpu.memref_slice %arg5[%mul3A_1101, %dma_wait3A_1108] : memref<819200x128xf32, #tpu.memory_space<hbm>> -> memref<40x128xf32, #tpu.memory_space<hbm>>
          %dma_wait3A_1110 = tpu.memref_slice %arg11[%dma_wait3A_1103] : memref<10x!tpu.dma_semaphore, #tpu.memory_space<semaphore_mem>> -> memref<1x!tpu.dma_semaphore, #tpu.memory_space<semaphore_mem>>
          %dma_wait3A_1111 = tpu.memref_squeeze %dma_wait3A_1110 : memref<1x!tpu.dma_semaphore, #tpu.memory_space<semaphore_mem>> -> memref<!tpu.dma_semaphore, #tpu.memory_space<semaphore_mem>>
          %dma_wait3A_1112 = arith.constant 0 : i32
          %dma_wait3A_1113 = tpu.memref_slice %arg5[%mul3A_1101, %dma_wait3A_1112] : memref<819200x128xf32, #tpu.memory_space<hbm>> -> memref<40x128xf32, #tpu.memory_space<hbm>>
          %dma_wait3A_1114 = arith.constant 0 : i32
          %dma_wait3A_1115 = arith.constant 0 : i32
          %dma_wait3A_1116 = tpu.memref_slice %arg8[%dma_wait3A_1102, %dma_wait3A_1114, %dma_wait3A_1115] : memref<10x40x128xf32, #tpu.memory_space<vmem>> -> memref<1x40x128xf32, #tpu.memory_space<vmem>>
          %dma_wait3A_1117 = tpu.memref_squeeze %dma_wait3A_1116 : memref<1x40x128xf32, #tpu.memory_space<vmem>> -> memref<40x128xf32, #tpu.memory_space<vmem>>
          tpu.wait_dma2 semaphore(%dma_wait3A_1111 : memref<!tpu.dma_semaphore, #tpu.memory_space<semaphore_mem>>) src(%dma_wait3A_1117 : memref<40x128xf32, #tpu.memory_space<vmem>>) dst(%dma_wait3A_1113 : memref<40x128xf32, #tpu.memory_space<hbm>>)
        } else {
        }
        %dma_wait3A_1069 = arith.constant 8 : i32
        %dma_wait3A_1070 = arith.constant 8 : i32
        %dma_wait3A_1071 = arith.constant 0 : i32
        %dma_wait3A_1072 = tpu.memref_slice %arg7[%dma_wait3A_1069, %dma_wait3A_1071] : memref<10x40xi32, #tpu.memory_space<vmem>> -> memref<1x40xi32, #tpu.memory_space<vmem>>
        %dma_wait3A_1073 = tpu.memref_squeeze %dma_wait3A_1072 : memref<1x40xi32, #tpu.memory_space<vmem>> -> memref<40xi32, #tpu.memory_space<vmem>>
        %dma_wait3A_1074 = arith.constant 0 : i32
        %dma_wait3A_1075 = tpu.memref_slice %arg2[%mul3A_2, %dma_wait3A_1074] : memref<20480x40xi32, #tpu.memory_space<hbm>> -> memref<1x40xi32, #tpu.memory_space<hbm>>
        %dma_wait3A_1076 = tpu.memref_squeeze %dma_wait3A_1075 : memref<1x40xi32, #tpu.memory_space<hbm>> -> memref<40xi32, #tpu.memory_space<hbm>>
        %dma_wait3A_1077 = tpu.memref_slice %arg9[%dma_wait3A_1070] : memref<10x!tpu.dma_semaphore, #tpu.memory_space<semaphore_mem>> -> memref<1x!tpu.dma_semaphore, #tpu.memory_space<semaphore_mem>>
        %dma_wait3A_1078 = tpu.memref_squeeze %dma_wait3A_1077 : memref<1x!tpu.dma_semaphore, #tpu.memory_space<semaphore_mem>> -> memref<!tpu.dma_semaphore, #tpu.memory_space<semaphore_mem>>
        %dma_wait3A_1079 = arith.constant 0 : i32
        %dma_wait3A_1080 = tpu.memref_slice %arg7[%dma_wait3A_1069, %dma_wait3A_1079] : memref<10x40xi32, #tpu.memory_space<vmem>> -> memref<1x40xi32, #tpu.memory_space<vmem>>
        %dma_wait3A_1081 = tpu.memref_squeeze %dma_wait3A_1080 : memref<1x40xi32, #tpu.memory_space<vmem>> -> memref<40xi32, #tpu.memory_space<vmem>>
        %dma_wait3A_1082 = arith.constant 0 : i32
        %dma_wait3A_1083 = tpu.memref_slice %arg2[%mul3A_2, %dma_wait3A_1082] : memref<20480x40xi32, #tpu.memory_space<hbm>> -> memref<1x40xi32, #tpu.memory_space<hbm>>
        %dma_wait3A_1084 = tpu.memref_squeeze %dma_wait3A_1083 : memref<1x40xi32, #tpu.memory_space<hbm>> -> memref<40xi32, #tpu.memory_space<hbm>>
        tpu.wait_dma2 semaphore(%dma_wait3A_1078 : memref<!tpu.dma_semaphore, #tpu.memory_space<semaphore_mem>>) src(%dma_wait3A_1084 : memref<40xi32, #tpu.memory_space<hbm>>) dst(%dma_wait3A_1081 : memref<40xi32, #tpu.memory_space<vmem>>)
        %dma_start3A_1085 = arith.constant 8 : i32
        %dma_start3A_1086 = arith.constant 8 : i32
        %dma_start3A_1087 = arith.constant 8 : i32
        %dma_start3A_1088 = arith.constant 0 : i32
        %dma_start3A_1089 = arith.constant 0 : i32
        %dma_start3A_1090 = tpu.memref_slice %arg8[%dma_start3A_1086, %dma_start3A_1088, %dma_start3A_1089] : memref<10x40x128xf32, #tpu.memory_space<vmem>> -> memref<1x40x128xf32, #tpu.memory_space<vmem>>
        %dma_start3A_1091 = tpu.memref_squeeze %dma_start3A_1090 : memref<1x40x128xf32, #tpu.memory_space<vmem>> -> memref<40x128xf32, #tpu.memory_space<vmem>>
        %dma_start3A_1092 = arith.constant 0 : i32
        %dma_start3A_1093 = tpu.memref_slice %arg7[%dma_start3A_1085, %dma_start3A_1092] : memref<10x40xi32, #tpu.memory_space<vmem>> -> memref<1x40xi32, #tpu.memory_space<vmem>>
        %dma_start3A_1094 = tpu.memref_squeeze %dma_start3A_1093 : memref<1x40xi32, #tpu.memory_space<vmem>> -> memref<40xi32, #tpu.memory_space<vmem>>
        %dma_start3A_1095 = arith.constant 0 : i32
        %dma_start3A_1096 = arith.constant 0 : i32
        %dma_start3A_1097 = tpu.memref_slice %arg3[%dma_start3A_1095, %dma_start3A_1096] : memref<100000x128xf32, #tpu.memory_space<hbm>> -> memref<100000x128xf32, #tpu.memory_space<hbm>>
        %dma_start3A_1098 = tpu.memref_slice %arg10[%dma_start3A_1087] : memref<10x!tpu.dma_semaphore, #tpu.memory_space<semaphore_mem>> -> memref<1x!tpu.dma_semaphore, #tpu.memory_space<semaphore_mem>>
        %dma_start3A_1099 = tpu.memref_squeeze %dma_start3A_1098 : memref<1x!tpu.dma_semaphore, #tpu.memory_space<semaphore_mem>> -> memref<!tpu.dma_semaphore, #tpu.memory_space<semaphore_mem>>
        tpu.enqueue_indirect_dma source(%dma_start3A_1097 : memref<100000x128xf32, #tpu.memory_space<hbm>>) target(%dma_start3A_1091 : memref<40x128xf32, #tpu.memory_space<vmem>>) offsets(%dma_start3A_1094 : memref<40xi32, #tpu.memory_space<vmem>>) semaphore(%dma_start3A_1099 : memref<!tpu.dma_semaphore, #tpu.memory_space<semaphore_mem>>)
      } else {
      }
      %add3A_715 = arith.constant 3 : i32
      %add3A_716 = arith.addi %add3A_567, %add3A_715 : i32
      %add3A_717 = arith.addi %mul3A_2, %add3A_716 : i32
      %dma_wait3A_718 = arith.constant 3 : i32
      %dma_wait3A_719 = arith.constant 3 : i32
      %dma_wait3A_720 = arith.constant 3 : i32
      %dma_wait3A_721 = arith.constant 0 : i32
      %dma_wait3A_722 = arith.constant 0 : i32
      %dma_wait3A_723 = tpu.memref_slice %arg8[%dma_wait3A_719, %dma_wait3A_721, %dma_wait3A_722] : memref<10x40x128xf32, #tpu.memory_space<vmem>> -> memref<1x40x128xf32, #tpu.memory_space<vmem>>
      %dma_wait3A_724 = tpu.memref_squeeze %dma_wait3A_723 : memref<1x40x128xf32, #tpu.memory_space<vmem>> -> memref<40x128xf32, #tpu.memory_space<vmem>>
      %dma_wait3A_725 = arith.constant 0 : i32
      %dma_wait3A_726 = tpu.memref_slice %arg7[%dma_wait3A_718, %dma_wait3A_725] : memref<10x40xi32, #tpu.memory_space<vmem>> -> memref<1x40xi32, #tpu.memory_space<vmem>>
      %dma_wait3A_727 = tpu.memref_squeeze %dma_wait3A_726 : memref<1x40xi32, #tpu.memory_space<vmem>> -> memref<40xi32, #tpu.memory_space<vmem>>
      %dma_wait3A_728 = arith.constant 0 : i32
      %dma_wait3A_729 = arith.constant 0 : i32
      %dma_wait3A_730 = tpu.memref_slice %arg3[%dma_wait3A_728, %dma_wait3A_729] : memref<100000x128xf32, #tpu.memory_space<hbm>> -> memref<100000x128xf32, #tpu.memory_space<hbm>>
      %dma_wait3A_731 = tpu.memref_slice %arg10[%dma_wait3A_720] : memref<10x!tpu.dma_semaphore, #tpu.memory_space<semaphore_mem>> -> memref<1x!tpu.dma_semaphore, #tpu.memory_space<semaphore_mem>>
      %dma_wait3A_732 = tpu.memref_squeeze %dma_wait3A_731 : memref<1x!tpu.dma_semaphore, #tpu.memory_space<semaphore_mem>> -> memref<!tpu.dma_semaphore, #tpu.memory_space<semaphore_mem>>
      tpu.wait_indirect_dma semaphore(%dma_wait3A_732 : memref<!tpu.dma_semaphore, #tpu.memory_space<semaphore_mem>>) src(%dma_wait3A_730 : memref<100000x128xf32, #tpu.memory_space<hbm>>) dst(%dma_wait3A_724 : memref<40x128xf32, #tpu.memory_space<vmem>>)
      %add3A_733 = arith.constant 10 : i32
      %add3A_734 = arith.addi %add3A_716, %add3A_733 : i32
      %lt3A_735 = arith.constant 640 : i32
      %lt3A_736 = arith.cmpi slt, %add3A_734, %lt3A_735 : i32
      %convert_element_type3A_737 = arith.extui %lt3A_736 : i1 to i32
      %cond3A_738 = arith.constant 0 : i32
      %cond3A_739 = arith.cmpi ne, %convert_element_type3A_737, %cond3A_738 : i32
      scf.if %cond3A_739 {
        %add3A_1065 = arith.addi %mul3A_2, %add3A_716 : i32
        %add3A_1066 = arith.constant 10 : i32
        %add3A_1067 = arith.addi %add3A_1065, %add3A_1066 : i32
        %dma_start3A_1068 = arith.constant 3 : i32
        %dma_start3A_1069 = arith.constant 3 : i32
        %dma_start3A_1070 = arith.constant 0 : i32
        %dma_start3A_1071 = tpu.memref_slice %arg7[%dma_start3A_1068, %dma_start3A_1070] : memref<10x40xi32, #tpu.memory_space<vmem>> -> memref<1x40xi32, #tpu.memory_space<vmem>>
        %dma_start3A_1072 = tpu.memref_squeeze %dma_start3A_1071 : memref<1x40xi32, #tpu.memory_space<vmem>> -> memref<40xi32, #tpu.memory_space<vmem>>
        %dma_start3A_1073 = arith.constant 0 : i32
        %dma_start3A_1074 = tpu.memref_slice %arg2[%add3A_1067, %dma_start3A_1073] : memref<20480x40xi32, #tpu.memory_space<hbm>> -> memref<1x40xi32, #tpu.memory_space<hbm>>
        %dma_start3A_1075 = tpu.memref_squeeze %dma_start3A_1074 : memref<1x40xi32, #tpu.memory_space<hbm>> -> memref<40xi32, #tpu.memory_space<hbm>>
        %dma_start3A_1076 = tpu.memref_slice %arg9[%dma_start3A_1069] : memref<10x!tpu.dma_semaphore, #tpu.memory_space<semaphore_mem>> -> memref<1x!tpu.dma_semaphore, #tpu.memory_space<semaphore_mem>>
        %dma_start3A_1077 = tpu.memref_squeeze %dma_start3A_1076 : memref<1x!tpu.dma_semaphore, #tpu.memory_space<semaphore_mem>> -> memref<!tpu.dma_semaphore, #tpu.memory_space<semaphore_mem>>
        %dma_start3A_1078 = arith.constant 0 : i32
        %dma_start3A_1079 = tpu.memref_slice %arg7[%dma_start3A_1068, %dma_start3A_1078] : memref<10x40xi32, #tpu.memory_space<vmem>> -> memref<1x40xi32, #tpu.memory_space<vmem>>
        %dma_start3A_1080 = tpu.memref_squeeze %dma_start3A_1079 : memref<1x40xi32, #tpu.memory_space<vmem>> -> memref<40xi32, #tpu.memory_space<vmem>>
        %dma_start3A_1081 = arith.constant 0 : i32
        %dma_start3A_1082 = tpu.memref_slice %arg2[%add3A_1067, %dma_start3A_1081] : memref<20480x40xi32, #tpu.memory_space<hbm>> -> memref<1x40xi32, #tpu.memory_space<hbm>>
        %dma_start3A_1083 = tpu.memref_squeeze %dma_start3A_1082 : memref<1x40xi32, #tpu.memory_space<hbm>> -> memref<40xi32, #tpu.memory_space<hbm>>
        tpu.enqueue_dma source(%dma_start3A_1083 : memref<40xi32, #tpu.memory_space<hbm>>) target(%dma_start3A_1080 : memref<40xi32, #tpu.memory_space<vmem>>) target_semaphore(%dma_start3A_1077 : memref<!tpu.dma_semaphore, #tpu.memory_space<semaphore_mem>>)
      } else {
      }
      %mul3A_740 = arith.constant 40 : i32
      %mul3A_741 = arith.muli %add3A_717, %mul3A_740 : i32
      %dma_start3A_742 = arith.constant 3 : i32
      %dma_start3A_743 = arith.constant 3 : i32
      %dma_start3A_744 = arith.constant 0 : i32
      %dma_start3A_745 = arith.constant 0 : i32
      %dma_start3A_746 = tpu.memref_slice %arg8[%dma_start3A_742, %dma_start3A_744, %dma_start3A_745] : memref<10x40x128xf32, #tpu.memory_space<vmem>> -> memref<1x40x128xf32, #tpu.memory_space<vmem>>
      %dma_start3A_747 = tpu.memref_squeeze %dma_start3A_746 : memref<1x40x128xf32, #tpu.memory_space<vmem>> -> memref<40x128xf32, #tpu.memory_space<vmem>>
      %dma_start3A_748 = arith.constant 0 : i32
      %dma_start3A_749 = tpu.memref_slice %arg5[%mul3A_741, %dma_start3A_748] : memref<819200x128xf32, #tpu.memory_space<hbm>> -> memref<40x128xf32, #tpu.memory_space<hbm>>
      %dma_start3A_750 = tpu.memref_slice %arg11[%dma_start3A_743] : memref<10x!tpu.dma_semaphore, #tpu.memory_space<semaphore_mem>> -> memref<1x!tpu.dma_semaphore, #tpu.memory_space<semaphore_mem>>
      %dma_start3A_751 = tpu.memref_squeeze %dma_start3A_750 : memref<1x!tpu.dma_semaphore, #tpu.memory_space<semaphore_mem>> -> memref<!tpu.dma_semaphore, #tpu.memory_space<semaphore_mem>>
      %dma_start3A_752 = arith.constant 0 : i32
      %dma_start3A_753 = tpu.memref_slice %arg5[%mul3A_741, %dma_start3A_752] : memref<819200x128xf32, #tpu.memory_space<hbm>> -> memref<40x128xf32, #tpu.memory_space<hbm>>
      %dma_start3A_754 = arith.constant 0 : i32
      %dma_start3A_755 = arith.constant 0 : i32
      %dma_start3A_756 = tpu.memref_slice %arg8[%dma_start3A_742, %dma_start3A_754, %dma_start3A_755] : memref<10x40x128xf32, #tpu.memory_space<vmem>> -> memref<1x40x128xf32, #tpu.memory_space<vmem>>
      %dma_start3A_757 = tpu.memref_squeeze %dma_start3A_756 : memref<1x40x128xf32, #tpu.memory_space<vmem>> -> memref<40x128xf32, #tpu.memory_space<vmem>>
      tpu.enqueue_dma source(%dma_start3A_757 : memref<40x128xf32, #tpu.memory_space<vmem>>) target(%dma_start3A_753 : memref<40x128xf32, #tpu.memory_space<hbm>>) target_semaphore(%dma_start3A_751 : memref<!tpu.dma_semaphore, #tpu.memory_space<semaphore_mem>>)
      %add3A_758 = arith.constant 6 : i32
      %add3A_759 = arith.addi %add3A_716, %add3A_758 : i32
      %lt3A_760 = arith.constant 640 : i32
      %lt3A_761 = arith.cmpi slt, %add3A_759, %lt3A_760 : i32
      %convert_element_type3A_762 = arith.extui %lt3A_761 : i1 to i32
      %cond3A_763 = arith.constant 0 : i32
      %cond3A_764 = arith.cmpi ne, %convert_element_type3A_762, %cond3A_763 : i32
      scf.if %cond3A_764 {
        %ge3A = arith.constant 4 : i32
        %ge3A_1065 = arith.cmpi sge, %add3A_716, %ge3A : i32
        %convert_element_type3A_1066 = arith.extui %ge3A_1065 : i1 to i32
        %cond3A_1067 = arith.constant 0 : i32
        %cond3A_1068 = arith.cmpi ne, %convert_element_type3A_1066, %cond3A_1067 : i32
        scf.if %cond3A_1068 {
          %mul3A_1100 = arith.constant 40 : i32
          %mul3A_1101 = arith.muli %mul3A_2, %mul3A_1100 : i32
          %dma_wait3A_1102 = arith.constant 9 : i32
          %dma_wait3A_1103 = arith.constant 9 : i32
          %dma_wait3A_1104 = arith.constant 0 : i32
          %dma_wait3A_1105 = arith.constant 0 : i32
          %dma_wait3A_1106 = tpu.memref_slice %arg8[%dma_wait3A_1102, %dma_wait3A_1104, %dma_wait3A_1105] : memref<10x40x128xf32, #tpu.memory_space<vmem>> -> memref<1x40x128xf32, #tpu.memory_space<vmem>>
          %dma_wait3A_1107 = tpu.memref_squeeze %dma_wait3A_1106 : memref<1x40x128xf32, #tpu.memory_space<vmem>> -> memref<40x128xf32, #tpu.memory_space<vmem>>
          %dma_wait3A_1108 = arith.constant 0 : i32
          %dma_wait3A_1109 = tpu.memref_slice %arg5[%mul3A_1101, %dma_wait3A_1108] : memref<819200x128xf32, #tpu.memory_space<hbm>> -> memref<40x128xf32, #tpu.memory_space<hbm>>
          %dma_wait3A_1110 = tpu.memref_slice %arg11[%dma_wait3A_1103] : memref<10x!tpu.dma_semaphore, #tpu.memory_space<semaphore_mem>> -> memref<1x!tpu.dma_semaphore, #tpu.memory_space<semaphore_mem>>
          %dma_wait3A_1111 = tpu.memref_squeeze %dma_wait3A_1110 : memref<1x!tpu.dma_semaphore, #tpu.memory_space<semaphore_mem>> -> memref<!tpu.dma_semaphore, #tpu.memory_space<semaphore_mem>>
          %dma_wait3A_1112 = arith.constant 0 : i32
          %dma_wait3A_1113 = tpu.memref_slice %arg5[%mul3A_1101, %dma_wait3A_1112] : memref<819200x128xf32, #tpu.memory_space<hbm>> -> memref<40x128xf32, #tpu.memory_space<hbm>>
          %dma_wait3A_1114 = arith.constant 0 : i32
          %dma_wait3A_1115 = arith.constant 0 : i32
          %dma_wait3A_1116 = tpu.memref_slice %arg8[%dma_wait3A_1102, %dma_wait3A_1114, %dma_wait3A_1115] : memref<10x40x128xf32, #tpu.memory_space<vmem>> -> memref<1x40x128xf32, #tpu.memory_space<vmem>>
          %dma_wait3A_1117 = tpu.memref_squeeze %dma_wait3A_1116 : memref<1x40x128xf32, #tpu.memory_space<vmem>> -> memref<40x128xf32, #tpu.memory_space<vmem>>
          tpu.wait_dma2 semaphore(%dma_wait3A_1111 : memref<!tpu.dma_semaphore, #tpu.memory_space<semaphore_mem>>) src(%dma_wait3A_1117 : memref<40x128xf32, #tpu.memory_space<vmem>>) dst(%dma_wait3A_1113 : memref<40x128xf32, #tpu.memory_space<hbm>>)
        } else {
        }
        %dma_wait3A_1069 = arith.constant 9 : i32
        %dma_wait3A_1070 = arith.constant 9 : i32
        %dma_wait3A_1071 = arith.constant 0 : i32
        %dma_wait3A_1072 = tpu.memref_slice %arg7[%dma_wait3A_1069, %dma_wait3A_1071] : memref<10x40xi32, #tpu.memory_space<vmem>> -> memref<1x40xi32, #tpu.memory_space<vmem>>
        %dma_wait3A_1073 = tpu.memref_squeeze %dma_wait3A_1072 : memref<1x40xi32, #tpu.memory_space<vmem>> -> memref<40xi32, #tpu.memory_space<vmem>>
        %dma_wait3A_1074 = arith.constant 0 : i32
        %dma_wait3A_1075 = tpu.memref_slice %arg2[%mul3A_2, %dma_wait3A_1074] : memref<20480x40xi32, #tpu.memory_space<hbm>> -> memref<1x40xi32, #tpu.memory_space<hbm>>
        %dma_wait3A_1076 = tpu.memref_squeeze %dma_wait3A_1075 : memref<1x40xi32, #tpu.memory_space<hbm>> -> memref<40xi32, #tpu.memory_space<hbm>>
        %dma_wait3A_1077 = tpu.memref_slice %arg9[%dma_wait3A_1070] : memref<10x!tpu.dma_semaphore, #tpu.memory_space<semaphore_mem>> -> memref<1x!tpu.dma_semaphore, #tpu.memory_space<semaphore_mem>>
        %dma_wait3A_1078 = tpu.memref_squeeze %dma_wait3A_1077 : memref<1x!tpu.dma_semaphore, #tpu.memory_space<semaphore_mem>> -> memref<!tpu.dma_semaphore, #tpu.memory_space<semaphore_mem>>
        %dma_wait3A_1079 = arith.constant 0 : i32
        %dma_wait3A_1080 = tpu.memref_slice %arg7[%dma_wait3A_1069, %dma_wait3A_1079] : memref<10x40xi32, #tpu.memory_space<vmem>> -> memref<1x40xi32, #tpu.memory_space<vmem>>
        %dma_wait3A_1081 = tpu.memref_squeeze %dma_wait3A_1080 : memref<1x40xi32, #tpu.memory_space<vmem>> -> memref<40xi32, #tpu.memory_space<vmem>>
        %dma_wait3A_1082 = arith.constant 0 : i32
        %dma_wait3A_1083 = tpu.memref_slice %arg2[%mul3A_2, %dma_wait3A_1082] : memref<20480x40xi32, #tpu.memory_space<hbm>> -> memref<1x40xi32, #tpu.memory_space<hbm>>
        %dma_wait3A_1084 = tpu.memref_squeeze %dma_wait3A_1083 : memref<1x40xi32, #tpu.memory_space<hbm>> -> memref<40xi32, #tpu.memory_space<hbm>>
        tpu.wait_dma2 semaphore(%dma_wait3A_1078 : memref<!tpu.dma_semaphore, #tpu.memory_space<semaphore_mem>>) src(%dma_wait3A_1084 : memref<40xi32, #tpu.memory_space<hbm>>) dst(%dma_wait3A_1081 : memref<40xi32, #tpu.memory_space<vmem>>)
        %dma_start3A_1085 = arith.constant 9 : i32
        %dma_start3A_1086 = arith.constant 9 : i32
        %dma_start3A_1087 = arith.constant 9 : i32
        %dma_start3A_1088 = arith.constant 0 : i32
        %dma_start3A_1089 = arith.constant 0 : i32
        %dma_start3A_1090 = tpu.memref_slice %arg8[%dma_start3A_1086, %dma_start3A_1088, %dma_start3A_1089] : memref<10x40x128xf32, #tpu.memory_space<vmem>> -> memref<1x40x128xf32, #tpu.memory_space<vmem>>
        %dma_start3A_1091 = tpu.memref_squeeze %dma_start3A_1090 : memref<1x40x128xf32, #tpu.memory_space<vmem>> -> memref<40x128xf32, #tpu.memory_space<vmem>>
        %dma_start3A_1092 = arith.constant 0 : i32
        %dma_start3A_1093 = tpu.memref_slice %arg7[%dma_start3A_1085, %dma_start3A_1092] : memref<10x40xi32, #tpu.memory_space<vmem>> -> memref<1x40xi32, #tpu.memory_space<vmem>>
        %dma_start3A_1094 = tpu.memref_squeeze %dma_start3A_1093 : memref<1x40xi32, #tpu.memory_space<vmem>> -> memref<40xi32, #tpu.memory_space<vmem>>
        %dma_start3A_1095 = arith.constant 0 : i32
        %dma_start3A_1096 = arith.constant 0 : i32
        %dma_start3A_1097 = tpu.memref_slice %arg3[%dma_start3A_1095, %dma_start3A_1096] : memref<100000x128xf32, #tpu.memory_space<hbm>> -> memref<100000x128xf32, #tpu.memory_space<hbm>>
        %dma_start3A_1098 = tpu.memref_slice %arg10[%dma_start3A_1087] : memref<10x!tpu.dma_semaphore, #tpu.memory_space<semaphore_mem>> -> memref<1x!tpu.dma_semaphore, #tpu.memory_space<semaphore_mem>>
        %dma_start3A_1099 = tpu.memref_squeeze %dma_start3A_1098 : memref<1x!tpu.dma_semaphore, #tpu.memory_space<semaphore_mem>> -> memref<!tpu.dma_semaphore, #tpu.memory_space<semaphore_mem>>
        tpu.enqueue_indirect_dma source(%dma_start3A_1097 : memref<100000x128xf32, #tpu.memory_space<hbm>>) target(%dma_start3A_1091 : memref<40x128xf32, #tpu.memory_space<vmem>>) offsets(%dma_start3A_1094 : memref<40xi32, #tpu.memory_space<vmem>>) semaphore(%dma_start3A_1099 : memref<!tpu.dma_semaphore, #tpu.memory_space<semaphore_mem>>)
      } else {
      }
      %add3A_765 = arith.constant 4 : i32
      %add3A_766 = arith.addi %add3A_567, %add3A_765 : i32
      %add3A_767 = arith.addi %mul3A_2, %add3A_766 : i32
      %dma_wait3A_768 = arith.constant 4 : i32
      %dma_wait3A_769 = arith.constant 4 : i32
      %dma_wait3A_770 = arith.constant 4 : i32
      %dma_wait3A_771 = arith.constant 0 : i32
      %dma_wait3A_772 = arith.constant 0 : i32
      %dma_wait3A_773 = tpu.memref_slice %arg8[%dma_wait3A_769, %dma_wait3A_771, %dma_wait3A_772] : memref<10x40x128xf32, #tpu.memory_space<vmem>> -> memref<1x40x128xf32, #tpu.memory_space<vmem>>
      %dma_wait3A_774 = tpu.memref_squeeze %dma_wait3A_773 : memref<1x40x128xf32, #tpu.memory_space<vmem>> -> memref<40x128xf32, #tpu.memory_space<vmem>>
      %dma_wait3A_775 = arith.constant 0 : i32
      %dma_wait3A_776 = tpu.memref_slice %arg7[%dma_wait3A_768, %dma_wait3A_775] : memref<10x40xi32, #tpu.memory_space<vmem>> -> memref<1x40xi32, #tpu.memory_space<vmem>>
      %dma_wait3A_777 = tpu.memref_squeeze %dma_wait3A_776 : memref<1x40xi32, #tpu.memory_space<vmem>> -> memref<40xi32, #tpu.memory_space<vmem>>
      %dma_wait3A_778 = arith.constant 0 : i32
      %dma_wait3A_779 = arith.constant 0 : i32
      %dma_wait3A_780 = tpu.memref_slice %arg3[%dma_wait3A_778, %dma_wait3A_779] : memref<100000x128xf32, #tpu.memory_space<hbm>> -> memref<100000x128xf32, #tpu.memory_space<hbm>>
      %dma_wait3A_781 = tpu.memref_slice %arg10[%dma_wait3A_770] : memref<10x!tpu.dma_semaphore, #tpu.memory_space<semaphore_mem>> -> memref<1x!tpu.dma_semaphore, #tpu.memory_space<semaphore_mem>>
      %dma_wait3A_782 = tpu.memref_squeeze %dma_wait3A_781 : memref<1x!tpu.dma_semaphore, #tpu.memory_space<semaphore_mem>> -> memref<!tpu.dma_semaphore, #tpu.memory_space<semaphore_mem>>
      tpu.wait_indirect_dma semaphore(%dma_wait3A_782 : memref<!tpu.dma_semaphore, #tpu.memory_space<semaphore_mem>>) src(%dma_wait3A_780 : memref<100000x128xf32, #tpu.memory_space<hbm>>) dst(%dma_wait3A_774 : memref<40x128xf32, #tpu.memory_space<vmem>>)
      %add3A_783 = arith.constant 10 : i32
      %add3A_784 = arith.addi %add3A_766, %add3A_783 : i32
      %lt3A_785 = arith.constant 640 : i32
      %lt3A_786 = arith.cmpi slt, %add3A_784, %lt3A_785 : i32
      %convert_element_type3A_787 = arith.extui %lt3A_786 : i1 to i32
      %cond3A_788 = arith.constant 0 : i32
      %cond3A_789 = arith.cmpi ne, %convert_element_type3A_787, %cond3A_788 : i32
      scf.if %cond3A_789 {
        %add3A_1065 = arith.addi %mul3A_2, %add3A_766 : i32
        %add3A_1066 = arith.constant 10 : i32
        %add3A_1067 = arith.addi %add3A_1065, %add3A_1066 : i32
        %dma_start3A_1068 = arith.constant 4 : i32
        %dma_start3A_1069 = arith.constant 4 : i32
        %dma_start3A_1070 = arith.constant 0 : i32
        %dma_start3A_1071 = tpu.memref_slice %arg7[%dma_start3A_1068, %dma_start3A_1070] : memref<10x40xi32, #tpu.memory_space<vmem>> -> memref<1x40xi32, #tpu.memory_space<vmem>>
        %dma_start3A_1072 = tpu.memref_squeeze %dma_start3A_1071 : memref<1x40xi32, #tpu.memory_space<vmem>> -> memref<40xi32, #tpu.memory_space<vmem>>
        %dma_start3A_1073 = arith.constant 0 : i32
        %dma_start3A_1074 = tpu.memref_slice %arg2[%add3A_1067, %dma_start3A_1073] : memref<20480x40xi32, #tpu.memory_space<hbm>> -> memref<1x40xi32, #tpu.memory_space<hbm>>
        %dma_start3A_1075 = tpu.memref_squeeze %dma_start3A_1074 : memref<1x40xi32, #tpu.memory_space<hbm>> -> memref<40xi32, #tpu.memory_space<hbm>>
        %dma_start3A_1076 = tpu.memref_slice %arg9[%dma_start3A_1069] : memref<10x!tpu.dma_semaphore, #tpu.memory_space<semaphore_mem>> -> memref<1x!tpu.dma_semaphore, #tpu.memory_space<semaphore_mem>>
        %dma_start3A_1077 = tpu.memref_squeeze %dma_start3A_1076 : memref<1x!tpu.dma_semaphore, #tpu.memory_space<semaphore_mem>> -> memref<!tpu.dma_semaphore, #tpu.memory_space<semaphore_mem>>
        %dma_start3A_1078 = arith.constant 0 : i32
        %dma_start3A_1079 = tpu.memref_slice %arg7[%dma_start3A_1068, %dma_start3A_1078] : memref<10x40xi32, #tpu.memory_space<vmem>> -> memref<1x40xi32, #tpu.memory_space<vmem>>
        %dma_start3A_1080 = tpu.memref_squeeze %dma_start3A_1079 : memref<1x40xi32, #tpu.memory_space<vmem>> -> memref<40xi32, #tpu.memory_space<vmem>>
        %dma_start3A_1081 = arith.constant 0 : i32
        %dma_start3A_1082 = tpu.memref_slice %arg2[%add3A_1067, %dma_start3A_1081] : memref<20480x40xi32, #tpu.memory_space<hbm>> -> memref<1x40xi32, #tpu.memory_space<hbm>>
        %dma_start3A_1083 = tpu.memref_squeeze %dma_start3A_1082 : memref<1x40xi32, #tpu.memory_space<hbm>> -> memref<40xi32, #tpu.memory_space<hbm>>
        tpu.enqueue_dma source(%dma_start3A_1083 : memref<40xi32, #tpu.memory_space<hbm>>) target(%dma_start3A_1080 : memref<40xi32, #tpu.memory_space<vmem>>) target_semaphore(%dma_start3A_1077 : memref<!tpu.dma_semaphore, #tpu.memory_space<semaphore_mem>>)
      } else {
      }
      %mul3A_790 = arith.constant 40 : i32
      %mul3A_791 = arith.muli %add3A_767, %mul3A_790 : i32
      %dma_start3A_792 = arith.constant 4 : i32
      %dma_start3A_793 = arith.constant 4 : i32
      %dma_start3A_794 = arith.constant 0 : i32
      %dma_start3A_795 = arith.constant 0 : i32
      %dma_start3A_796 = tpu.memref_slice %arg8[%dma_start3A_792, %dma_start3A_794, %dma_start3A_795] : memref<10x40x128xf32, #tpu.memory_space<vmem>> -> memref<1x40x128xf32, #tpu.memory_space<vmem>>
      %dma_start3A_797 = tpu.memref_squeeze %dma_start3A_796 : memref<1x40x128xf32, #tpu.memory_space<vmem>> -> memref<40x128xf32, #tpu.memory_space<vmem>>
      %dma_start3A_798 = arith.constant 0 : i32
      %dma_start3A_799 = tpu.memref_slice %arg5[%mul3A_791, %dma_start3A_798] : memref<819200x128xf32, #tpu.memory_space<hbm>> -> memref<40x128xf32, #tpu.memory_space<hbm>>
      %dma_start3A_800 = tpu.memref_slice %arg11[%dma_start3A_793] : memref<10x!tpu.dma_semaphore, #tpu.memory_space<semaphore_mem>> -> memref<1x!tpu.dma_semaphore, #tpu.memory_space<semaphore_mem>>
      %dma_start3A_801 = tpu.memref_squeeze %dma_start3A_800 : memref<1x!tpu.dma_semaphore, #tpu.memory_space<semaphore_mem>> -> memref<!tpu.dma_semaphore, #tpu.memory_space<semaphore_mem>>
      %dma_start3A_802 = arith.constant 0 : i32
      %dma_start3A_803 = tpu.memref_slice %arg5[%mul3A_791, %dma_start3A_802] : memref<819200x128xf32, #tpu.memory_space<hbm>> -> memref<40x128xf32, #tpu.memory_space<hbm>>
      %dma_start3A_804 = arith.constant 0 : i32
      %dma_start3A_805 = arith.constant 0 : i32
      %dma_start3A_806 = tpu.memref_slice %arg8[%dma_start3A_792, %dma_start3A_804, %dma_start3A_805] : memref<10x40x128xf32, #tpu.memory_space<vmem>> -> memref<1x40x128xf32, #tpu.memory_space<vmem>>
      %dma_start3A_807 = tpu.memref_squeeze %dma_start3A_806 : memref<1x40x128xf32, #tpu.memory_space<vmem>> -> memref<40x128xf32, #tpu.memory_space<vmem>>
      tpu.enqueue_dma source(%dma_start3A_807 : memref<40x128xf32, #tpu.memory_space<vmem>>) target(%dma_start3A_803 : memref<40x128xf32, #tpu.memory_space<hbm>>) target_semaphore(%dma_start3A_801 : memref<!tpu.dma_semaphore, #tpu.memory_space<semaphore_mem>>)
      %add3A_808 = arith.constant 6 : i32
      %add3A_809 = arith.addi %add3A_766, %add3A_808 : i32
      %lt3A_810 = arith.constant 640 : i32
      %lt3A_811 = arith.cmpi slt, %add3A_809, %lt3A_810 : i32
      %convert_element_type3A_812 = arith.extui %lt3A_811 : i1 to i32
      %cond3A_813 = arith.constant 0 : i32
      %cond3A_814 = arith.cmpi ne, %convert_element_type3A_812, %cond3A_813 : i32
      scf.if %cond3A_814 {
        %ge3A = arith.constant 4 : i32
        %ge3A_1065 = arith.cmpi sge, %add3A_766, %ge3A : i32
        %convert_element_type3A_1066 = arith.extui %ge3A_1065 : i1 to i32
        %cond3A_1067 = arith.constant 0 : i32
        %cond3A_1068 = arith.cmpi ne, %convert_element_type3A_1066, %cond3A_1067 : i32
        scf.if %cond3A_1068 {
          %mul3A_1100 = arith.constant 40 : i32
          %mul3A_1101 = arith.muli %mul3A_2, %mul3A_1100 : i32
          %dma_wait3A_1102 = arith.constant 0 : i32
          %dma_wait3A_1103 = arith.constant 0 : i32
          %dma_wait3A_1104 = arith.constant 0 : i32
          %dma_wait3A_1105 = arith.constant 0 : i32
          %dma_wait3A_1106 = tpu.memref_slice %arg8[%dma_wait3A_1102, %dma_wait3A_1104, %dma_wait3A_1105] : memref<10x40x128xf32, #tpu.memory_space<vmem>> -> memref<1x40x128xf32, #tpu.memory_space<vmem>>
          %dma_wait3A_1107 = tpu.memref_squeeze %dma_wait3A_1106 : memref<1x40x128xf32, #tpu.memory_space<vmem>> -> memref<40x128xf32, #tpu.memory_space<vmem>>
          %dma_wait3A_1108 = arith.constant 0 : i32
          %dma_wait3A_1109 = tpu.memref_slice %arg5[%mul3A_1101, %dma_wait3A_1108] : memref<819200x128xf32, #tpu.memory_space<hbm>> -> memref<40x128xf32, #tpu.memory_space<hbm>>
          %dma_wait3A_1110 = tpu.memref_slice %arg11[%dma_wait3A_1103] : memref<10x!tpu.dma_semaphore, #tpu.memory_space<semaphore_mem>> -> memref<1x!tpu.dma_semaphore, #tpu.memory_space<semaphore_mem>>
          %dma_wait3A_1111 = tpu.memref_squeeze %dma_wait3A_1110 : memref<1x!tpu.dma_semaphore, #tpu.memory_space<semaphore_mem>> -> memref<!tpu.dma_semaphore, #tpu.memory_space<semaphore_mem>>
          %dma_wait3A_1112 = arith.constant 0 : i32
          %dma_wait3A_1113 = tpu.memref_slice %arg5[%mul3A_1101, %dma_wait3A_1112] : memref<819200x128xf32, #tpu.memory_space<hbm>> -> memref<40x128xf32, #tpu.memory_space<hbm>>
          %dma_wait3A_1114 = arith.constant 0 : i32
          %dma_wait3A_1115 = arith.constant 0 : i32
          %dma_wait3A_1116 = tpu.memref_slice %arg8[%dma_wait3A_1102, %dma_wait3A_1114, %dma_wait3A_1115] : memref<10x40x128xf32, #tpu.memory_space<vmem>> -> memref<1x40x128xf32, #tpu.memory_space<vmem>>
          %dma_wait3A_1117 = tpu.memref_squeeze %dma_wait3A_1116 : memref<1x40x128xf32, #tpu.memory_space<vmem>> -> memref<40x128xf32, #tpu.memory_space<vmem>>
          tpu.wait_dma2 semaphore(%dma_wait3A_1111 : memref<!tpu.dma_semaphore, #tpu.memory_space<semaphore_mem>>) src(%dma_wait3A_1117 : memref<40x128xf32, #tpu.memory_space<vmem>>) dst(%dma_wait3A_1113 : memref<40x128xf32, #tpu.memory_space<hbm>>)
        } else {
        }
        %dma_wait3A_1069 = arith.constant 0 : i32
        %dma_wait3A_1070 = arith.constant 0 : i32
        %dma_wait3A_1071 = arith.constant 0 : i32
        %dma_wait3A_1072 = tpu.memref_slice %arg7[%dma_wait3A_1069, %dma_wait3A_1071] : memref<10x40xi32, #tpu.memory_space<vmem>> -> memref<1x40xi32, #tpu.memory_space<vmem>>
        %dma_wait3A_1073 = tpu.memref_squeeze %dma_wait3A_1072 : memref<1x40xi32, #tpu.memory_space<vmem>> -> memref<40xi32, #tpu.memory_space<vmem>>
        %dma_wait3A_1074 = arith.constant 0 : i32
        %dma_wait3A_1075 = tpu.memref_slice %arg2[%mul3A_2, %dma_wait3A_1074] : memref<20480x40xi32, #tpu.memory_space<hbm>> -> memref<1x40xi32, #tpu.memory_space<hbm>>
        %dma_wait3A_1076 = tpu.memref_squeeze %dma_wait3A_1075 : memref<1x40xi32, #tpu.memory_space<hbm>> -> memref<40xi32, #tpu.memory_space<hbm>>
        %dma_wait3A_1077 = tpu.memref_slice %arg9[%dma_wait3A_1070] : memref<10x!tpu.dma_semaphore, #tpu.memory_space<semaphore_mem>> -> memref<1x!tpu.dma_semaphore, #tpu.memory_space<semaphore_mem>>
        %dma_wait3A_1078 = tpu.memref_squeeze %dma_wait3A_1077 : memref<1x!tpu.dma_semaphore, #tpu.memory_space<semaphore_mem>> -> memref<!tpu.dma_semaphore, #tpu.memory_space<semaphore_mem>>
        %dma_wait3A_1079 = arith.constant 0 : i32
        %dma_wait3A_1080 = tpu.memref_slice %arg7[%dma_wait3A_1069, %dma_wait3A_1079] : memref<10x40xi32, #tpu.memory_space<vmem>> -> memref<1x40xi32, #tpu.memory_space<vmem>>
        %dma_wait3A_1081 = tpu.memref_squeeze %dma_wait3A_1080 : memref<1x40xi32, #tpu.memory_space<vmem>> -> memref<40xi32, #tpu.memory_space<vmem>>
        %dma_wait3A_1082 = arith.constant 0 : i32
        %dma_wait3A_1083 = tpu.memref_slice %arg2[%mul3A_2, %dma_wait3A_1082] : memref<20480x40xi32, #tpu.memory_space<hbm>> -> memref<1x40xi32, #tpu.memory_space<hbm>>
        %dma_wait3A_1084 = tpu.memref_squeeze %dma_wait3A_1083 : memref<1x40xi32, #tpu.memory_space<hbm>> -> memref<40xi32, #tpu.memory_space<hbm>>
        tpu.wait_dma2 semaphore(%dma_wait3A_1078 : memref<!tpu.dma_semaphore, #tpu.memory_space<semaphore_mem>>) src(%dma_wait3A_1084 : memref<40xi32, #tpu.memory_space<hbm>>) dst(%dma_wait3A_1081 : memref<40xi32, #tpu.memory_space<vmem>>)
        %dma_start3A_1085 = arith.constant 0 : i32
        %dma_start3A_1086 = arith.constant 0 : i32
        %dma_start3A_1087 = arith.constant 0 : i32
        %dma_start3A_1088 = arith.constant 0 : i32
        %dma_start3A_1089 = arith.constant 0 : i32
        %dma_start3A_1090 = tpu.memref_slice %arg8[%dma_start3A_1086, %dma_start3A_1088, %dma_start3A_1089] : memref<10x40x128xf32, #tpu.memory_space<vmem>> -> memref<1x40x128xf32, #tpu.memory_space<vmem>>
        %dma_start3A_1091 = tpu.memref_squeeze %dma_start3A_1090 : memref<1x40x128xf32, #tpu.memory_space<vmem>> -> memref<40x128xf32, #tpu.memory_space<vmem>>
        %dma_start3A_1092 = arith.constant 0 : i32
        %dma_start3A_1093 = tpu.memref_slice %arg7[%dma_start3A_1085, %dma_start3A_1092] : memref<10x40xi32, #tpu.memory_space<vmem>> -> memref<1x40xi32, #tpu.memory_space<vmem>>
        %dma_start3A_1094 = tpu.memref_squeeze %dma_start3A_1093 : memref<1x40xi32, #tpu.memory_space<vmem>> -> memref<40xi32, #tpu.memory_space<vmem>>
        %dma_start3A_1095 = arith.constant 0 : i32
        %dma_start3A_1096 = arith.constant 0 : i32
        %dma_start3A_1097 = tpu.memref_slice %arg3[%dma_start3A_1095, %dma_start3A_1096] : memref<100000x128xf32, #tpu.memory_space<hbm>> -> memref<100000x128xf32, #tpu.memory_space<hbm>>
        %dma_start3A_1098 = tpu.memref_slice %arg10[%dma_start3A_1087] : memref<10x!tpu.dma_semaphore, #tpu.memory_space<semaphore_mem>> -> memref<1x!tpu.dma_semaphore, #tpu.memory_space<semaphore_mem>>
        %dma_start3A_1099 = tpu.memref_squeeze %dma_start3A_1098 : memref<1x!tpu.dma_semaphore, #tpu.memory_space<semaphore_mem>> -> memref<!tpu.dma_semaphore, #tpu.memory_space<semaphore_mem>>
        tpu.enqueue_indirect_dma source(%dma_start3A_1097 : memref<100000x128xf32, #tpu.memory_space<hbm>>) target(%dma_start3A_1091 : memref<40x128xf32, #tpu.memory_space<vmem>>) offsets(%dma_start3A_1094 : memref<40xi32, #tpu.memory_space<vmem>>) semaphore(%dma_start3A_1099 : memref<!tpu.dma_semaphore, #tpu.memory_space<semaphore_mem>>)
      } else {
      }
      %add3A_815 = arith.constant 5 : i32
      %add3A_816 = arith.addi %add3A_567, %add3A_815 : i32
      %add3A_817 = arith.addi %mul3A_2, %add3A_816 : i32
      %dma_wait3A_818 = arith.constant 5 : i32
      %dma_wait3A_819 = arith.constant 5 : i32
      %dma_wait3A_820 = arith.constant 5 : i32
      %dma_wait3A_821 = arith.constant 0 : i32
      %dma_wait3A_822 = arith.constant 0 : i32
      %dma_wait3A_823 = tpu.memref_slice %arg8[%dma_wait3A_819, %dma_wait3A_821, %dma_wait3A_822] : memref<10x40x128xf32, #tpu.memory_space<vmem>> -> memref<1x40x128xf32, #tpu.memory_space<vmem>>
      %dma_wait3A_824 = tpu.memref_squeeze %dma_wait3A_823 : memref<1x40x128xf32, #tpu.memory_space<vmem>> -> memref<40x128xf32, #tpu.memory_space<vmem>>
      %dma_wait3A_825 = arith.constant 0 : i32
      %dma_wait3A_826 = tpu.memref_slice %arg7[%dma_wait3A_818, %dma_wait3A_825] : memref<10x40xi32, #tpu.memory_space<vmem>> -> memref<1x40xi32, #tpu.memory_space<vmem>>
      %dma_wait3A_827 = tpu.memref_squeeze %dma_wait3A_826 : memref<1x40xi32, #tpu.memory_space<vmem>> -> memref<40xi32, #tpu.memory_space<vmem>>
      %dma_wait3A_828 = arith.constant 0 : i32
      %dma_wait3A_829 = arith.constant 0 : i32
      %dma_wait3A_830 = tpu.memref_slice %arg3[%dma_wait3A_828, %dma_wait3A_829] : memref<100000x128xf32, #tpu.memory_space<hbm>> -> memref<100000x128xf32, #tpu.memory_space<hbm>>
      %dma_wait3A_831 = tpu.memref_slice %arg10[%dma_wait3A_820] : memref<10x!tpu.dma_semaphore, #tpu.memory_space<semaphore_mem>> -> memref<1x!tpu.dma_semaphore, #tpu.memory_space<semaphore_mem>>
      %dma_wait3A_832 = tpu.memref_squeeze %dma_wait3A_831 : memref<1x!tpu.dma_semaphore, #tpu.memory_space<semaphore_mem>> -> memref<!tpu.dma_semaphore, #tpu.memory_space<semaphore_mem>>
      tpu.wait_indirect_dma semaphore(%dma_wait3A_832 : memref<!tpu.dma_semaphore, #tpu.memory_space<semaphore_mem>>) src(%dma_wait3A_830 : memref<100000x128xf32, #tpu.memory_space<hbm>>) dst(%dma_wait3A_824 : memref<40x128xf32, #tpu.memory_space<vmem>>)
      %add3A_833 = arith.constant 10 : i32
      %add3A_834 = arith.addi %add3A_816, %add3A_833 : i32
      %lt3A_835 = arith.constant 640 : i32
      %lt3A_836 = arith.cmpi slt, %add3A_834, %lt3A_835 : i32
      %convert_element_type3A_837 = arith.extui %lt3A_836 : i1 to i32
      %cond3A_838 = arith.constant 0 : i32
      %cond3A_839 = arith.cmpi ne, %convert_element_type3A_837, %cond3A_838 : i32
      scf.if %cond3A_839 {
        %add3A_1065 = arith.addi %mul3A_2, %add3A_816 : i32
        %add3A_1066 = arith.constant 10 : i32
        %add3A_1067 = arith.addi %add3A_1065, %add3A_1066 : i32
        %dma_start3A_1068 = arith.constant 5 : i32
        %dma_start3A_1069 = arith.constant 5 : i32
        %dma_start3A_1070 = arith.constant 0 : i32
        %dma_start3A_1071 = tpu.memref_slice %arg7[%dma_start3A_1068, %dma_start3A_1070] : memref<10x40xi32, #tpu.memory_space<vmem>> -> memref<1x40xi32, #tpu.memory_space<vmem>>
        %dma_start3A_1072 = tpu.memref_squeeze %dma_start3A_1071 : memref<1x40xi32, #tpu.memory_space<vmem>> -> memref<40xi32, #tpu.memory_space<vmem>>
        %dma_start3A_1073 = arith.constant 0 : i32
        %dma_start3A_1074 = tpu.memref_slice %arg2[%add3A_1067, %dma_start3A_1073] : memref<20480x40xi32, #tpu.memory_space<hbm>> -> memref<1x40xi32, #tpu.memory_space<hbm>>
        %dma_start3A_1075 = tpu.memref_squeeze %dma_start3A_1074 : memref<1x40xi32, #tpu.memory_space<hbm>> -> memref<40xi32, #tpu.memory_space<hbm>>
        %dma_start3A_1076 = tpu.memref_slice %arg9[%dma_start3A_1069] : memref<10x!tpu.dma_semaphore, #tpu.memory_space<semaphore_mem>> -> memref<1x!tpu.dma_semaphore, #tpu.memory_space<semaphore_mem>>
        %dma_start3A_1077 = tpu.memref_squeeze %dma_start3A_1076 : memref<1x!tpu.dma_semaphore, #tpu.memory_space<semaphore_mem>> -> memref<!tpu.dma_semaphore, #tpu.memory_space<semaphore_mem>>
        %dma_start3A_1078 = arith.constant 0 : i32
        %dma_start3A_1079 = tpu.memref_slice %arg7[%dma_start3A_1068, %dma_start3A_1078] : memref<10x40xi32, #tpu.memory_space<vmem>> -> memref<1x40xi32, #tpu.memory_space<vmem>>
        %dma_start3A_1080 = tpu.memref_squeeze %dma_start3A_1079 : memref<1x40xi32, #tpu.memory_space<vmem>> -> memref<40xi32, #tpu.memory_space<vmem>>
        %dma_start3A_1081 = arith.constant 0 : i32
        %dma_start3A_1082 = tpu.memref_slice %arg2[%add3A_1067, %dma_start3A_1081] : memref<20480x40xi32, #tpu.memory_space<hbm>> -> memref<1x40xi32, #tpu.memory_space<hbm>>
        %dma_start3A_1083 = tpu.memref_squeeze %dma_start3A_1082 : memref<1x40xi32, #tpu.memory_space<hbm>> -> memref<40xi32, #tpu.memory_space<hbm>>
        tpu.enqueue_dma source(%dma_start3A_1083 : memref<40xi32, #tpu.memory_space<hbm>>) target(%dma_start3A_1080 : memref<40xi32, #tpu.memory_space<vmem>>) target_semaphore(%dma_start3A_1077 : memref<!tpu.dma_semaphore, #tpu.memory_space<semaphore_mem>>)
      } else {
      }
      %mul3A_840 = arith.constant 40 : i32
      %mul3A_841 = arith.muli %add3A_817, %mul3A_840 : i32
      %dma_start3A_842 = arith.constant 5 : i32
      %dma_start3A_843 = arith.constant 5 : i32
      %dma_start3A_844 = arith.constant 0 : i32
      %dma_start3A_845 = arith.constant 0 : i32
      %dma_start3A_846 = tpu.memref_slice %arg8[%dma_start3A_842, %dma_start3A_844, %dma_start3A_845] : memref<10x40x128xf32, #tpu.memory_space<vmem>> -> memref<1x40x128xf32, #tpu.memory_space<vmem>>
      %dma_start3A_847 = tpu.memref_squeeze %dma_start3A_846 : memref<1x40x128xf32, #tpu.memory_space<vmem>> -> memref<40x128xf32, #tpu.memory_space<vmem>>
      %dma_start3A_848 = arith.constant 0 : i32
      %dma_start3A_849 = tpu.memref_slice %arg5[%mul3A_841, %dma_start3A_848] : memref<819200x128xf32, #tpu.memory_space<hbm>> -> memref<40x128xf32, #tpu.memory_space<hbm>>
      %dma_start3A_850 = tpu.memref_slice %arg11[%dma_start3A_843] : memref<10x!tpu.dma_semaphore, #tpu.memory_space<semaphore_mem>> -> memref<1x!tpu.dma_semaphore, #tpu.memory_space<semaphore_mem>>
      %dma_start3A_851 = tpu.memref_squeeze %dma_start3A_850 : memref<1x!tpu.dma_semaphore, #tpu.memory_space<semaphore_mem>> -> memref<!tpu.dma_semaphore, #tpu.memory_space<semaphore_mem>>
      %dma_start3A_852 = arith.constant 0 : i32
      %dma_start3A_853 = tpu.memref_slice %arg5[%mul3A_841, %dma_start3A_852] : memref<819200x128xf32, #tpu.memory_space<hbm>> -> memref<40x128xf32, #tpu.memory_space<hbm>>
      %dma_start3A_854 = arith.constant 0 : i32
      %dma_start3A_855 = arith.constant 0 : i32
      %dma_start3A_856 = tpu.memref_slice %arg8[%dma_start3A_842, %dma_start3A_854, %dma_start3A_855] : memref<10x40x128xf32, #tpu.memory_space<vmem>> -> memref<1x40x128xf32, #tpu.memory_space<vmem>>
      %dma_start3A_857 = tpu.memref_squeeze %dma_start3A_856 : memref<1x40x128xf32, #tpu.memory_space<vmem>> -> memref<40x128xf32, #tpu.memory_space<vmem>>
      tpu.enqueue_dma source(%dma_start3A_857 : memref<40x128xf32, #tpu.memory_space<vmem>>) target(%dma_start3A_853 : memref<40x128xf32, #tpu.memory_space<hbm>>) target_semaphore(%dma_start3A_851 : memref<!tpu.dma_semaphore, #tpu.memory_space<semaphore_mem>>)
      %add3A_858 = arith.constant 6 : i32
      %add3A_859 = arith.addi %add3A_816, %add3A_858 : i32
      %lt3A_860 = arith.constant 640 : i32
      %lt3A_861 = arith.cmpi slt, %add3A_859, %lt3A_860 : i32
      %convert_element_type3A_862 = arith.extui %lt3A_861 : i1 to i32
      %cond3A_863 = arith.constant 0 : i32
      %cond3A_864 = arith.cmpi ne, %convert_element_type3A_862, %cond3A_863 : i32
      scf.if %cond3A_864 {
        %ge3A = arith.constant 4 : i32
        %ge3A_1065 = arith.cmpi sge, %add3A_816, %ge3A : i32
        %convert_element_type3A_1066 = arith.extui %ge3A_1065 : i1 to i32
        %cond3A_1067 = arith.constant 0 : i32
        %cond3A_1068 = arith.cmpi ne, %convert_element_type3A_1066, %cond3A_1067 : i32
        scf.if %cond3A_1068 {
          %mul3A_1100 = arith.constant 40 : i32
          %mul3A_1101 = arith.muli %mul3A_2, %mul3A_1100 : i32
          %dma_wait3A_1102 = arith.constant 1 : i32
          %dma_wait3A_1103 = arith.constant 1 : i32
          %dma_wait3A_1104 = arith.constant 0 : i32
          %dma_wait3A_1105 = arith.constant 0 : i32
          %dma_wait3A_1106 = tpu.memref_slice %arg8[%dma_wait3A_1102, %dma_wait3A_1104, %dma_wait3A_1105] : memref<10x40x128xf32, #tpu.memory_space<vmem>> -> memref<1x40x128xf32, #tpu.memory_space<vmem>>
          %dma_wait3A_1107 = tpu.memref_squeeze %dma_wait3A_1106 : memref<1x40x128xf32, #tpu.memory_space<vmem>> -> memref<40x128xf32, #tpu.memory_space<vmem>>
          %dma_wait3A_1108 = arith.constant 0 : i32
          %dma_wait3A_1109 = tpu.memref_slice %arg5[%mul3A_1101, %dma_wait3A_1108] : memref<819200x128xf32, #tpu.memory_space<hbm>> -> memref<40x128xf32, #tpu.memory_space<hbm>>
          %dma_wait3A_1110 = tpu.memref_slice %arg11[%dma_wait3A_1103] : memref<10x!tpu.dma_semaphore, #tpu.memory_space<semaphore_mem>> -> memref<1x!tpu.dma_semaphore, #tpu.memory_space<semaphore_mem>>
          %dma_wait3A_1111 = tpu.memref_squeeze %dma_wait3A_1110 : memref<1x!tpu.dma_semaphore, #tpu.memory_space<semaphore_mem>> -> memref<!tpu.dma_semaphore, #tpu.memory_space<semaphore_mem>>
          %dma_wait3A_1112 = arith.constant 0 : i32
          %dma_wait3A_1113 = tpu.memref_slice %arg5[%mul3A_1101, %dma_wait3A_1112] : memref<819200x128xf32, #tpu.memory_space<hbm>> -> memref<40x128xf32, #tpu.memory_space<hbm>>
          %dma_wait3A_1114 = arith.constant 0 : i32
          %dma_wait3A_1115 = arith.constant 0 : i32
          %dma_wait3A_1116 = tpu.memref_slice %arg8[%dma_wait3A_1102, %dma_wait3A_1114, %dma_wait3A_1115] : memref<10x40x128xf32, #tpu.memory_space<vmem>> -> memref<1x40x128xf32, #tpu.memory_space<vmem>>
          %dma_wait3A_1117 = tpu.memref_squeeze %dma_wait3A_1116 : memref<1x40x128xf32, #tpu.memory_space<vmem>> -> memref<40x128xf32, #tpu.memory_space<vmem>>
          tpu.wait_dma2 semaphore(%dma_wait3A_1111 : memref<!tpu.dma_semaphore, #tpu.memory_space<semaphore_mem>>) src(%dma_wait3A_1117 : memref<40x128xf32, #tpu.memory_space<vmem>>) dst(%dma_wait3A_1113 : memref<40x128xf32, #tpu.memory_space<hbm>>)
        } else {
        }
        %dma_wait3A_1069 = arith.constant 1 : i32
        %dma_wait3A_1070 = arith.constant 1 : i32
        %dma_wait3A_1071 = arith.constant 0 : i32
        %dma_wait3A_1072 = tpu.memref_slice %arg7[%dma_wait3A_1069, %dma_wait3A_1071] : memref<10x40xi32, #tpu.memory_space<vmem>> -> memref<1x40xi32, #tpu.memory_space<vmem>>
        %dma_wait3A_1073 = tpu.memref_squeeze %dma_wait3A_1072 : memref<1x40xi32, #tpu.memory_space<vmem>> -> memref<40xi32, #tpu.memory_space<vmem>>
        %dma_wait3A_1074 = arith.constant 0 : i32
        %dma_wait3A_1075 = tpu.memref_slice %arg2[%mul3A_2, %dma_wait3A_1074] : memref<20480x40xi32, #tpu.memory_space<hbm>> -> memref<1x40xi32, #tpu.memory_space<hbm>>
        %dma_wait3A_1076 = tpu.memref_squeeze %dma_wait3A_1075 : memref<1x40xi32, #tpu.memory_space<hbm>> -> memref<40xi32, #tpu.memory_space<hbm>>
        %dma_wait3A_1077 = tpu.memref_slice %arg9[%dma_wait3A_1070] : memref<10x!tpu.dma_semaphore, #tpu.memory_space<semaphore_mem>> -> memref<1x!tpu.dma_semaphore, #tpu.memory_space<semaphore_mem>>
        %dma_wait3A_1078 = tpu.memref_squeeze %dma_wait3A_1077 : memref<1x!tpu.dma_semaphore, #tpu.memory_space<semaphore_mem>> -> memref<!tpu.dma_semaphore, #tpu.memory_space<semaphore_mem>>
        %dma_wait3A_1079 = arith.constant 0 : i32
        %dma_wait3A_1080 = tpu.memref_slice %arg7[%dma_wait3A_1069, %dma_wait3A_1079] : memref<10x40xi32, #tpu.memory_space<vmem>> -> memref<1x40xi32, #tpu.memory_space<vmem>>
        %dma_wait3A_1081 = tpu.memref_squeeze %dma_wait3A_1080 : memref<1x40xi32, #tpu.memory_space<vmem>> -> memref<40xi32, #tpu.memory_space<vmem>>
        %dma_wait3A_1082 = arith.constant 0 : i32
        %dma_wait3A_1083 = tpu.memref_slice %arg2[%mul3A_2, %dma_wait3A_1082] : memref<20480x40xi32, #tpu.memory_space<hbm>> -> memref<1x40xi32, #tpu.memory_space<hbm>>
        %dma_wait3A_1084 = tpu.memref_squeeze %dma_wait3A_1083 : memref<1x40xi32, #tpu.memory_space<hbm>> -> memref<40xi32, #tpu.memory_space<hbm>>
        tpu.wait_dma2 semaphore(%dma_wait3A_1078 : memref<!tpu.dma_semaphore, #tpu.memory_space<semaphore_mem>>) src(%dma_wait3A_1084 : memref<40xi32, #tpu.memory_space<hbm>>) dst(%dma_wait3A_1081 : memref<40xi32, #tpu.memory_space<vmem>>)
        %dma_start3A_1085 = arith.constant 1 : i32
        %dma_start3A_1086 = arith.constant 1 : i32
        %dma_start3A_1087 = arith.constant 1 : i32
        %dma_start3A_1088 = arith.constant 0 : i32
        %dma_start3A_1089 = arith.constant 0 : i32
        %dma_start3A_1090 = tpu.memref_slice %arg8[%dma_start3A_1086, %dma_start3A_1088, %dma_start3A_1089] : memref<10x40x128xf32, #tpu.memory_space<vmem>> -> memref<1x40x128xf32, #tpu.memory_space<vmem>>
        %dma_start3A_1091 = tpu.memref_squeeze %dma_start3A_1090 : memref<1x40x128xf32, #tpu.memory_space<vmem>> -> memref<40x128xf32, #tpu.memory_space<vmem>>
        %dma_start3A_1092 = arith.constant 0 : i32
        %dma_start3A_1093 = tpu.memref_slice %arg7[%dma_start3A_1085, %dma_start3A_1092] : memref<10x40xi32, #tpu.memory_space<vmem>> -> memref<1x40xi32, #tpu.memory_space<vmem>>
        %dma_start3A_1094 = tpu.memref_squeeze %dma_start3A_1093 : memref<1x40xi32, #tpu.memory_space<vmem>> -> memref<40xi32, #tpu.memory_space<vmem>>
        %dma_start3A_1095 = arith.constant 0 : i32
        %dma_start3A_1096 = arith.constant 0 : i32
        %dma_start3A_1097 = tpu.memref_slice %arg3[%dma_start3A_1095, %dma_start3A_1096] : memref<100000x128xf32, #tpu.memory_space<hbm>> -> memref<100000x128xf32, #tpu.memory_space<hbm>>
        %dma_start3A_1098 = tpu.memref_slice %arg10[%dma_start3A_1087] : memref<10x!tpu.dma_semaphore, #tpu.memory_space<semaphore_mem>> -> memref<1x!tpu.dma_semaphore, #tpu.memory_space<semaphore_mem>>
        %dma_start3A_1099 = tpu.memref_squeeze %dma_start3A_1098 : memref<1x!tpu.dma_semaphore, #tpu.memory_space<semaphore_mem>> -> memref<!tpu.dma_semaphore, #tpu.memory_space<semaphore_mem>>
        tpu.enqueue_indirect_dma source(%dma_start3A_1097 : memref<100000x128xf32, #tpu.memory_space<hbm>>) target(%dma_start3A_1091 : memref<40x128xf32, #tpu.memory_space<vmem>>) offsets(%dma_start3A_1094 : memref<40xi32, #tpu.memory_space<vmem>>) semaphore(%dma_start3A_1099 : memref<!tpu.dma_semaphore, #tpu.memory_space<semaphore_mem>>)
      } else {
      }
      %add3A_865 = arith.constant 6 : i32
      %add3A_866 = arith.addi %add3A_567, %add3A_865 : i32
      %add3A_867 = arith.addi %mul3A_2, %add3A_866 : i32
      %dma_wait3A_868 = arith.constant 6 : i32
      %dma_wait3A_869 = arith.constant 6 : i32
      %dma_wait3A_870 = arith.constant 6 : i32
      %dma_wait3A_871 = arith.constant 0 : i32
      %dma_wait3A_872 = arith.constant 0 : i32
      %dma_wait3A_873 = tpu.memref_slice %arg8[%dma_wait3A_869, %dma_wait3A_871, %dma_wait3A_872] : memref<10x40x128xf32, #tpu.memory_space<vmem>> -> memref<1x40x128xf32, #tpu.memory_space<vmem>>
      %dma_wait3A_874 = tpu.memref_squeeze %dma_wait3A_873 : memref<1x40x128xf32, #tpu.memory_space<vmem>> -> memref<40x128xf32, #tpu.memory_space<vmem>>
      %dma_wait3A_875 = arith.constant 0 : i32
      %dma_wait3A_876 = tpu.memref_slice %arg7[%dma_wait3A_868, %dma_wait3A_875] : memref<10x40xi32, #tpu.memory_space<vmem>> -> memref<1x40xi32, #tpu.memory_space<vmem>>
      %dma_wait3A_877 = tpu.memref_squeeze %dma_wait3A_876 : memref<1x40xi32, #tpu.memory_space<vmem>> -> memref<40xi32, #tpu.memory_space<vmem>>
      %dma_wait3A_878 = arith.constant 0 : i32
      %dma_wait3A_879 = arith.constant 0 : i32
      %dma_wait3A_880 = tpu.memref_slice %arg3[%dma_wait3A_878, %dma_wait3A_879] : memref<100000x128xf32, #tpu.memory_space<hbm>> -> memref<100000x128xf32, #tpu.memory_space<hbm>>
      %dma_wait3A_881 = tpu.memref_slice %arg10[%dma_wait3A_870] : memref<10x!tpu.dma_semaphore, #tpu.memory_space<semaphore_mem>> -> memref<1x!tpu.dma_semaphore, #tpu.memory_space<semaphore_mem>>
      %dma_wait3A_882 = tpu.memref_squeeze %dma_wait3A_881 : memref<1x!tpu.dma_semaphore, #tpu.memory_space<semaphore_mem>> -> memref<!tpu.dma_semaphore, #tpu.memory_space<semaphore_mem>>
      tpu.wait_indirect_dma semaphore(%dma_wait3A_882 : memref<!tpu.dma_semaphore, #tpu.memory_space<semaphore_mem>>) src(%dma_wait3A_880 : memref<100000x128xf32, #tpu.memory_space<hbm>>) dst(%dma_wait3A_874 : memref<40x128xf32, #tpu.memory_space<vmem>>)
      %add3A_883 = arith.constant 10 : i32
      %add3A_884 = arith.addi %add3A_866, %add3A_883 : i32
      %lt3A_885 = arith.constant 640 : i32
      %lt3A_886 = arith.cmpi slt, %add3A_884, %lt3A_885 : i32
      %convert_element_type3A_887 = arith.extui %lt3A_886 : i1 to i32
      %cond3A_888 = arith.constant 0 : i32
      %cond3A_889 = arith.cmpi ne, %convert_element_type3A_887, %cond3A_888 : i32
      scf.if %cond3A_889 {
        %add3A_1065 = arith.addi %mul3A_2, %add3A_866 : i32
        %add3A_1066 = arith.constant 10 : i32
        %add3A_1067 = arith.addi %add3A_1065, %add3A_1066 : i32
        %dma_start3A_1068 = arith.constant 6 : i32
        %dma_start3A_1069 = arith.constant 6 : i32
        %dma_start3A_1070 = arith.constant 0 : i32
        %dma_start3A_1071 = tpu.memref_slice %arg7[%dma_start3A_1068, %dma_start3A_1070] : memref<10x40xi32, #tpu.memory_space<vmem>> -> memref<1x40xi32, #tpu.memory_space<vmem>>
        %dma_start3A_1072 = tpu.memref_squeeze %dma_start3A_1071 : memref<1x40xi32, #tpu.memory_space<vmem>> -> memref<40xi32, #tpu.memory_space<vmem>>
        %dma_start3A_1073 = arith.constant 0 : i32
        %dma_start3A_1074 = tpu.memref_slice %arg2[%add3A_1067, %dma_start3A_1073] : memref<20480x40xi32, #tpu.memory_space<hbm>> -> memref<1x40xi32, #tpu.memory_space<hbm>>
        %dma_start3A_1075 = tpu.memref_squeeze %dma_start3A_1074 : memref<1x40xi32, #tpu.memory_space<hbm>> -> memref<40xi32, #tpu.memory_space<hbm>>
        %dma_start3A_1076 = tpu.memref_slice %arg9[%dma_start3A_1069] : memref<10x!tpu.dma_semaphore, #tpu.memory_space<semaphore_mem>> -> memref<1x!tpu.dma_semaphore, #tpu.memory_space<semaphore_mem>>
        %dma_start3A_1077 = tpu.memref_squeeze %dma_start3A_1076 : memref<1x!tpu.dma_semaphore, #tpu.memory_space<semaphore_mem>> -> memref<!tpu.dma_semaphore, #tpu.memory_space<semaphore_mem>>
        %dma_start3A_1078 = arith.constant 0 : i32
        %dma_start3A_1079 = tpu.memref_slice %arg7[%dma_start3A_1068, %dma_start3A_1078] : memref<10x40xi32, #tpu.memory_space<vmem>> -> memref<1x40xi32, #tpu.memory_space<vmem>>
        %dma_start3A_1080 = tpu.memref_squeeze %dma_start3A_1079 : memref<1x40xi32, #tpu.memory_space<vmem>> -> memref<40xi32, #tpu.memory_space<vmem>>
        %dma_start3A_1081 = arith.constant 0 : i32
        %dma_start3A_1082 = tpu.memref_slice %arg2[%add3A_1067, %dma_start3A_1081] : memref<20480x40xi32, #tpu.memory_space<hbm>> -> memref<1x40xi32, #tpu.memory_space<hbm>>
        %dma_start3A_1083 = tpu.memref_squeeze %dma_start3A_1082 : memref<1x40xi32, #tpu.memory_space<hbm>> -> memref<40xi32, #tpu.memory_space<hbm>>
        tpu.enqueue_dma source(%dma_start3A_1083 : memref<40xi32, #tpu.memory_space<hbm>>) target(%dma_start3A_1080 : memref<40xi32, #tpu.memory_space<vmem>>) target_semaphore(%dma_start3A_1077 : memref<!tpu.dma_semaphore, #tpu.memory_space<semaphore_mem>>)
      } else {
      }
      %mul3A_890 = arith.constant 40 : i32
      %mul3A_891 = arith.muli %add3A_867, %mul3A_890 : i32
      %dma_start3A_892 = arith.constant 6 : i32
      %dma_start3A_893 = arith.constant 6 : i32
      %dma_start3A_894 = arith.constant 0 : i32
      %dma_start3A_895 = arith.constant 0 : i32
      %dma_start3A_896 = tpu.memref_slice %arg8[%dma_start3A_892, %dma_start3A_894, %dma_start3A_895] : memref<10x40x128xf32, #tpu.memory_space<vmem>> -> memref<1x40x128xf32, #tpu.memory_space<vmem>>
      %dma_start3A_897 = tpu.memref_squeeze %dma_start3A_896 : memref<1x40x128xf32, #tpu.memory_space<vmem>> -> memref<40x128xf32, #tpu.memory_space<vmem>>
      %dma_start3A_898 = arith.constant 0 : i32
      %dma_start3A_899 = tpu.memref_slice %arg5[%mul3A_891, %dma_start3A_898] : memref<819200x128xf32, #tpu.memory_space<hbm>> -> memref<40x128xf32, #tpu.memory_space<hbm>>
      %dma_start3A_900 = tpu.memref_slice %arg11[%dma_start3A_893] : memref<10x!tpu.dma_semaphore, #tpu.memory_space<semaphore_mem>> -> memref<1x!tpu.dma_semaphore, #tpu.memory_space<semaphore_mem>>
      %dma_start3A_901 = tpu.memref_squeeze %dma_start3A_900 : memref<1x!tpu.dma_semaphore, #tpu.memory_space<semaphore_mem>> -> memref<!tpu.dma_semaphore, #tpu.memory_space<semaphore_mem>>
      %dma_start3A_902 = arith.constant 0 : i32
      %dma_start3A_903 = tpu.memref_slice %arg5[%mul3A_891, %dma_start3A_902] : memref<819200x128xf32, #tpu.memory_space<hbm>> -> memref<40x128xf32, #tpu.memory_space<hbm>>
      %dma_start3A_904 = arith.constant 0 : i32
      %dma_start3A_905 = arith.constant 0 : i32
      %dma_start3A_906 = tpu.memref_slice %arg8[%dma_start3A_892, %dma_start3A_904, %dma_start3A_905] : memref<10x40x128xf32, #tpu.memory_space<vmem>> -> memref<1x40x128xf32, #tpu.memory_space<vmem>>
      %dma_start3A_907 = tpu.memref_squeeze %dma_start3A_906 : memref<1x40x128xf32, #tpu.memory_space<vmem>> -> memref<40x128xf32, #tpu.memory_space<vmem>>
      tpu.enqueue_dma source(%dma_start3A_907 : memref<40x128xf32, #tpu.memory_space<vmem>>) target(%dma_start3A_903 : memref<40x128xf32, #tpu.memory_space<hbm>>) target_semaphore(%dma_start3A_901 : memref<!tpu.dma_semaphore, #tpu.memory_space<semaphore_mem>>)
      %add3A_908 = arith.constant 6 : i32
      %add3A_909 = arith.addi %add3A_866, %add3A_908 : i32
      %lt3A_910 = arith.constant 640 : i32
      %lt3A_911 = arith.cmpi slt, %add3A_909, %lt3A_910 : i32
      %convert_element_type3A_912 = arith.extui %lt3A_911 : i1 to i32
      %cond3A_913 = arith.constant 0 : i32
      %cond3A_914 = arith.cmpi ne, %convert_element_type3A_912, %cond3A_913 : i32
      scf.if %cond3A_914 {
        %ge3A = arith.constant 4 : i32
        %ge3A_1065 = arith.cmpi sge, %add3A_866, %ge3A : i32
        %convert_element_type3A_1066 = arith.extui %ge3A_1065 : i1 to i32
        %cond3A_1067 = arith.constant 0 : i32
        %cond3A_1068 = arith.cmpi ne, %convert_element_type3A_1066, %cond3A_1067 : i32
        scf.if %cond3A_1068 {
          %mul3A_1100 = arith.constant 40 : i32
          %mul3A_1101 = arith.muli %mul3A_2, %mul3A_1100 : i32
          %dma_wait3A_1102 = arith.constant 2 : i32
          %dma_wait3A_1103 = arith.constant 2 : i32
          %dma_wait3A_1104 = arith.constant 0 : i32
          %dma_wait3A_1105 = arith.constant 0 : i32
          %dma_wait3A_1106 = tpu.memref_slice %arg8[%dma_wait3A_1102, %dma_wait3A_1104, %dma_wait3A_1105] : memref<10x40x128xf32, #tpu.memory_space<vmem>> -> memref<1x40x128xf32, #tpu.memory_space<vmem>>
          %dma_wait3A_1107 = tpu.memref_squeeze %dma_wait3A_1106 : memref<1x40x128xf32, #tpu.memory_space<vmem>> -> memref<40x128xf32, #tpu.memory_space<vmem>>
          %dma_wait3A_1108 = arith.constant 0 : i32
          %dma_wait3A_1109 = tpu.memref_slice %arg5[%mul3A_1101, %dma_wait3A_1108] : memref<819200x128xf32, #tpu.memory_space<hbm>> -> memref<40x128xf32, #tpu.memory_space<hbm>>
          %dma_wait3A_1110 = tpu.memref_slice %arg11[%dma_wait3A_1103] : memref<10x!tpu.dma_semaphore, #tpu.memory_space<semaphore_mem>> -> memref<1x!tpu.dma_semaphore, #tpu.memory_space<semaphore_mem>>
          %dma_wait3A_1111 = tpu.memref_squeeze %dma_wait3A_1110 : memref<1x!tpu.dma_semaphore, #tpu.memory_space<semaphore_mem>> -> memref<!tpu.dma_semaphore, #tpu.memory_space<semaphore_mem>>
          %dma_wait3A_1112 = arith.constant 0 : i32
          %dma_wait3A_1113 = tpu.memref_slice %arg5[%mul3A_1101, %dma_wait3A_1112] : memref<819200x128xf32, #tpu.memory_space<hbm>> -> memref<40x128xf32, #tpu.memory_space<hbm>>
          %dma_wait3A_1114 = arith.constant 0 : i32
          %dma_wait3A_1115 = arith.constant 0 : i32
          %dma_wait3A_1116 = tpu.memref_slice %arg8[%dma_wait3A_1102, %dma_wait3A_1114, %dma_wait3A_1115] : memref<10x40x128xf32, #tpu.memory_space<vmem>> -> memref<1x40x128xf32, #tpu.memory_space<vmem>>
          %dma_wait3A_1117 = tpu.memref_squeeze %dma_wait3A_1116 : memref<1x40x128xf32, #tpu.memory_space<vmem>> -> memref<40x128xf32, #tpu.memory_space<vmem>>
          tpu.wait_dma2 semaphore(%dma_wait3A_1111 : memref<!tpu.dma_semaphore, #tpu.memory_space<semaphore_mem>>) src(%dma_wait3A_1117 : memref<40x128xf32, #tpu.memory_space<vmem>>) dst(%dma_wait3A_1113 : memref<40x128xf32, #tpu.memory_space<hbm>>)
        } else {
        }
        %dma_wait3A_1069 = arith.constant 2 : i32
        %dma_wait3A_1070 = arith.constant 2 : i32
        %dma_wait3A_1071 = arith.constant 0 : i32
        %dma_wait3A_1072 = tpu.memref_slice %arg7[%dma_wait3A_1069, %dma_wait3A_1071] : memref<10x40xi32, #tpu.memory_space<vmem>> -> memref<1x40xi32, #tpu.memory_space<vmem>>
        %dma_wait3A_1073 = tpu.memref_squeeze %dma_wait3A_1072 : memref<1x40xi32, #tpu.memory_space<vmem>> -> memref<40xi32, #tpu.memory_space<vmem>>
        %dma_wait3A_1074 = arith.constant 0 : i32
        %dma_wait3A_1075 = tpu.memref_slice %arg2[%mul3A_2, %dma_wait3A_1074] : memref<20480x40xi32, #tpu.memory_space<hbm>> -> memref<1x40xi32, #tpu.memory_space<hbm>>
        %dma_wait3A_1076 = tpu.memref_squeeze %dma_wait3A_1075 : memref<1x40xi32, #tpu.memory_space<hbm>> -> memref<40xi32, #tpu.memory_space<hbm>>
        %dma_wait3A_1077 = tpu.memref_slice %arg9[%dma_wait3A_1070] : memref<10x!tpu.dma_semaphore, #tpu.memory_space<semaphore_mem>> -> memref<1x!tpu.dma_semaphore, #tpu.memory_space<semaphore_mem>>
        %dma_wait3A_1078 = tpu.memref_squeeze %dma_wait3A_1077 : memref<1x!tpu.dma_semaphore, #tpu.memory_space<semaphore_mem>> -> memref<!tpu.dma_semaphore, #tpu.memory_space<semaphore_mem>>
        %dma_wait3A_1079 = arith.constant 0 : i32
        %dma_wait3A_1080 = tpu.memref_slice %arg7[%dma_wait3A_1069, %dma_wait3A_1079] : memref<10x40xi32, #tpu.memory_space<vmem>> -> memref<1x40xi32, #tpu.memory_space<vmem>>
        %dma_wait3A_1081 = tpu.memref_squeeze %dma_wait3A_1080 : memref<1x40xi32, #tpu.memory_space<vmem>> -> memref<40xi32, #tpu.memory_space<vmem>>
        %dma_wait3A_1082 = arith.constant 0 : i32
        %dma_wait3A_1083 = tpu.memref_slice %arg2[%mul3A_2, %dma_wait3A_1082] : memref<20480x40xi32, #tpu.memory_space<hbm>> -> memref<1x40xi32, #tpu.memory_space<hbm>>
        %dma_wait3A_1084 = tpu.memref_squeeze %dma_wait3A_1083 : memref<1x40xi32, #tpu.memory_space<hbm>> -> memref<40xi32, #tpu.memory_space<hbm>>
        tpu.wait_dma2 semaphore(%dma_wait3A_1078 : memref<!tpu.dma_semaphore, #tpu.memory_space<semaphore_mem>>) src(%dma_wait3A_1084 : memref<40xi32, #tpu.memory_space<hbm>>) dst(%dma_wait3A_1081 : memref<40xi32, #tpu.memory_space<vmem>>)
        %dma_start3A_1085 = arith.constant 2 : i32
        %dma_start3A_1086 = arith.constant 2 : i32
        %dma_start3A_1087 = arith.constant 2 : i32
        %dma_start3A_1088 = arith.constant 0 : i32
        %dma_start3A_1089 = arith.constant 0 : i32
        %dma_start3A_1090 = tpu.memref_slice %arg8[%dma_start3A_1086, %dma_start3A_1088, %dma_start3A_1089] : memref<10x40x128xf32, #tpu.memory_space<vmem>> -> memref<1x40x128xf32, #tpu.memory_space<vmem>>
        %dma_start3A_1091 = tpu.memref_squeeze %dma_start3A_1090 : memref<1x40x128xf32, #tpu.memory_space<vmem>> -> memref<40x128xf32, #tpu.memory_space<vmem>>
        %dma_start3A_1092 = arith.constant 0 : i32
        %dma_start3A_1093 = tpu.memref_slice %arg7[%dma_start3A_1085, %dma_start3A_1092] : memref<10x40xi32, #tpu.memory_space<vmem>> -> memref<1x40xi32, #tpu.memory_space<vmem>>
        %dma_start3A_1094 = tpu.memref_squeeze %dma_start3A_1093 : memref<1x40xi32, #tpu.memory_space<vmem>> -> memref<40xi32, #tpu.memory_space<vmem>>
        %dma_start3A_1095 = arith.constant 0 : i32
        %dma_start3A_1096 = arith.constant 0 : i32
        %dma_start3A_1097 = tpu.memref_slice %arg3[%dma_start3A_1095, %dma_start3A_1096] : memref<100000x128xf32, #tpu.memory_space<hbm>> -> memref<100000x128xf32, #tpu.memory_space<hbm>>
        %dma_start3A_1098 = tpu.memref_slice %arg10[%dma_start3A_1087] : memref<10x!tpu.dma_semaphore, #tpu.memory_space<semaphore_mem>> -> memref<1x!tpu.dma_semaphore, #tpu.memory_space<semaphore_mem>>
        %dma_start3A_1099 = tpu.memref_squeeze %dma_start3A_1098 : memref<1x!tpu.dma_semaphore, #tpu.memory_space<semaphore_mem>> -> memref<!tpu.dma_semaphore, #tpu.memory_space<semaphore_mem>>
        tpu.enqueue_indirect_dma source(%dma_start3A_1097 : memref<100000x128xf32, #tpu.memory_space<hbm>>) target(%dma_start3A_1091 : memref<40x128xf32, #tpu.memory_space<vmem>>) offsets(%dma_start3A_1094 : memref<40xi32, #tpu.memory_space<vmem>>) semaphore(%dma_start3A_1099 : memref<!tpu.dma_semaphore, #tpu.memory_space<semaphore_mem>>)
      } else {
      }
      %add3A_915 = arith.constant 7 : i32
      %add3A_916 = arith.addi %add3A_567, %add3A_915 : i32
      %add3A_917 = arith.addi %mul3A_2, %add3A_916 : i32
      %dma_wait3A_918 = arith.constant 7 : i32
      %dma_wait3A_919 = arith.constant 7 : i32
      %dma_wait3A_920 = arith.constant 7 : i32
      %dma_wait3A_921 = arith.constant 0 : i32
      %dma_wait3A_922 = arith.constant 0 : i32
      %dma_wait3A_923 = tpu.memref_slice %arg8[%dma_wait3A_919, %dma_wait3A_921, %dma_wait3A_922] : memref<10x40x128xf32, #tpu.memory_space<vmem>> -> memref<1x40x128xf32, #tpu.memory_space<vmem>>
      %dma_wait3A_924 = tpu.memref_squeeze %dma_wait3A_923 : memref<1x40x128xf32, #tpu.memory_space<vmem>> -> memref<40x128xf32, #tpu.memory_space<vmem>>
      %dma_wait3A_925 = arith.constant 0 : i32
      %dma_wait3A_926 = tpu.memref_slice %arg7[%dma_wait3A_918, %dma_wait3A_925] : memref<10x40xi32, #tpu.memory_space<vmem>> -> memref<1x40xi32, #tpu.memory_space<vmem>>
      %dma_wait3A_927 = tpu.memref_squeeze %dma_wait3A_926 : memref<1x40xi32, #tpu.memory_space<vmem>> -> memref<40xi32, #tpu.memory_space<vmem>>
      %dma_wait3A_928 = arith.constant 0 : i32
      %dma_wait3A_929 = arith.constant 0 : i32
      %dma_wait3A_930 = tpu.memref_slice %arg3[%dma_wait3A_928, %dma_wait3A_929] : memref<100000x128xf32, #tpu.memory_space<hbm>> -> memref<100000x128xf32, #tpu.memory_space<hbm>>
      %dma_wait3A_931 = tpu.memref_slice %arg10[%dma_wait3A_920] : memref<10x!tpu.dma_semaphore, #tpu.memory_space<semaphore_mem>> -> memref<1x!tpu.dma_semaphore, #tpu.memory_space<semaphore_mem>>
      %dma_wait3A_932 = tpu.memref_squeeze %dma_wait3A_931 : memref<1x!tpu.dma_semaphore, #tpu.memory_space<semaphore_mem>> -> memref<!tpu.dma_semaphore, #tpu.memory_space<semaphore_mem>>
      tpu.wait_indirect_dma semaphore(%dma_wait3A_932 : memref<!tpu.dma_semaphore, #tpu.memory_space<semaphore_mem>>) src(%dma_wait3A_930 : memref<100000x128xf32, #tpu.memory_space<hbm>>) dst(%dma_wait3A_924 : memref<40x128xf32, #tpu.memory_space<vmem>>)
      %add3A_933 = arith.constant 10 : i32
      %add3A_934 = arith.addi %add3A_916, %add3A_933 : i32
      %lt3A_935 = arith.constant 640 : i32
      %lt3A_936 = arith.cmpi slt, %add3A_934, %lt3A_935 : i32
      %convert_element_type3A_937 = arith.extui %lt3A_936 : i1 to i32
      %cond3A_938 = arith.constant 0 : i32
      %cond3A_939 = arith.cmpi ne, %convert_element_type3A_937, %cond3A_938 : i32
      scf.if %cond3A_939 {
        %add3A_1065 = arith.addi %mul3A_2, %add3A_916 : i32
        %add3A_1066 = arith.constant 10 : i32
        %add3A_1067 = arith.addi %add3A_1065, %add3A_1066 : i32
        %dma_start3A_1068 = arith.constant 7 : i32
        %dma_start3A_1069 = arith.constant 7 : i32
        %dma_start3A_1070 = arith.constant 0 : i32
        %dma_start3A_1071 = tpu.memref_slice %arg7[%dma_start3A_1068, %dma_start3A_1070] : memref<10x40xi32, #tpu.memory_space<vmem>> -> memref<1x40xi32, #tpu.memory_space<vmem>>
        %dma_start3A_1072 = tpu.memref_squeeze %dma_start3A_1071 : memref<1x40xi32, #tpu.memory_space<vmem>> -> memref<40xi32, #tpu.memory_space<vmem>>
        %dma_start3A_1073 = arith.constant 0 : i32
        %dma_start3A_1074 = tpu.memref_slice %arg2[%add3A_1067, %dma_start3A_1073] : memref<20480x40xi32, #tpu.memory_space<hbm>> -> memref<1x40xi32, #tpu.memory_space<hbm>>
        %dma_start3A_1075 = tpu.memref_squeeze %dma_start3A_1074 : memref<1x40xi32, #tpu.memory_space<hbm>> -> memref<40xi32, #tpu.memory_space<hbm>>
        %dma_start3A_1076 = tpu.memref_slice %arg9[%dma_start3A_1069] : memref<10x!tpu.dma_semaphore, #tpu.memory_space<semaphore_mem>> -> memref<1x!tpu.dma_semaphore, #tpu.memory_space<semaphore_mem>>
        %dma_start3A_1077 = tpu.memref_squeeze %dma_start3A_1076 : memref<1x!tpu.dma_semaphore, #tpu.memory_space<semaphore_mem>> -> memref<!tpu.dma_semaphore, #tpu.memory_space<semaphore_mem>>
        %dma_start3A_1078 = arith.constant 0 : i32
        %dma_start3A_1079 = tpu.memref_slice %arg7[%dma_start3A_1068, %dma_start3A_1078] : memref<10x40xi32, #tpu.memory_space<vmem>> -> memref<1x40xi32, #tpu.memory_space<vmem>>
        %dma_start3A_1080 = tpu.memref_squeeze %dma_start3A_1079 : memref<1x40xi32, #tpu.memory_space<vmem>> -> memref<40xi32, #tpu.memory_space<vmem>>
        %dma_start3A_1081 = arith.constant 0 : i32
        %dma_start3A_1082 = tpu.memref_slice %arg2[%add3A_1067, %dma_start3A_1081] : memref<20480x40xi32, #tpu.memory_space<hbm>> -> memref<1x40xi32, #tpu.memory_space<hbm>>
        %dma_start3A_1083 = tpu.memref_squeeze %dma_start3A_1082 : memref<1x40xi32, #tpu.memory_space<hbm>> -> memref<40xi32, #tpu.memory_space<hbm>>
        tpu.enqueue_dma source(%dma_start3A_1083 : memref<40xi32, #tpu.memory_space<hbm>>) target(%dma_start3A_1080 : memref<40xi32, #tpu.memory_space<vmem>>) target_semaphore(%dma_start3A_1077 : memref<!tpu.dma_semaphore, #tpu.memory_space<semaphore_mem>>)
      } else {
      }
      %mul3A_940 = arith.constant 40 : i32
      %mul3A_941 = arith.muli %add3A_917, %mul3A_940 : i32
      %dma_start3A_942 = arith.constant 7 : i32
      %dma_start3A_943 = arith.constant 7 : i32
      %dma_start3A_944 = arith.constant 0 : i32
      %dma_start3A_945 = arith.constant 0 : i32
      %dma_start3A_946 = tpu.memref_slice %arg8[%dma_start3A_942, %dma_start3A_944, %dma_start3A_945] : memref<10x40x128xf32, #tpu.memory_space<vmem>> -> memref<1x40x128xf32, #tpu.memory_space<vmem>>
      %dma_start3A_947 = tpu.memref_squeeze %dma_start3A_946 : memref<1x40x128xf32, #tpu.memory_space<vmem>> -> memref<40x128xf32, #tpu.memory_space<vmem>>
      %dma_start3A_948 = arith.constant 0 : i32
      %dma_start3A_949 = tpu.memref_slice %arg5[%mul3A_941, %dma_start3A_948] : memref<819200x128xf32, #tpu.memory_space<hbm>> -> memref<40x128xf32, #tpu.memory_space<hbm>>
      %dma_start3A_950 = tpu.memref_slice %arg11[%dma_start3A_943] : memref<10x!tpu.dma_semaphore, #tpu.memory_space<semaphore_mem>> -> memref<1x!tpu.dma_semaphore, #tpu.memory_space<semaphore_mem>>
      %dma_start3A_951 = tpu.memref_squeeze %dma_start3A_950 : memref<1x!tpu.dma_semaphore, #tpu.memory_space<semaphore_mem>> -> memref<!tpu.dma_semaphore, #tpu.memory_space<semaphore_mem>>
      %dma_start3A_952 = arith.constant 0 : i32
      %dma_start3A_953 = tpu.memref_slice %arg5[%mul3A_941, %dma_start3A_952] : memref<819200x128xf32, #tpu.memory_space<hbm>> -> memref<40x128xf32, #tpu.memory_space<hbm>>
      %dma_start3A_954 = arith.constant 0 : i32
      %dma_start3A_955 = arith.constant 0 : i32
      %dma_start3A_956 = tpu.memref_slice %arg8[%dma_start3A_942, %dma_start3A_954, %dma_start3A_955] : memref<10x40x128xf32, #tpu.memory_space<vmem>> -> memref<1x40x128xf32, #tpu.memory_space<vmem>>
      %dma_start3A_957 = tpu.memref_squeeze %dma_start3A_956 : memref<1x40x128xf32, #tpu.memory_space<vmem>> -> memref<40x128xf32, #tpu.memory_space<vmem>>
      tpu.enqueue_dma source(%dma_start3A_957 : memref<40x128xf32, #tpu.memory_space<vmem>>) target(%dma_start3A_953 : memref<40x128xf32, #tpu.memory_space<hbm>>) target_semaphore(%dma_start3A_951 : memref<!tpu.dma_semaphore, #tpu.memory_space<semaphore_mem>>)
      %add3A_958 = arith.constant 6 : i32
      %add3A_959 = arith.addi %add3A_916, %add3A_958 : i32
      %lt3A_960 = arith.constant 640 : i32
      %lt3A_961 = arith.cmpi slt, %add3A_959, %lt3A_960 : i32
      %convert_element_type3A_962 = arith.extui %lt3A_961 : i1 to i32
      %cond3A_963 = arith.constant 0 : i32
      %cond3A_964 = arith.cmpi ne, %convert_element_type3A_962, %cond3A_963 : i32
      scf.if %cond3A_964 {
        %ge3A = arith.constant 4 : i32
        %ge3A_1065 = arith.cmpi sge, %add3A_916, %ge3A : i32
        %convert_element_type3A_1066 = arith.extui %ge3A_1065 : i1 to i32
        %cond3A_1067 = arith.constant 0 : i32
        %cond3A_1068 = arith.cmpi ne, %convert_element_type3A_1066, %cond3A_1067 : i32
        scf.if %cond3A_1068 {
          %mul3A_1100 = arith.constant 40 : i32
          %mul3A_1101 = arith.muli %mul3A_2, %mul3A_1100 : i32
          %dma_wait3A_1102 = arith.constant 3 : i32
          %dma_wait3A_1103 = arith.constant 3 : i32
          %dma_wait3A_1104 = arith.constant 0 : i32
          %dma_wait3A_1105 = arith.constant 0 : i32
          %dma_wait3A_1106 = tpu.memref_slice %arg8[%dma_wait3A_1102, %dma_wait3A_1104, %dma_wait3A_1105] : memref<10x40x128xf32, #tpu.memory_space<vmem>> -> memref<1x40x128xf32, #tpu.memory_space<vmem>>
          %dma_wait3A_1107 = tpu.memref_squeeze %dma_wait3A_1106 : memref<1x40x128xf32, #tpu.memory_space<vmem>> -> memref<40x128xf32, #tpu.memory_space<vmem>>
          %dma_wait3A_1108 = arith.constant 0 : i32
          %dma_wait3A_1109 = tpu.memref_slice %arg5[%mul3A_1101, %dma_wait3A_1108] : memref<819200x128xf32, #tpu.memory_space<hbm>> -> memref<40x128xf32, #tpu.memory_space<hbm>>
          %dma_wait3A_1110 = tpu.memref_slice %arg11[%dma_wait3A_1103] : memref<10x!tpu.dma_semaphore, #tpu.memory_space<semaphore_mem>> -> memref<1x!tpu.dma_semaphore, #tpu.memory_space<semaphore_mem>>
          %dma_wait3A_1111 = tpu.memref_squeeze %dma_wait3A_1110 : memref<1x!tpu.dma_semaphore, #tpu.memory_space<semaphore_mem>> -> memref<!tpu.dma_semaphore, #tpu.memory_space<semaphore_mem>>
          %dma_wait3A_1112 = arith.constant 0 : i32
          %dma_wait3A_1113 = tpu.memref_slice %arg5[%mul3A_1101, %dma_wait3A_1112] : memref<819200x128xf32, #tpu.memory_space<hbm>> -> memref<40x128xf32, #tpu.memory_space<hbm>>
          %dma_wait3A_1114 = arith.constant 0 : i32
          %dma_wait3A_1115 = arith.constant 0 : i32
          %dma_wait3A_1116 = tpu.memref_slice %arg8[%dma_wait3A_1102, %dma_wait3A_1114, %dma_wait3A_1115] : memref<10x40x128xf32, #tpu.memory_space<vmem>> -> memref<1x40x128xf32, #tpu.memory_space<vmem>>
          %dma_wait3A_1117 = tpu.memref_squeeze %dma_wait3A_1116 : memref<1x40x128xf32, #tpu.memory_space<vmem>> -> memref<40x128xf32, #tpu.memory_space<vmem>>
          tpu.wait_dma2 semaphore(%dma_wait3A_1111 : memref<!tpu.dma_semaphore, #tpu.memory_space<semaphore_mem>>) src(%dma_wait3A_1117 : memref<40x128xf32, #tpu.memory_space<vmem>>) dst(%dma_wait3A_1113 : memref<40x128xf32, #tpu.memory_space<hbm>>)
        } else {
        }
        %dma_wait3A_1069 = arith.constant 3 : i32
        %dma_wait3A_1070 = arith.constant 3 : i32
        %dma_wait3A_1071 = arith.constant 0 : i32
        %dma_wait3A_1072 = tpu.memref_slice %arg7[%dma_wait3A_1069, %dma_wait3A_1071] : memref<10x40xi32, #tpu.memory_space<vmem>> -> memref<1x40xi32, #tpu.memory_space<vmem>>
        %dma_wait3A_1073 = tpu.memref_squeeze %dma_wait3A_1072 : memref<1x40xi32, #tpu.memory_space<vmem>> -> memref<40xi32, #tpu.memory_space<vmem>>
        %dma_wait3A_1074 = arith.constant 0 : i32
        %dma_wait3A_1075 = tpu.memref_slice %arg2[%mul3A_2, %dma_wait3A_1074] : memref<20480x40xi32, #tpu.memory_space<hbm>> -> memref<1x40xi32, #tpu.memory_space<hbm>>
        %dma_wait3A_1076 = tpu.memref_squeeze %dma_wait3A_1075 : memref<1x40xi32, #tpu.memory_space<hbm>> -> memref<40xi32, #tpu.memory_space<hbm>>
        %dma_wait3A_1077 = tpu.memref_slice %arg9[%dma_wait3A_1070] : memref<10x!tpu.dma_semaphore, #tpu.memory_space<semaphore_mem>> -> memref<1x!tpu.dma_semaphore, #tpu.memory_space<semaphore_mem>>
        %dma_wait3A_1078 = tpu.memref_squeeze %dma_wait3A_1077 : memref<1x!tpu.dma_semaphore, #tpu.memory_space<semaphore_mem>> -> memref<!tpu.dma_semaphore, #tpu.memory_space<semaphore_mem>>
        %dma_wait3A_1079 = arith.constant 0 : i32
        %dma_wait3A_1080 = tpu.memref_slice %arg7[%dma_wait3A_1069, %dma_wait3A_1079] : memref<10x40xi32, #tpu.memory_space<vmem>> -> memref<1x40xi32, #tpu.memory_space<vmem>>
        %dma_wait3A_1081 = tpu.memref_squeeze %dma_wait3A_1080 : memref<1x40xi32, #tpu.memory_space<vmem>> -> memref<40xi32, #tpu.memory_space<vmem>>
        %dma_wait3A_1082 = arith.constant 0 : i32
        %dma_wait3A_1083 = tpu.memref_slice %arg2[%mul3A_2, %dma_wait3A_1082] : memref<20480x40xi32, #tpu.memory_space<hbm>> -> memref<1x40xi32, #tpu.memory_space<hbm>>
        %dma_wait3A_1084 = tpu.memref_squeeze %dma_wait3A_1083 : memref<1x40xi32, #tpu.memory_space<hbm>> -> memref<40xi32, #tpu.memory_space<hbm>>
        tpu.wait_dma2 semaphore(%dma_wait3A_1078 : memref<!tpu.dma_semaphore, #tpu.memory_space<semaphore_mem>>) src(%dma_wait3A_1084 : memref<40xi32, #tpu.memory_space<hbm>>) dst(%dma_wait3A_1081 : memref<40xi32, #tpu.memory_space<vmem>>)
        %dma_start3A_1085 = arith.constant 3 : i32
        %dma_start3A_1086 = arith.constant 3 : i32
        %dma_start3A_1087 = arith.constant 3 : i32
        %dma_start3A_1088 = arith.constant 0 : i32
        %dma_start3A_1089 = arith.constant 0 : i32
        %dma_start3A_1090 = tpu.memref_slice %arg8[%dma_start3A_1086, %dma_start3A_1088, %dma_start3A_1089] : memref<10x40x128xf32, #tpu.memory_space<vmem>> -> memref<1x40x128xf32, #tpu.memory_space<vmem>>
        %dma_start3A_1091 = tpu.memref_squeeze %dma_start3A_1090 : memref<1x40x128xf32, #tpu.memory_space<vmem>> -> memref<40x128xf32, #tpu.memory_space<vmem>>
        %dma_start3A_1092 = arith.constant 0 : i32
        %dma_start3A_1093 = tpu.memref_slice %arg7[%dma_start3A_1085, %dma_start3A_1092] : memref<10x40xi32, #tpu.memory_space<vmem>> -> memref<1x40xi32, #tpu.memory_space<vmem>>
        %dma_start3A_1094 = tpu.memref_squeeze %dma_start3A_1093 : memref<1x40xi32, #tpu.memory_space<vmem>> -> memref<40xi32, #tpu.memory_space<vmem>>
        %dma_start3A_1095 = arith.constant 0 : i32
        %dma_start3A_1096 = arith.constant 0 : i32
        %dma_start3A_1097 = tpu.memref_slice %arg3[%dma_start3A_1095, %dma_start3A_1096] : memref<100000x128xf32, #tpu.memory_space<hbm>> -> memref<100000x128xf32, #tpu.memory_space<hbm>>
        %dma_start3A_1098 = tpu.memref_slice %arg10[%dma_start3A_1087] : memref<10x!tpu.dma_semaphore, #tpu.memory_space<semaphore_mem>> -> memref<1x!tpu.dma_semaphore, #tpu.memory_space<semaphore_mem>>
        %dma_start3A_1099 = tpu.memref_squeeze %dma_start3A_1098 : memref<1x!tpu.dma_semaphore, #tpu.memory_space<semaphore_mem>> -> memref<!tpu.dma_semaphore, #tpu.memory_space<semaphore_mem>>
        tpu.enqueue_indirect_dma source(%dma_start3A_1097 : memref<100000x128xf32, #tpu.memory_space<hbm>>) target(%dma_start3A_1091 : memref<40x128xf32, #tpu.memory_space<vmem>>) offsets(%dma_start3A_1094 : memref<40xi32, #tpu.memory_space<vmem>>) semaphore(%dma_start3A_1099 : memref<!tpu.dma_semaphore, #tpu.memory_space<semaphore_mem>>)
      } else {
      }
      %add3A_965 = arith.constant 8 : i32
      %add3A_966 = arith.addi %add3A_567, %add3A_965 : i32
      %add3A_967 = arith.addi %mul3A_2, %add3A_966 : i32
      %dma_wait3A_968 = arith.constant 8 : i32
      %dma_wait3A_969 = arith.constant 8 : i32
      %dma_wait3A_970 = arith.constant 8 : i32
      %dma_wait3A_971 = arith.constant 0 : i32
      %dma_wait3A_972 = arith.constant 0 : i32
      %dma_wait3A_973 = tpu.memref_slice %arg8[%dma_wait3A_969, %dma_wait3A_971, %dma_wait3A_972] : memref<10x40x128xf32, #tpu.memory_space<vmem>> -> memref<1x40x128xf32, #tpu.memory_space<vmem>>
      %dma_wait3A_974 = tpu.memref_squeeze %dma_wait3A_973 : memref<1x40x128xf32, #tpu.memory_space<vmem>> -> memref<40x128xf32, #tpu.memory_space<vmem>>
      %dma_wait3A_975 = arith.constant 0 : i32
      %dma_wait3A_976 = tpu.memref_slice %arg7[%dma_wait3A_968, %dma_wait3A_975] : memref<10x40xi32, #tpu.memory_space<vmem>> -> memref<1x40xi32, #tpu.memory_space<vmem>>
      %dma_wait3A_977 = tpu.memref_squeeze %dma_wait3A_976 : memref<1x40xi32, #tpu.memory_space<vmem>> -> memref<40xi32, #tpu.memory_space<vmem>>
      %dma_wait3A_978 = arith.constant 0 : i32
      %dma_wait3A_979 = arith.constant 0 : i32
      %dma_wait3A_980 = tpu.memref_slice %arg3[%dma_wait3A_978, %dma_wait3A_979] : memref<100000x128xf32, #tpu.memory_space<hbm>> -> memref<100000x128xf32, #tpu.memory_space<hbm>>
      %dma_wait3A_981 = tpu.memref_slice %arg10[%dma_wait3A_970] : memref<10x!tpu.dma_semaphore, #tpu.memory_space<semaphore_mem>> -> memref<1x!tpu.dma_semaphore, #tpu.memory_space<semaphore_mem>>
      %dma_wait3A_982 = tpu.memref_squeeze %dma_wait3A_981 : memref<1x!tpu.dma_semaphore, #tpu.memory_space<semaphore_mem>> -> memref<!tpu.dma_semaphore, #tpu.memory_space<semaphore_mem>>
      tpu.wait_indirect_dma semaphore(%dma_wait3A_982 : memref<!tpu.dma_semaphore, #tpu.memory_space<semaphore_mem>>) src(%dma_wait3A_980 : memref<100000x128xf32, #tpu.memory_space<hbm>>) dst(%dma_wait3A_974 : memref<40x128xf32, #tpu.memory_space<vmem>>)
      %add3A_983 = arith.constant 10 : i32
      %add3A_984 = arith.addi %add3A_966, %add3A_983 : i32
      %lt3A_985 = arith.constant 640 : i32
      %lt3A_986 = arith.cmpi slt, %add3A_984, %lt3A_985 : i32
      %convert_element_type3A_987 = arith.extui %lt3A_986 : i1 to i32
      %cond3A_988 = arith.constant 0 : i32
      %cond3A_989 = arith.cmpi ne, %convert_element_type3A_987, %cond3A_988 : i32
      scf.if %cond3A_989 {
        %add3A_1065 = arith.addi %mul3A_2, %add3A_966 : i32
        %add3A_1066 = arith.constant 10 : i32
        %add3A_1067 = arith.addi %add3A_1065, %add3A_1066 : i32
        %dma_start3A_1068 = arith.constant 8 : i32
        %dma_start3A_1069 = arith.constant 8 : i32
        %dma_start3A_1070 = arith.constant 0 : i32
        %dma_start3A_1071 = tpu.memref_slice %arg7[%dma_start3A_1068, %dma_start3A_1070] : memref<10x40xi32, #tpu.memory_space<vmem>> -> memref<1x40xi32, #tpu.memory_space<vmem>>
        %dma_start3A_1072 = tpu.memref_squeeze %dma_start3A_1071 : memref<1x40xi32, #tpu.memory_space<vmem>> -> memref<40xi32, #tpu.memory_space<vmem>>
        %dma_start3A_1073 = arith.constant 0 : i32
        %dma_start3A_1074 = tpu.memref_slice %arg2[%add3A_1067, %dma_start3A_1073] : memref<20480x40xi32, #tpu.memory_space<hbm>> -> memref<1x40xi32, #tpu.memory_space<hbm>>
        %dma_start3A_1075 = tpu.memref_squeeze %dma_start3A_1074 : memref<1x40xi32, #tpu.memory_space<hbm>> -> memref<40xi32, #tpu.memory_space<hbm>>
        %dma_start3A_1076 = tpu.memref_slice %arg9[%dma_start3A_1069] : memref<10x!tpu.dma_semaphore, #tpu.memory_space<semaphore_mem>> -> memref<1x!tpu.dma_semaphore, #tpu.memory_space<semaphore_mem>>
        %dma_start3A_1077 = tpu.memref_squeeze %dma_start3A_1076 : memref<1x!tpu.dma_semaphore, #tpu.memory_space<semaphore_mem>> -> memref<!tpu.dma_semaphore, #tpu.memory_space<semaphore_mem>>
        %dma_start3A_1078 = arith.constant 0 : i32
        %dma_start3A_1079 = tpu.memref_slice %arg7[%dma_start3A_1068, %dma_start3A_1078] : memref<10x40xi32, #tpu.memory_space<vmem>> -> memref<1x40xi32, #tpu.memory_space<vmem>>
        %dma_start3A_1080 = tpu.memref_squeeze %dma_start3A_1079 : memref<1x40xi32, #tpu.memory_space<vmem>> -> memref<40xi32, #tpu.memory_space<vmem>>
        %dma_start3A_1081 = arith.constant 0 : i32
        %dma_start3A_1082 = tpu.memref_slice %arg2[%add3A_1067, %dma_start3A_1081] : memref<20480x40xi32, #tpu.memory_space<hbm>> -> memref<1x40xi32, #tpu.memory_space<hbm>>
        %dma_start3A_1083 = tpu.memref_squeeze %dma_start3A_1082 : memref<1x40xi32, #tpu.memory_space<hbm>> -> memref<40xi32, #tpu.memory_space<hbm>>
        tpu.enqueue_dma source(%dma_start3A_1083 : memref<40xi32, #tpu.memory_space<hbm>>) target(%dma_start3A_1080 : memref<40xi32, #tpu.memory_space<vmem>>) target_semaphore(%dma_start3A_1077 : memref<!tpu.dma_semaphore, #tpu.memory_space<semaphore_mem>>)
      } else {
      }
      %mul3A_990 = arith.constant 40 : i32
      %mul3A_991 = arith.muli %add3A_967, %mul3A_990 : i32
      %dma_start3A_992 = arith.constant 8 : i32
      %dma_start3A_993 = arith.constant 8 : i32
      %dma_start3A_994 = arith.constant 0 : i32
      %dma_start3A_995 = arith.constant 0 : i32
      %dma_start3A_996 = tpu.memref_slice %arg8[%dma_start3A_992, %dma_start3A_994, %dma_start3A_995] : memref<10x40x128xf32, #tpu.memory_space<vmem>> -> memref<1x40x128xf32, #tpu.memory_space<vmem>>
      %dma_start3A_997 = tpu.memref_squeeze %dma_start3A_996 : memref<1x40x128xf32, #tpu.memory_space<vmem>> -> memref<40x128xf32, #tpu.memory_space<vmem>>
      %dma_start3A_998 = arith.constant 0 : i32
      %dma_start3A_999 = tpu.memref_slice %arg5[%mul3A_991, %dma_start3A_998] : memref<819200x128xf32, #tpu.memory_space<hbm>> -> memref<40x128xf32, #tpu.memory_space<hbm>>
      %dma_start3A_1000 = tpu.memref_slice %arg11[%dma_start3A_993] : memref<10x!tpu.dma_semaphore, #tpu.memory_space<semaphore_mem>> -> memref<1x!tpu.dma_semaphore, #tpu.memory_space<semaphore_mem>>
      %dma_start3A_1001 = tpu.memref_squeeze %dma_start3A_1000 : memref<1x!tpu.dma_semaphore, #tpu.memory_space<semaphore_mem>> -> memref<!tpu.dma_semaphore, #tpu.memory_space<semaphore_mem>>
      %dma_start3A_1002 = arith.constant 0 : i32
      %dma_start3A_1003 = tpu.memref_slice %arg5[%mul3A_991, %dma_start3A_1002] : memref<819200x128xf32, #tpu.memory_space<hbm>> -> memref<40x128xf32, #tpu.memory_space<hbm>>
      %dma_start3A_1004 = arith.constant 0 : i32
      %dma_start3A_1005 = arith.constant 0 : i32
      %dma_start3A_1006 = tpu.memref_slice %arg8[%dma_start3A_992, %dma_start3A_1004, %dma_start3A_1005] : memref<10x40x128xf32, #tpu.memory_space<vmem>> -> memref<1x40x128xf32, #tpu.memory_space<vmem>>
      %dma_start3A_1007 = tpu.memref_squeeze %dma_start3A_1006 : memref<1x40x128xf32, #tpu.memory_space<vmem>> -> memref<40x128xf32, #tpu.memory_space<vmem>>
      tpu.enqueue_dma source(%dma_start3A_1007 : memref<40x128xf32, #tpu.memory_space<vmem>>) target(%dma_start3A_1003 : memref<40x128xf32, #tpu.memory_space<hbm>>) target_semaphore(%dma_start3A_1001 : memref<!tpu.dma_semaphore, #tpu.memory_space<semaphore_mem>>)
      %add3A_1008 = arith.constant 6 : i32
      %add3A_1009 = arith.addi %add3A_966, %add3A_1008 : i32
      %lt3A_1010 = arith.constant 640 : i32
      %lt3A_1011 = arith.cmpi slt, %add3A_1009, %lt3A_1010 : i32
      %convert_element_type3A_1012 = arith.extui %lt3A_1011 : i1 to i32
      %cond3A_1013 = arith.constant 0 : i32
      %cond3A_1014 = arith.cmpi ne, %convert_element_type3A_1012, %cond3A_1013 : i32
      scf.if %cond3A_1014 {
        %ge3A = arith.constant 4 : i32
        %ge3A_1065 = arith.cmpi sge, %add3A_966, %ge3A : i32
        %convert_element_type3A_1066 = arith.extui %ge3A_1065 : i1 to i32
        %cond3A_1067 = arith.constant 0 : i32
        %cond3A_1068 = arith.cmpi ne, %convert_element_type3A_1066, %cond3A_1067 : i32
        scf.if %cond3A_1068 {
          %mul3A_1100 = arith.constant 40 : i32
          %mul3A_1101 = arith.muli %mul3A_2, %mul3A_1100 : i32
          %dma_wait3A_1102 = arith.constant 4 : i32
          %dma_wait3A_1103 = arith.constant 4 : i32
          %dma_wait3A_1104 = arith.constant 0 : i32
          %dma_wait3A_1105 = arith.constant 0 : i32
          %dma_wait3A_1106 = tpu.memref_slice %arg8[%dma_wait3A_1102, %dma_wait3A_1104, %dma_wait3A_1105] : memref<10x40x128xf32, #tpu.memory_space<vmem>> -> memref<1x40x128xf32, #tpu.memory_space<vmem>>
          %dma_wait3A_1107 = tpu.memref_squeeze %dma_wait3A_1106 : memref<1x40x128xf32, #tpu.memory_space<vmem>> -> memref<40x128xf32, #tpu.memory_space<vmem>>
          %dma_wait3A_1108 = arith.constant 0 : i32
          %dma_wait3A_1109 = tpu.memref_slice %arg5[%mul3A_1101, %dma_wait3A_1108] : memref<819200x128xf32, #tpu.memory_space<hbm>> -> memref<40x128xf32, #tpu.memory_space<hbm>>
          %dma_wait3A_1110 = tpu.memref_slice %arg11[%dma_wait3A_1103] : memref<10x!tpu.dma_semaphore, #tpu.memory_space<semaphore_mem>> -> memref<1x!tpu.dma_semaphore, #tpu.memory_space<semaphore_mem>>
          %dma_wait3A_1111 = tpu.memref_squeeze %dma_wait3A_1110 : memref<1x!tpu.dma_semaphore, #tpu.memory_space<semaphore_mem>> -> memref<!tpu.dma_semaphore, #tpu.memory_space<semaphore_mem>>
          %dma_wait3A_1112 = arith.constant 0 : i32
          %dma_wait3A_1113 = tpu.memref_slice %arg5[%mul3A_1101, %dma_wait3A_1112] : memref<819200x128xf32, #tpu.memory_space<hbm>> -> memref<40x128xf32, #tpu.memory_space<hbm>>
          %dma_wait3A_1114 = arith.constant 0 : i32
          %dma_wait3A_1115 = arith.constant 0 : i32
          %dma_wait3A_1116 = tpu.memref_slice %arg8[%dma_wait3A_1102, %dma_wait3A_1114, %dma_wait3A_1115] : memref<10x40x128xf32, #tpu.memory_space<vmem>> -> memref<1x40x128xf32, #tpu.memory_space<vmem>>
          %dma_wait3A_1117 = tpu.memref_squeeze %dma_wait3A_1116 : memref<1x40x128xf32, #tpu.memory_space<vmem>> -> memref<40x128xf32, #tpu.memory_space<vmem>>
          tpu.wait_dma2 semaphore(%dma_wait3A_1111 : memref<!tpu.dma_semaphore, #tpu.memory_space<semaphore_mem>>) src(%dma_wait3A_1117 : memref<40x128xf32, #tpu.memory_space<vmem>>) dst(%dma_wait3A_1113 : memref<40x128xf32, #tpu.memory_space<hbm>>)
        } else {
        }
        %dma_wait3A_1069 = arith.constant 4 : i32
        %dma_wait3A_1070 = arith.constant 4 : i32
        %dma_wait3A_1071 = arith.constant 0 : i32
        %dma_wait3A_1072 = tpu.memref_slice %arg7[%dma_wait3A_1069, %dma_wait3A_1071] : memref<10x40xi32, #tpu.memory_space<vmem>> -> memref<1x40xi32, #tpu.memory_space<vmem>>
        %dma_wait3A_1073 = tpu.memref_squeeze %dma_wait3A_1072 : memref<1x40xi32, #tpu.memory_space<vmem>> -> memref<40xi32, #tpu.memory_space<vmem>>
        %dma_wait3A_1074 = arith.constant 0 : i32
        %dma_wait3A_1075 = tpu.memref_slice %arg2[%mul3A_2, %dma_wait3A_1074] : memref<20480x40xi32, #tpu.memory_space<hbm>> -> memref<1x40xi32, #tpu.memory_space<hbm>>
        %dma_wait3A_1076 = tpu.memref_squeeze %dma_wait3A_1075 : memref<1x40xi32, #tpu.memory_space<hbm>> -> memref<40xi32, #tpu.memory_space<hbm>>
        %dma_wait3A_1077 = tpu.memref_slice %arg9[%dma_wait3A_1070] : memref<10x!tpu.dma_semaphore, #tpu.memory_space<semaphore_mem>> -> memref<1x!tpu.dma_semaphore, #tpu.memory_space<semaphore_mem>>
        %dma_wait3A_1078 = tpu.memref_squeeze %dma_wait3A_1077 : memref<1x!tpu.dma_semaphore, #tpu.memory_space<semaphore_mem>> -> memref<!tpu.dma_semaphore, #tpu.memory_space<semaphore_mem>>
        %dma_wait3A_1079 = arith.constant 0 : i32
        %dma_wait3A_1080 = tpu.memref_slice %arg7[%dma_wait3A_1069, %dma_wait3A_1079] : memref<10x40xi32, #tpu.memory_space<vmem>> -> memref<1x40xi32, #tpu.memory_space<vmem>>
        %dma_wait3A_1081 = tpu.memref_squeeze %dma_wait3A_1080 : memref<1x40xi32, #tpu.memory_space<vmem>> -> memref<40xi32, #tpu.memory_space<vmem>>
        %dma_wait3A_1082 = arith.constant 0 : i32
        %dma_wait3A_1083 = tpu.memref_slice %arg2[%mul3A_2, %dma_wait3A_1082] : memref<20480x40xi32, #tpu.memory_space<hbm>> -> memref<1x40xi32, #tpu.memory_space<hbm>>
        %dma_wait3A_1084 = tpu.memref_squeeze %dma_wait3A_1083 : memref<1x40xi32, #tpu.memory_space<hbm>> -> memref<40xi32, #tpu.memory_space<hbm>>
        tpu.wait_dma2 semaphore(%dma_wait3A_1078 : memref<!tpu.dma_semaphore, #tpu.memory_space<semaphore_mem>>) src(%dma_wait3A_1084 : memref<40xi32, #tpu.memory_space<hbm>>) dst(%dma_wait3A_1081 : memref<40xi32, #tpu.memory_space<vmem>>)
        %dma_start3A_1085 = arith.constant 4 : i32
        %dma_start3A_1086 = arith.constant 4 : i32
        %dma_start3A_1087 = arith.constant 4 : i32
        %dma_start3A_1088 = arith.constant 0 : i32
        %dma_start3A_1089 = arith.constant 0 : i32
        %dma_start3A_1090 = tpu.memref_slice %arg8[%dma_start3A_1086, %dma_start3A_1088, %dma_start3A_1089] : memref<10x40x128xf32, #tpu.memory_space<vmem>> -> memref<1x40x128xf32, #tpu.memory_space<vmem>>
        %dma_start3A_1091 = tpu.memref_squeeze %dma_start3A_1090 : memref<1x40x128xf32, #tpu.memory_space<vmem>> -> memref<40x128xf32, #tpu.memory_space<vmem>>
        %dma_start3A_1092 = arith.constant 0 : i32
        %dma_start3A_1093 = tpu.memref_slice %arg7[%dma_start3A_1085, %dma_start3A_1092] : memref<10x40xi32, #tpu.memory_space<vmem>> -> memref<1x40xi32, #tpu.memory_space<vmem>>
        %dma_start3A_1094 = tpu.memref_squeeze %dma_start3A_1093 : memref<1x40xi32, #tpu.memory_space<vmem>> -> memref<40xi32, #tpu.memory_space<vmem>>
        %dma_start3A_1095 = arith.constant 0 : i32
        %dma_start3A_1096 = arith.constant 0 : i32
        %dma_start3A_1097 = tpu.memref_slice %arg3[%dma_start3A_1095, %dma_start3A_1096] : memref<100000x128xf32, #tpu.memory_space<hbm>> -> memref<100000x128xf32, #tpu.memory_space<hbm>>
        %dma_start3A_1098 = tpu.memref_slice %arg10[%dma_start3A_1087] : memref<10x!tpu.dma_semaphore, #tpu.memory_space<semaphore_mem>> -> memref<1x!tpu.dma_semaphore, #tpu.memory_space<semaphore_mem>>
        %dma_start3A_1099 = tpu.memref_squeeze %dma_start3A_1098 : memref<1x!tpu.dma_semaphore, #tpu.memory_space<semaphore_mem>> -> memref<!tpu.dma_semaphore, #tpu.memory_space<semaphore_mem>>
        tpu.enqueue_indirect_dma source(%dma_start3A_1097 : memref<100000x128xf32, #tpu.memory_space<hbm>>) target(%dma_start3A_1091 : memref<40x128xf32, #tpu.memory_space<vmem>>) offsets(%dma_start3A_1094 : memref<40xi32, #tpu.memory_space<vmem>>) semaphore(%dma_start3A_1099 : memref<!tpu.dma_semaphore, #tpu.memory_space<semaphore_mem>>)
      } else {
      }
      %add3A_1015 = arith.constant 9 : i32
      %add3A_1016 = arith.addi %add3A_567, %add3A_1015 : i32
      %add3A_1017 = arith.addi %mul3A_2, %add3A_1016 : i32
      %dma_wait3A_1018 = arith.constant 9 : i32
      %dma_wait3A_1019 = arith.constant 9 : i32
      %dma_wait3A_1020 = arith.constant 9 : i32
      %dma_wait3A_1021 = arith.constant 0 : i32
      %dma_wait3A_1022 = arith.constant 0 : i32
      %dma_wait3A_1023 = tpu.memref_slice %arg8[%dma_wait3A_1019, %dma_wait3A_1021, %dma_wait3A_1022] : memref<10x40x128xf32, #tpu.memory_space<vmem>> -> memref<1x40x128xf32, #tpu.memory_space<vmem>>
      %dma_wait3A_1024 = tpu.memref_squeeze %dma_wait3A_1023 : memref<1x40x128xf32, #tpu.memory_space<vmem>> -> memref<40x128xf32, #tpu.memory_space<vmem>>
      %dma_wait3A_1025 = arith.constant 0 : i32
      %dma_wait3A_1026 = tpu.memref_slice %arg7[%dma_wait3A_1018, %dma_wait3A_1025] : memref<10x40xi32, #tpu.memory_space<vmem>> -> memref<1x40xi32, #tpu.memory_space<vmem>>
      %dma_wait3A_1027 = tpu.memref_squeeze %dma_wait3A_1026 : memref<1x40xi32, #tpu.memory_space<vmem>> -> memref<40xi32, #tpu.memory_space<vmem>>
      %dma_wait3A_1028 = arith.constant 0 : i32
      %dma_wait3A_1029 = arith.constant 0 : i32
      %dma_wait3A_1030 = tpu.memref_slice %arg3[%dma_wait3A_1028, %dma_wait3A_1029] : memref<100000x128xf32, #tpu.memory_space<hbm>> -> memref<100000x128xf32, #tpu.memory_space<hbm>>
      %dma_wait3A_1031 = tpu.memref_slice %arg10[%dma_wait3A_1020] : memref<10x!tpu.dma_semaphore, #tpu.memory_space<semaphore_mem>> -> memref<1x!tpu.dma_semaphore, #tpu.memory_space<semaphore_mem>>
      %dma_wait3A_1032 = tpu.memref_squeeze %dma_wait3A_1031 : memref<1x!tpu.dma_semaphore, #tpu.memory_space<semaphore_mem>> -> memref<!tpu.dma_semaphore, #tpu.memory_space<semaphore_mem>>
      tpu.wait_indirect_dma semaphore(%dma_wait3A_1032 : memref<!tpu.dma_semaphore, #tpu.memory_space<semaphore_mem>>) src(%dma_wait3A_1030 : memref<100000x128xf32, #tpu.memory_space<hbm>>) dst(%dma_wait3A_1024 : memref<40x128xf32, #tpu.memory_space<vmem>>)
      %add3A_1033 = arith.constant 10 : i32
      %add3A_1034 = arith.addi %add3A_1016, %add3A_1033 : i32
      %lt3A_1035 = arith.constant 640 : i32
      %lt3A_1036 = arith.cmpi slt, %add3A_1034, %lt3A_1035 : i32
      %convert_element_type3A_1037 = arith.extui %lt3A_1036 : i1 to i32
      %cond3A_1038 = arith.constant 0 : i32
      %cond3A_1039 = arith.cmpi ne, %convert_element_type3A_1037, %cond3A_1038 : i32
      scf.if %cond3A_1039 {
        %add3A_1065 = arith.addi %mul3A_2, %add3A_1016 : i32
        %add3A_1066 = arith.constant 10 : i32
        %add3A_1067 = arith.addi %add3A_1065, %add3A_1066 : i32
        %dma_start3A_1068 = arith.constant 9 : i32
        %dma_start3A_1069 = arith.constant 9 : i32
        %dma_start3A_1070 = arith.constant 0 : i32
        %dma_start3A_1071 = tpu.memref_slice %arg7[%dma_start3A_1068, %dma_start3A_1070] : memref<10x40xi32, #tpu.memory_space<vmem>> -> memref<1x40xi32, #tpu.memory_space<vmem>>
        %dma_start3A_1072 = tpu.memref_squeeze %dma_start3A_1071 : memref<1x40xi32, #tpu.memory_space<vmem>> -> memref<40xi32, #tpu.memory_space<vmem>>
        %dma_start3A_1073 = arith.constant 0 : i32
        %dma_start3A_1074 = tpu.memref_slice %arg2[%add3A_1067, %dma_start3A_1073] : memref<20480x40xi32, #tpu.memory_space<hbm>> -> memref<1x40xi32, #tpu.memory_space<hbm>>
        %dma_start3A_1075 = tpu.memref_squeeze %dma_start3A_1074 : memref<1x40xi32, #tpu.memory_space<hbm>> -> memref<40xi32, #tpu.memory_space<hbm>>
        %dma_start3A_1076 = tpu.memref_slice %arg9[%dma_start3A_1069] : memref<10x!tpu.dma_semaphore, #tpu.memory_space<semaphore_mem>> -> memref<1x!tpu.dma_semaphore, #tpu.memory_space<semaphore_mem>>
        %dma_start3A_1077 = tpu.memref_squeeze %dma_start3A_1076 : memref<1x!tpu.dma_semaphore, #tpu.memory_space<semaphore_mem>> -> memref<!tpu.dma_semaphore, #tpu.memory_space<semaphore_mem>>
        %dma_start3A_1078 = arith.constant 0 : i32
        %dma_start3A_1079 = tpu.memref_slice %arg7[%dma_start3A_1068, %dma_start3A_1078] : memref<10x40xi32, #tpu.memory_space<vmem>> -> memref<1x40xi32, #tpu.memory_space<vmem>>
        %dma_start3A_1080 = tpu.memref_squeeze %dma_start3A_1079 : memref<1x40xi32, #tpu.memory_space<vmem>> -> memref<40xi32, #tpu.memory_space<vmem>>
        %dma_start3A_1081 = arith.constant 0 : i32
        %dma_start3A_1082 = tpu.memref_slice %arg2[%add3A_1067, %dma_start3A_1081] : memref<20480x40xi32, #tpu.memory_space<hbm>> -> memref<1x40xi32, #tpu.memory_space<hbm>>
        %dma_start3A_1083 = tpu.memref_squeeze %dma_start3A_1082 : memref<1x40xi32, #tpu.memory_space<hbm>> -> memref<40xi32, #tpu.memory_space<hbm>>
        tpu.enqueue_dma source(%dma_start3A_1083 : memref<40xi32, #tpu.memory_space<hbm>>) target(%dma_start3A_1080 : memref<40xi32, #tpu.memory_space<vmem>>) target_semaphore(%dma_start3A_1077 : memref<!tpu.dma_semaphore, #tpu.memory_space<semaphore_mem>>)
      } else {
      }
      %mul3A_1040 = arith.constant 40 : i32
      %mul3A_1041 = arith.muli %add3A_1017, %mul3A_1040 : i32
      %dma_start3A_1042 = arith.constant 9 : i32
      %dma_start3A_1043 = arith.constant 9 : i32
      %dma_start3A_1044 = arith.constant 0 : i32
      %dma_start3A_1045 = arith.constant 0 : i32
      %dma_start3A_1046 = tpu.memref_slice %arg8[%dma_start3A_1042, %dma_start3A_1044, %dma_start3A_1045] : memref<10x40x128xf32, #tpu.memory_space<vmem>> -> memref<1x40x128xf32, #tpu.memory_space<vmem>>
      %dma_start3A_1047 = tpu.memref_squeeze %dma_start3A_1046 : memref<1x40x128xf32, #tpu.memory_space<vmem>> -> memref<40x128xf32, #tpu.memory_space<vmem>>
      %dma_start3A_1048 = arith.constant 0 : i32
      %dma_start3A_1049 = tpu.memref_slice %arg5[%mul3A_1041, %dma_start3A_1048] : memref<819200x128xf32, #tpu.memory_space<hbm>> -> memref<40x128xf32, #tpu.memory_space<hbm>>
      %dma_start3A_1050 = tpu.memref_slice %arg11[%dma_start3A_1043] : memref<10x!tpu.dma_semaphore, #tpu.memory_space<semaphore_mem>> -> memref<1x!tpu.dma_semaphore, #tpu.memory_space<semaphore_mem>>
      %dma_start3A_1051 = tpu.memref_squeeze %dma_start3A_1050 : memref<1x!tpu.dma_semaphore, #tpu.memory_space<semaphore_mem>> -> memref<!tpu.dma_semaphore, #tpu.memory_space<semaphore_mem>>
      %dma_start3A_1052 = arith.constant 0 : i32
      %dma_start3A_1053 = tpu.memref_slice %arg5[%mul3A_1041, %dma_start3A_1052] : memref<819200x128xf32, #tpu.memory_space<hbm>> -> memref<40x128xf32, #tpu.memory_space<hbm>>
      %dma_start3A_1054 = arith.constant 0 : i32
      %dma_start3A_1055 = arith.constant 0 : i32
      %dma_start3A_1056 = tpu.memref_slice %arg8[%dma_start3A_1042, %dma_start3A_1054, %dma_start3A_1055] : memref<10x40x128xf32, #tpu.memory_space<vmem>> -> memref<1x40x128xf32, #tpu.memory_space<vmem>>
      %dma_start3A_1057 = tpu.memref_squeeze %dma_start3A_1056 : memref<1x40x128xf32, #tpu.memory_space<vmem>> -> memref<40x128xf32, #tpu.memory_space<vmem>>
      tpu.enqueue_dma source(%dma_start3A_1057 : memref<40x128xf32, #tpu.memory_space<vmem>>) target(%dma_start3A_1053 : memref<40x128xf32, #tpu.memory_space<hbm>>) target_semaphore(%dma_start3A_1051 : memref<!tpu.dma_semaphore, #tpu.memory_space<semaphore_mem>>)
      %add3A_1058 = arith.constant 6 : i32
      %add3A_1059 = arith.addi %add3A_1016, %add3A_1058 : i32
      %lt3A_1060 = arith.constant 640 : i32
      %lt3A_1061 = arith.cmpi slt, %add3A_1059, %lt3A_1060 : i32
      %convert_element_type3A_1062 = arith.extui %lt3A_1061 : i1 to i32
      %cond3A_1063 = arith.constant 0 : i32
      %cond3A_1064 = arith.cmpi ne, %convert_element_type3A_1062, %cond3A_1063 : i32
      scf.if %cond3A_1064 {
        %ge3A = arith.constant 4 : i32
        %ge3A_1065 = arith.cmpi sge, %add3A_1016, %ge3A : i32
        %convert_element_type3A_1066 = arith.extui %ge3A_1065 : i1 to i32
        %cond3A_1067 = arith.constant 0 : i32
        %cond3A_1068 = arith.cmpi ne, %convert_element_type3A_1066, %cond3A_1067 : i32
        scf.if %cond3A_1068 {
          %mul3A_1100 = arith.constant 40 : i32
          %mul3A_1101 = arith.muli %mul3A_2, %mul3A_1100 : i32
          %dma_wait3A_1102 = arith.constant 5 : i32
          %dma_wait3A_1103 = arith.constant 5 : i32
          %dma_wait3A_1104 = arith.constant 0 : i32
          %dma_wait3A_1105 = arith.constant 0 : i32
          %dma_wait3A_1106 = tpu.memref_slice %arg8[%dma_wait3A_1102, %dma_wait3A_1104, %dma_wait3A_1105] : memref<10x40x128xf32, #tpu.memory_space<vmem>> -> memref<1x40x128xf32, #tpu.memory_space<vmem>>
          %dma_wait3A_1107 = tpu.memref_squeeze %dma_wait3A_1106 : memref<1x40x128xf32, #tpu.memory_space<vmem>> -> memref<40x128xf32, #tpu.memory_space<vmem>>
          %dma_wait3A_1108 = arith.constant 0 : i32
          %dma_wait3A_1109 = tpu.memref_slice %arg5[%mul3A_1101, %dma_wait3A_1108] : memref<819200x128xf32, #tpu.memory_space<hbm>> -> memref<40x128xf32, #tpu.memory_space<hbm>>
          %dma_wait3A_1110 = tpu.memref_slice %arg11[%dma_wait3A_1103] : memref<10x!tpu.dma_semaphore, #tpu.memory_space<semaphore_mem>> -> memref<1x!tpu.dma_semaphore, #tpu.memory_space<semaphore_mem>>
          %dma_wait3A_1111 = tpu.memref_squeeze %dma_wait3A_1110 : memref<1x!tpu.dma_semaphore, #tpu.memory_space<semaphore_mem>> -> memref<!tpu.dma_semaphore, #tpu.memory_space<semaphore_mem>>
          %dma_wait3A_1112 = arith.constant 0 : i32
          %dma_wait3A_1113 = tpu.memref_slice %arg5[%mul3A_1101, %dma_wait3A_1112] : memref<819200x128xf32, #tpu.memory_space<hbm>> -> memref<40x128xf32, #tpu.memory_space<hbm>>
          %dma_wait3A_1114 = arith.constant 0 : i32
          %dma_wait3A_1115 = arith.constant 0 : i32
          %dma_wait3A_1116 = tpu.memref_slice %arg8[%dma_wait3A_1102, %dma_wait3A_1114, %dma_wait3A_1115] : memref<10x40x128xf32, #tpu.memory_space<vmem>> -> memref<1x40x128xf32, #tpu.memory_space<vmem>>
          %dma_wait3A_1117 = tpu.memref_squeeze %dma_wait3A_1116 : memref<1x40x128xf32, #tpu.memory_space<vmem>> -> memref<40x128xf32, #tpu.memory_space<vmem>>
          tpu.wait_dma2 semaphore(%dma_wait3A_1111 : memref<!tpu.dma_semaphore, #tpu.memory_space<semaphore_mem>>) src(%dma_wait3A_1117 : memref<40x128xf32, #tpu.memory_space<vmem>>) dst(%dma_wait3A_1113 : memref<40x128xf32, #tpu.memory_space<hbm>>)
        } else {
        }
        %dma_wait3A_1069 = arith.constant 5 : i32
        %dma_wait3A_1070 = arith.constant 5 : i32
        %dma_wait3A_1071 = arith.constant 0 : i32
        %dma_wait3A_1072 = tpu.memref_slice %arg7[%dma_wait3A_1069, %dma_wait3A_1071] : memref<10x40xi32, #tpu.memory_space<vmem>> -> memref<1x40xi32, #tpu.memory_space<vmem>>
        %dma_wait3A_1073 = tpu.memref_squeeze %dma_wait3A_1072 : memref<1x40xi32, #tpu.memory_space<vmem>> -> memref<40xi32, #tpu.memory_space<vmem>>
        %dma_wait3A_1074 = arith.constant 0 : i32
        %dma_wait3A_1075 = tpu.memref_slice %arg2[%mul3A_2, %dma_wait3A_1074] : memref<20480x40xi32, #tpu.memory_space<hbm>> -> memref<1x40xi32, #tpu.memory_space<hbm>>
        %dma_wait3A_1076 = tpu.memref_squeeze %dma_wait3A_1075 : memref<1x40xi32, #tpu.memory_space<hbm>> -> memref<40xi32, #tpu.memory_space<hbm>>
        %dma_wait3A_1077 = tpu.memref_slice %arg9[%dma_wait3A_1070] : memref<10x!tpu.dma_semaphore, #tpu.memory_space<semaphore_mem>> -> memref<1x!tpu.dma_semaphore, #tpu.memory_space<semaphore_mem>>
        %dma_wait3A_1078 = tpu.memref_squeeze %dma_wait3A_1077 : memref<1x!tpu.dma_semaphore, #tpu.memory_space<semaphore_mem>> -> memref<!tpu.dma_semaphore, #tpu.memory_space<semaphore_mem>>
        %dma_wait3A_1079 = arith.constant 0 : i32
        %dma_wait3A_1080 = tpu.memref_slice %arg7[%dma_wait3A_1069, %dma_wait3A_1079] : memref<10x40xi32, #tpu.memory_space<vmem>> -> memref<1x40xi32, #tpu.memory_space<vmem>>
        %dma_wait3A_1081 = tpu.memref_squeeze %dma_wait3A_1080 : memref<1x40xi32, #tpu.memory_space<vmem>> -> memref<40xi32, #tpu.memory_space<vmem>>
        %dma_wait3A_1082 = arith.constant 0 : i32
        %dma_wait3A_1083 = tpu.memref_slice %arg2[%mul3A_2, %dma_wait3A_1082] : memref<20480x40xi32, #tpu.memory_space<hbm>> -> memref<1x40xi32, #tpu.memory_space<hbm>>
        %dma_wait3A_1084 = tpu.memref_squeeze %dma_wait3A_1083 : memref<1x40xi32, #tpu.memory_space<hbm>> -> memref<40xi32, #tpu.memory_space<hbm>>
        tpu.wait_dma2 semaphore(%dma_wait3A_1078 : memref<!tpu.dma_semaphore, #tpu.memory_space<semaphore_mem>>) src(%dma_wait3A_1084 : memref<40xi32, #tpu.memory_space<hbm>>) dst(%dma_wait3A_1081 : memref<40xi32, #tpu.memory_space<vmem>>)
        %dma_start3A_1085 = arith.constant 5 : i32
        %dma_start3A_1086 = arith.constant 5 : i32
        %dma_start3A_1087 = arith.constant 5 : i32
        %dma_start3A_1088 = arith.constant 0 : i32
        %dma_start3A_1089 = arith.constant 0 : i32
        %dma_start3A_1090 = tpu.memref_slice %arg8[%dma_start3A_1086, %dma_start3A_1088, %dma_start3A_1089] : memref<10x40x128xf32, #tpu.memory_space<vmem>> -> memref<1x40x128xf32, #tpu.memory_space<vmem>>
        %dma_start3A_1091 = tpu.memref_squeeze %dma_start3A_1090 : memref<1x40x128xf32, #tpu.memory_space<vmem>> -> memref<40x128xf32, #tpu.memory_space<vmem>>
        %dma_start3A_1092 = arith.constant 0 : i32
        %dma_start3A_1093 = tpu.memref_slice %arg7[%dma_start3A_1085, %dma_start3A_1092] : memref<10x40xi32, #tpu.memory_space<vmem>> -> memref<1x40xi32, #tpu.memory_space<vmem>>
        %dma_start3A_1094 = tpu.memref_squeeze %dma_start3A_1093 : memref<1x40xi32, #tpu.memory_space<vmem>> -> memref<40xi32, #tpu.memory_space<vmem>>
        %dma_start3A_1095 = arith.constant 0 : i32
        %dma_start3A_1096 = arith.constant 0 : i32
        %dma_start3A_1097 = tpu.memref_slice %arg3[%dma_start3A_1095, %dma_start3A_1096] : memref<100000x128xf32, #tpu.memory_space<hbm>> -> memref<100000x128xf32, #tpu.memory_space<hbm>>
        %dma_start3A_1098 = tpu.memref_slice %arg10[%dma_start3A_1087] : memref<10x!tpu.dma_semaphore, #tpu.memory_space<semaphore_mem>> -> memref<1x!tpu.dma_semaphore, #tpu.memory_space<semaphore_mem>>
        %dma_start3A_1099 = tpu.memref_squeeze %dma_start3A_1098 : memref<1x!tpu.dma_semaphore, #tpu.memory_space<semaphore_mem>> -> memref<!tpu.dma_semaphore, #tpu.memory_space<semaphore_mem>>
        tpu.enqueue_indirect_dma source(%dma_start3A_1097 : memref<100000x128xf32, #tpu.memory_space<hbm>>) target(%dma_start3A_1091 : memref<40x128xf32, #tpu.memory_space<vmem>>) offsets(%dma_start3A_1094 : memref<40xi32, #tpu.memory_space<vmem>>) semaphore(%dma_start3A_1099 : memref<!tpu.dma_semaphore, #tpu.memory_space<semaphore_mem>>)
      } else {
      }
    }
    %scan3A_382 = arith.constant 64 : i32
    %mul3A_383 = arith.constant 40 : i32
    %mul3A_384 = arith.muli %mul3A_2, %mul3A_383 : i32
    %dma_wait3A_385 = arith.constant 0 : i32
    %dma_wait3A_386 = arith.constant 0 : i32
    %dma_wait3A_387 = arith.constant 0 : i32
    %dma_wait3A_388 = arith.constant 0 : i32
    %dma_wait3A_389 = tpu.memref_slice %arg8[%dma_wait3A_385, %dma_wait3A_387, %dma_wait3A_388] : memref<10x40x128xf32, #tpu.memory_space<vmem>> -> memref<1x40x128xf32, #tpu.memory_space<vmem>>
    %dma_wait3A_390 = tpu.memref_squeeze %dma_wait3A_389 : memref<1x40x128xf32, #tpu.memory_space<vmem>> -> memref<40x128xf32, #tpu.memory_space<vmem>>
    %dma_wait3A_391 = arith.constant 0 : i32
    %dma_wait3A_392 = tpu.memref_slice %arg5[%mul3A_384, %dma_wait3A_391] : memref<819200x128xf32, #tpu.memory_space<hbm>> -> memref<40x128xf32, #tpu.memory_space<hbm>>
    %dma_wait3A_393 = tpu.memref_slice %arg11[%dma_wait3A_386] : memref<10x!tpu.dma_semaphore, #tpu.memory_space<semaphore_mem>> -> memref<1x!tpu.dma_semaphore, #tpu.memory_space<semaphore_mem>>
    %dma_wait3A_394 = tpu.memref_squeeze %dma_wait3A_393 : memref<1x!tpu.dma_semaphore, #tpu.memory_space<semaphore_mem>> -> memref<!tpu.dma_semaphore, #tpu.memory_space<semaphore_mem>>
    %dma_wait3A_395 = arith.constant 0 : i32
    %dma_wait3A_396 = tpu.memref_slice %arg5[%mul3A_384, %dma_wait3A_395] : memref<819200x128xf32, #tpu.memory_space<hbm>> -> memref<40x128xf32, #tpu.memory_space<hbm>>
    %dma_wait3A_397 = arith.constant 0 : i32
    %dma_wait3A_398 = arith.constant 0 : i32
    %dma_wait3A_399 = tpu.memref_slice %arg8[%dma_wait3A_385, %dma_wait3A_397, %dma_wait3A_398] : memref<10x40x128xf32, #tpu.memory_space<vmem>> -> memref<1x40x128xf32, #tpu.memory_space<vmem>>
    %dma_wait3A_400 = tpu.memref_squeeze %dma_wait3A_399 : memref<1x40x128xf32, #tpu.memory_space<vmem>> -> memref<40x128xf32, #tpu.memory_space<vmem>>
    tpu.wait_dma2 semaphore(%dma_wait3A_394 : memref<!tpu.dma_semaphore, #tpu.memory_space<semaphore_mem>>) src(%dma_wait3A_400 : memref<40x128xf32, #tpu.memory_space<vmem>>) dst(%dma_wait3A_396 : memref<40x128xf32, #tpu.memory_space<hbm>>)
    %mul3A_401 = arith.constant 40 : i32
    %mul3A_402 = arith.muli %mul3A_2, %mul3A_401 : i32
    %dma_wait3A_403 = arith.constant 1 : i32
    %dma_wait3A_404 = arith.constant 1 : i32
    %dma_wait3A_405 = arith.constant 0 : i32
    %dma_wait3A_406 = arith.constant 0 : i32
    %dma_wait3A_407 = tpu.memref_slice %arg8[%dma_wait3A_403, %dma_wait3A_405, %dma_wait3A_406] : memref<10x40x128xf32, #tpu.memory_space<vmem>> -> memref<1x40x128xf32, #tpu.memory_space<vmem>>
    %dma_wait3A_408 = tpu.memref_squeeze %dma_wait3A_407 : memref<1x40x128xf32, #tpu.memory_space<vmem>> -> memref<40x128xf32, #tpu.memory_space<vmem>>
    %dma_wait3A_409 = arith.constant 0 : i32
    %dma_wait3A_410 = tpu.memref_slice %arg5[%mul3A_402, %dma_wait3A_409] : memref<819200x128xf32, #tpu.memory_space<hbm>> -> memref<40x128xf32, #tpu.memory_space<hbm>>
    %dma_wait3A_411 = tpu.memref_slice %arg11[%dma_wait3A_404] : memref<10x!tpu.dma_semaphore, #tpu.memory_space<semaphore_mem>> -> memref<1x!tpu.dma_semaphore, #tpu.memory_space<semaphore_mem>>
    %dma_wait3A_412 = tpu.memref_squeeze %dma_wait3A_411 : memref<1x!tpu.dma_semaphore, #tpu.memory_space<semaphore_mem>> -> memref<!tpu.dma_semaphore, #tpu.memory_space<semaphore_mem>>
    %dma_wait3A_413 = arith.constant 0 : i32
    %dma_wait3A_414 = tpu.memref_slice %arg5[%mul3A_402, %dma_wait3A_413] : memref<819200x128xf32, #tpu.memory_space<hbm>> -> memref<40x128xf32, #tpu.memory_space<hbm>>
    %dma_wait3A_415 = arith.constant 0 : i32
    %dma_wait3A_416 = arith.constant 0 : i32
    %dma_wait3A_417 = tpu.memref_slice %arg8[%dma_wait3A_403, %dma_wait3A_415, %dma_wait3A_416] : memref<10x40x128xf32, #tpu.memory_space<vmem>> -> memref<1x40x128xf32, #tpu.memory_space<vmem>>
    %dma_wait3A_418 = tpu.memref_squeeze %dma_wait3A_417 : memref<1x40x128xf32, #tpu.memory_space<vmem>> -> memref<40x128xf32, #tpu.memory_space<vmem>>
    tpu.wait_dma2 semaphore(%dma_wait3A_412 : memref<!tpu.dma_semaphore, #tpu.memory_space<semaphore_mem>>) src(%dma_wait3A_418 : memref<40x128xf32, #tpu.memory_space<vmem>>) dst(%dma_wait3A_414 : memref<40x128xf32, #tpu.memory_space<hbm>>)
    %mul3A_419 = arith.constant 40 : i32
    %mul3A_420 = arith.muli %mul3A_2, %mul3A_419 : i32
    %dma_wait3A_421 = arith.constant 2 : i32
    %dma_wait3A_422 = arith.constant 2 : i32
    %dma_wait3A_423 = arith.constant 0 : i32
    %dma_wait3A_424 = arith.constant 0 : i32
    %dma_wait3A_425 = tpu.memref_slice %arg8[%dma_wait3A_421, %dma_wait3A_423, %dma_wait3A_424] : memref<10x40x128xf32, #tpu.memory_space<vmem>> -> memref<1x40x128xf32, #tpu.memory_space<vmem>>
    %dma_wait3A_426 = tpu.memref_squeeze %dma_wait3A_425 : memref<1x40x128xf32, #tpu.memory_space<vmem>> -> memref<40x128xf32, #tpu.memory_space<vmem>>
    %dma_wait3A_427 = arith.constant 0 : i32
    %dma_wait3A_428 = tpu.memref_slice %arg5[%mul3A_420, %dma_wait3A_427] : memref<819200x128xf32, #tpu.memory_space<hbm>> -> memref<40x128xf32, #tpu.memory_space<hbm>>
    %dma_wait3A_429 = tpu.memref_slice %arg11[%dma_wait3A_422] : memref<10x!tpu.dma_semaphore, #tpu.memory_space<semaphore_mem>> -> memref<1x!tpu.dma_semaphore, #tpu.memory_space<semaphore_mem>>
    %dma_wait3A_430 = tpu.memref_squeeze %dma_wait3A_429 : memref<1x!tpu.dma_semaphore, #tpu.memory_space<semaphore_mem>> -> memref<!tpu.dma_semaphore, #tpu.memory_space<semaphore_mem>>
    %dma_wait3A_431 = arith.constant 0 : i32
    %dma_wait3A_432 = tpu.memref_slice %arg5[%mul3A_420, %dma_wait3A_431] : memref<819200x128xf32, #tpu.memory_space<hbm>> -> memref<40x128xf32, #tpu.memory_space<hbm>>
    %dma_wait3A_433 = arith.constant 0 : i32
    %dma_wait3A_434 = arith.constant 0 : i32
    %dma_wait3A_435 = tpu.memref_slice %arg8[%dma_wait3A_421, %dma_wait3A_433, %dma_wait3A_434] : memref<10x40x128xf32, #tpu.memory_space<vmem>> -> memref<1x40x128xf32, #tpu.memory_space<vmem>>
    %dma_wait3A_436 = tpu.memref_squeeze %dma_wait3A_435 : memref<1x40x128xf32, #tpu.memory_space<vmem>> -> memref<40x128xf32, #tpu.memory_space<vmem>>
    tpu.wait_dma2 semaphore(%dma_wait3A_430 : memref<!tpu.dma_semaphore, #tpu.memory_space<semaphore_mem>>) src(%dma_wait3A_436 : memref<40x128xf32, #tpu.memory_space<vmem>>) dst(%dma_wait3A_432 : memref<40x128xf32, #tpu.memory_space<hbm>>)
    %mul3A_437 = arith.constant 40 : i32
    %mul3A_438 = arith.muli %mul3A_2, %mul3A_437 : i32
    %dma_wait3A_439 = arith.constant 3 : i32
    %dma_wait3A_440 = arith.constant 3 : i32
    %dma_wait3A_441 = arith.constant 0 : i32
    %dma_wait3A_442 = arith.constant 0 : i32
    %dma_wait3A_443 = tpu.memref_slice %arg8[%dma_wait3A_439, %dma_wait3A_441, %dma_wait3A_442] : memref<10x40x128xf32, #tpu.memory_space<vmem>> -> memref<1x40x128xf32, #tpu.memory_space<vmem>>
    %dma_wait3A_444 = tpu.memref_squeeze %dma_wait3A_443 : memref<1x40x128xf32, #tpu.memory_space<vmem>> -> memref<40x128xf32, #tpu.memory_space<vmem>>
    %dma_wait3A_445 = arith.constant 0 : i32
    %dma_wait3A_446 = tpu.memref_slice %arg5[%mul3A_438, %dma_wait3A_445] : memref<819200x128xf32, #tpu.memory_space<hbm>> -> memref<40x128xf32, #tpu.memory_space<hbm>>
    %dma_wait3A_447 = tpu.memref_slice %arg11[%dma_wait3A_440] : memref<10x!tpu.dma_semaphore, #tpu.memory_space<semaphore_mem>> -> memref<1x!tpu.dma_semaphore, #tpu.memory_space<semaphore_mem>>
    %dma_wait3A_448 = tpu.memref_squeeze %dma_wait3A_447 : memref<1x!tpu.dma_semaphore, #tpu.memory_space<semaphore_mem>> -> memref<!tpu.dma_semaphore, #tpu.memory_space<semaphore_mem>>
    %dma_wait3A_449 = arith.constant 0 : i32
    %dma_wait3A_450 = tpu.memref_slice %arg5[%mul3A_438, %dma_wait3A_449] : memref<819200x128xf32, #tpu.memory_space<hbm>> -> memref<40x128xf32, #tpu.memory_space<hbm>>
    %dma_wait3A_451 = arith.constant 0 : i32
    %dma_wait3A_452 = arith.constant 0 : i32
    %dma_wait3A_453 = tpu.memref_slice %arg8[%dma_wait3A_439, %dma_wait3A_451, %dma_wait3A_452] : memref<10x40x128xf32, #tpu.memory_space<vmem>> -> memref<1x40x128xf32, #tpu.memory_space<vmem>>
    %dma_wait3A_454 = tpu.memref_squeeze %dma_wait3A_453 : memref<1x40x128xf32, #tpu.memory_space<vmem>> -> memref<40x128xf32, #tpu.memory_space<vmem>>
    tpu.wait_dma2 semaphore(%dma_wait3A_448 : memref<!tpu.dma_semaphore, #tpu.memory_space<semaphore_mem>>) src(%dma_wait3A_454 : memref<40x128xf32, #tpu.memory_space<vmem>>) dst(%dma_wait3A_450 : memref<40x128xf32, #tpu.memory_space<hbm>>)
    %mul3A_455 = arith.constant 40 : i32
    %mul3A_456 = arith.muli %mul3A_2, %mul3A_455 : i32
    %dma_wait3A_457 = arith.constant 4 : i32
    %dma_wait3A_458 = arith.constant 4 : i32
    %dma_wait3A_459 = arith.constant 0 : i32
    %dma_wait3A_460 = arith.constant 0 : i32
    %dma_wait3A_461 = tpu.memref_slice %arg8[%dma_wait3A_457, %dma_wait3A_459, %dma_wait3A_460] : memref<10x40x128xf32, #tpu.memory_space<vmem>> -> memref<1x40x128xf32, #tpu.memory_space<vmem>>
    %dma_wait3A_462 = tpu.memref_squeeze %dma_wait3A_461 : memref<1x40x128xf32, #tpu.memory_space<vmem>> -> memref<40x128xf32, #tpu.memory_space<vmem>>
    %dma_wait3A_463 = arith.constant 0 : i32
    %dma_wait3A_464 = tpu.memref_slice %arg5[%mul3A_456, %dma_wait3A_463] : memref<819200x128xf32, #tpu.memory_space<hbm>> -> memref<40x128xf32, #tpu.memory_space<hbm>>
    %dma_wait3A_465 = tpu.memref_slice %arg11[%dma_wait3A_458] : memref<10x!tpu.dma_semaphore, #tpu.memory_space<semaphore_mem>> -> memref<1x!tpu.dma_semaphore, #tpu.memory_space<semaphore_mem>>
    %dma_wait3A_466 = tpu.memref_squeeze %dma_wait3A_465 : memref<1x!tpu.dma_semaphore, #tpu.memory_space<semaphore_mem>> -> memref<!tpu.dma_semaphore, #tpu.memory_space<semaphore_mem>>
    %dma_wait3A_467 = arith.constant 0 : i32
    %dma_wait3A_468 = tpu.memref_slice %arg5[%mul3A_456, %dma_wait3A_467] : memref<819200x128xf32, #tpu.memory_space<hbm>> -> memref<40x128xf32, #tpu.memory_space<hbm>>
    %dma_wait3A_469 = arith.constant 0 : i32
    %dma_wait3A_470 = arith.constant 0 : i32
    %dma_wait3A_471 = tpu.memref_slice %arg8[%dma_wait3A_457, %dma_wait3A_469, %dma_wait3A_470] : memref<10x40x128xf32, #tpu.memory_space<vmem>> -> memref<1x40x128xf32, #tpu.memory_space<vmem>>
    %dma_wait3A_472 = tpu.memref_squeeze %dma_wait3A_471 : memref<1x40x128xf32, #tpu.memory_space<vmem>> -> memref<40x128xf32, #tpu.memory_space<vmem>>
    tpu.wait_dma2 semaphore(%dma_wait3A_466 : memref<!tpu.dma_semaphore, #tpu.memory_space<semaphore_mem>>) src(%dma_wait3A_472 : memref<40x128xf32, #tpu.memory_space<vmem>>) dst(%dma_wait3A_468 : memref<40x128xf32, #tpu.memory_space<hbm>>)
    %mul3A_473 = arith.constant 40 : i32
    %mul3A_474 = arith.muli %mul3A_2, %mul3A_473 : i32
    %dma_wait3A_475 = arith.constant 5 : i32
    %dma_wait3A_476 = arith.constant 5 : i32
    %dma_wait3A_477 = arith.constant 0 : i32
    %dma_wait3A_478 = arith.constant 0 : i32
    %dma_wait3A_479 = tpu.memref_slice %arg8[%dma_wait3A_475, %dma_wait3A_477, %dma_wait3A_478] : memref<10x40x128xf32, #tpu.memory_space<vmem>> -> memref<1x40x128xf32, #tpu.memory_space<vmem>>
    %dma_wait3A_480 = tpu.memref_squeeze %dma_wait3A_479 : memref<1x40x128xf32, #tpu.memory_space<vmem>> -> memref<40x128xf32, #tpu.memory_space<vmem>>
    %dma_wait3A_481 = arith.constant 0 : i32
    %dma_wait3A_482 = tpu.memref_slice %arg5[%mul3A_474, %dma_wait3A_481] : memref<819200x128xf32, #tpu.memory_space<hbm>> -> memref<40x128xf32, #tpu.memory_space<hbm>>
    %dma_wait3A_483 = tpu.memref_slice %arg11[%dma_wait3A_476] : memref<10x!tpu.dma_semaphore, #tpu.memory_space<semaphore_mem>> -> memref<1x!tpu.dma_semaphore, #tpu.memory_space<semaphore_mem>>
    %dma_wait3A_484 = tpu.memref_squeeze %dma_wait3A_483 : memref<1x!tpu.dma_semaphore, #tpu.memory_space<semaphore_mem>> -> memref<!tpu.dma_semaphore, #tpu.memory_space<semaphore_mem>>
    %dma_wait3A_485 = arith.constant 0 : i32
    %dma_wait3A_486 = tpu.memref_slice %arg5[%mul3A_474, %dma_wait3A_485] : memref<819200x128xf32, #tpu.memory_space<hbm>> -> memref<40x128xf32, #tpu.memory_space<hbm>>
    %dma_wait3A_487 = arith.constant 0 : i32
    %dma_wait3A_488 = arith.constant 0 : i32
    %dma_wait3A_489 = tpu.memref_slice %arg8[%dma_wait3A_475, %dma_wait3A_487, %dma_wait3A_488] : memref<10x40x128xf32, #tpu.memory_space<vmem>> -> memref<1x40x128xf32, #tpu.memory_space<vmem>>
    %dma_wait3A_490 = tpu.memref_squeeze %dma_wait3A_489 : memref<1x40x128xf32, #tpu.memory_space<vmem>> -> memref<40x128xf32, #tpu.memory_space<vmem>>
    tpu.wait_dma2 semaphore(%dma_wait3A_484 : memref<!tpu.dma_semaphore, #tpu.memory_space<semaphore_mem>>) src(%dma_wait3A_490 : memref<40x128xf32, #tpu.memory_space<vmem>>) dst(%dma_wait3A_486 : memref<40x128xf32, #tpu.memory_space<hbm>>)
    %mul3A_491 = arith.constant 40 : i32
    %mul3A_492 = arith.muli %mul3A_2, %mul3A_491 : i32
    %dma_wait3A_493 = arith.constant 6 : i32
    %dma_wait3A_494 = arith.constant 6 : i32
    %dma_wait3A_495 = arith.constant 0 : i32
    %dma_wait3A_496 = arith.constant 0 : i32
    %dma_wait3A_497 = tpu.memref_slice %arg8[%dma_wait3A_493, %dma_wait3A_495, %dma_wait3A_496] : memref<10x40x128xf32, #tpu.memory_space<vmem>> -> memref<1x40x128xf32, #tpu.memory_space<vmem>>
    %dma_wait3A_498 = tpu.memref_squeeze %dma_wait3A_497 : memref<1x40x128xf32, #tpu.memory_space<vmem>> -> memref<40x128xf32, #tpu.memory_space<vmem>>
    %dma_wait3A_499 = arith.constant 0 : i32
    %dma_wait3A_500 = tpu.memref_slice %arg5[%mul3A_492, %dma_wait3A_499] : memref<819200x128xf32, #tpu.memory_space<hbm>> -> memref<40x128xf32, #tpu.memory_space<hbm>>
    %dma_wait3A_501 = tpu.memref_slice %arg11[%dma_wait3A_494] : memref<10x!tpu.dma_semaphore, #tpu.memory_space<semaphore_mem>> -> memref<1x!tpu.dma_semaphore, #tpu.memory_space<semaphore_mem>>
    %dma_wait3A_502 = tpu.memref_squeeze %dma_wait3A_501 : memref<1x!tpu.dma_semaphore, #tpu.memory_space<semaphore_mem>> -> memref<!tpu.dma_semaphore, #tpu.memory_space<semaphore_mem>>
    %dma_wait3A_503 = arith.constant 0 : i32
    %dma_wait3A_504 = tpu.memref_slice %arg5[%mul3A_492, %dma_wait3A_503] : memref<819200x128xf32, #tpu.memory_space<hbm>> -> memref<40x128xf32, #tpu.memory_space<hbm>>
    %dma_wait3A_505 = arith.constant 0 : i32
    %dma_wait3A_506 = arith.constant 0 : i32
    %dma_wait3A_507 = tpu.memref_slice %arg8[%dma_wait3A_493, %dma_wait3A_505, %dma_wait3A_506] : memref<10x40x128xf32, #tpu.memory_space<vmem>> -> memref<1x40x128xf32, #tpu.memory_space<vmem>>
    %dma_wait3A_508 = tpu.memref_squeeze %dma_wait3A_507 : memref<1x40x128xf32, #tpu.memory_space<vmem>> -> memref<40x128xf32, #tpu.memory_space<vmem>>
    tpu.wait_dma2 semaphore(%dma_wait3A_502 : memref<!tpu.dma_semaphore, #tpu.memory_space<semaphore_mem>>) src(%dma_wait3A_508 : memref<40x128xf32, #tpu.memory_space<vmem>>) dst(%dma_wait3A_504 : memref<40x128xf32, #tpu.memory_space<hbm>>)
    %mul3A_509 = arith.constant 40 : i32
    %mul3A_510 = arith.muli %mul3A_2, %mul3A_509 : i32
    %dma_wait3A_511 = arith.constant 7 : i32
    %dma_wait3A_512 = arith.constant 7 : i32
    %dma_wait3A_513 = arith.constant 0 : i32
    %dma_wait3A_514 = arith.constant 0 : i32
    %dma_wait3A_515 = tpu.memref_slice %arg8[%dma_wait3A_511, %dma_wait3A_513, %dma_wait3A_514] : memref<10x40x128xf32, #tpu.memory_space<vmem>> -> memref<1x40x128xf32, #tpu.memory_space<vmem>>
    %dma_wait3A_516 = tpu.memref_squeeze %dma_wait3A_515 : memref<1x40x128xf32, #tpu.memory_space<vmem>> -> memref<40x128xf32, #tpu.memory_space<vmem>>
    %dma_wait3A_517 = arith.constant 0 : i32
    %dma_wait3A_518 = tpu.memref_slice %arg5[%mul3A_510, %dma_wait3A_517] : memref<819200x128xf32, #tpu.memory_space<hbm>> -> memref<40x128xf32, #tpu.memory_space<hbm>>
    %dma_wait3A_519 = tpu.memref_slice %arg11[%dma_wait3A_512] : memref<10x!tpu.dma_semaphore, #tpu.memory_space<semaphore_mem>> -> memref<1x!tpu.dma_semaphore, #tpu.memory_space<semaphore_mem>>
    %dma_wait3A_520 = tpu.memref_squeeze %dma_wait3A_519 : memref<1x!tpu.dma_semaphore, #tpu.memory_space<semaphore_mem>> -> memref<!tpu.dma_semaphore, #tpu.memory_space<semaphore_mem>>
    %dma_wait3A_521 = arith.constant 0 : i32
    %dma_wait3A_522 = tpu.memref_slice %arg5[%mul3A_510, %dma_wait3A_521] : memref<819200x128xf32, #tpu.memory_space<hbm>> -> memref<40x128xf32, #tpu.memory_space<hbm>>
    %dma_wait3A_523 = arith.constant 0 : i32
    %dma_wait3A_524 = arith.constant 0 : i32
    %dma_wait3A_525 = tpu.memref_slice %arg8[%dma_wait3A_511, %dma_wait3A_523, %dma_wait3A_524] : memref<10x40x128xf32, #tpu.memory_space<vmem>> -> memref<1x40x128xf32, #tpu.memory_space<vmem>>
    %dma_wait3A_526 = tpu.memref_squeeze %dma_wait3A_525 : memref<1x40x128xf32, #tpu.memory_space<vmem>> -> memref<40x128xf32, #tpu.memory_space<vmem>>
    tpu.wait_dma2 semaphore(%dma_wait3A_520 : memref<!tpu.dma_semaphore, #tpu.memory_space<semaphore_mem>>) src(%dma_wait3A_526 : memref<40x128xf32, #tpu.memory_space<vmem>>) dst(%dma_wait3A_522 : memref<40x128xf32, #tpu.memory_space<hbm>>)
    %mul3A_527 = arith.constant 40 : i32
    %mul3A_528 = arith.muli %mul3A_2, %mul3A_527 : i32
    %dma_wait3A_529 = arith.constant 8 : i32
    %dma_wait3A_530 = arith.constant 8 : i32
    %dma_wait3A_531 = arith.constant 0 : i32
    %dma_wait3A_532 = arith.constant 0 : i32
    %dma_wait3A_533 = tpu.memref_slice %arg8[%dma_wait3A_529, %dma_wait3A_531, %dma_wait3A_532] : memref<10x40x128xf32, #tpu.memory_space<vmem>> -> memref<1x40x128xf32, #tpu.memory_space<vmem>>
    %dma_wait3A_534 = tpu.memref_squeeze %dma_wait3A_533 : memref<1x40x128xf32, #tpu.memory_space<vmem>> -> memref<40x128xf32, #tpu.memory_space<vmem>>
    %dma_wait3A_535 = arith.constant 0 : i32
    %dma_wait3A_536 = tpu.memref_slice %arg5[%mul3A_528, %dma_wait3A_535] : memref<819200x128xf32, #tpu.memory_space<hbm>> -> memref<40x128xf32, #tpu.memory_space<hbm>>
    %dma_wait3A_537 = tpu.memref_slice %arg11[%dma_wait3A_530] : memref<10x!tpu.dma_semaphore, #tpu.memory_space<semaphore_mem>> -> memref<1x!tpu.dma_semaphore, #tpu.memory_space<semaphore_mem>>
    %dma_wait3A_538 = tpu.memref_squeeze %dma_wait3A_537 : memref<1x!tpu.dma_semaphore, #tpu.memory_space<semaphore_mem>> -> memref<!tpu.dma_semaphore, #tpu.memory_space<semaphore_mem>>
    %dma_wait3A_539 = arith.constant 0 : i32
    %dma_wait3A_540 = tpu.memref_slice %arg5[%mul3A_528, %dma_wait3A_539] : memref<819200x128xf32, #tpu.memory_space<hbm>> -> memref<40x128xf32, #tpu.memory_space<hbm>>
    %dma_wait3A_541 = arith.constant 0 : i32
    %dma_wait3A_542 = arith.constant 0 : i32
    %dma_wait3A_543 = tpu.memref_slice %arg8[%dma_wait3A_529, %dma_wait3A_541, %dma_wait3A_542] : memref<10x40x128xf32, #tpu.memory_space<vmem>> -> memref<1x40x128xf32, #tpu.memory_space<vmem>>
    %dma_wait3A_544 = tpu.memref_squeeze %dma_wait3A_543 : memref<1x40x128xf32, #tpu.memory_space<vmem>> -> memref<40x128xf32, #tpu.memory_space<vmem>>
    tpu.wait_dma2 semaphore(%dma_wait3A_538 : memref<!tpu.dma_semaphore, #tpu.memory_space<semaphore_mem>>) src(%dma_wait3A_544 : memref<40x128xf32, #tpu.memory_space<vmem>>) dst(%dma_wait3A_540 : memref<40x128xf32, #tpu.memory_space<hbm>>)
    %mul3A_545 = arith.constant 40 : i32
    %mul3A_546 = arith.muli %mul3A_2, %mul3A_545 : i32
    %dma_wait3A_547 = arith.constant 9 : i32
    %dma_wait3A_548 = arith.constant 9 : i32
    %dma_wait3A_549 = arith.constant 0 : i32
    %dma_wait3A_550 = arith.constant 0 : i32
    %dma_wait3A_551 = tpu.memref_slice %arg8[%dma_wait3A_547, %dma_wait3A_549, %dma_wait3A_550] : memref<10x40x128xf32, #tpu.memory_space<vmem>> -> memref<1x40x128xf32, #tpu.memory_space<vmem>>
    %dma_wait3A_552 = tpu.memref_squeeze %dma_wait3A_551 : memref<1x40x128xf32, #tpu.memory_space<vmem>> -> memref<40x128xf32, #tpu.memory_space<vmem>>
    %dma_wait3A_553 = arith.constant 0 : i32
    %dma_wait3A_554 = tpu.memref_slice %arg5[%mul3A_546, %dma_wait3A_553] : memref<819200x128xf32, #tpu.memory_space<hbm>> -> memref<40x128xf32, #tpu.memory_space<hbm>>
    %dma_wait3A_555 = tpu.memref_slice %arg11[%dma_wait3A_548] : memref<10x!tpu.dma_semaphore, #tpu.memory_space<semaphore_mem>> -> memref<1x!tpu.dma_semaphore, #tpu.memory_space<semaphore_mem>>
    %dma_wait3A_556 = tpu.memref_squeeze %dma_wait3A_555 : memref<1x!tpu.dma_semaphore, #tpu.memory_space<semaphore_mem>> -> memref<!tpu.dma_semaphore, #tpu.memory_space<semaphore_mem>>
    %dma_wait3A_557 = arith.constant 0 : i32
    %dma_wait3A_558 = tpu.memref_slice %arg5[%mul3A_546, %dma_wait3A_557] : memref<819200x128xf32, #tpu.memory_space<hbm>> -> memref<40x128xf32, #tpu.memory_space<hbm>>
    %dma_wait3A_559 = arith.constant 0 : i32
    %dma_wait3A_560 = arith.constant 0 : i32
    %dma_wait3A_561 = tpu.memref_slice %arg8[%dma_wait3A_547, %dma_wait3A_559, %dma_wait3A_560] : memref<10x40x128xf32, #tpu.memory_space<vmem>> -> memref<1x40x128xf32, #tpu.memory_space<vmem>>
    %dma_wait3A_562 = tpu.memref_squeeze %dma_wait3A_561 : memref<1x40x128xf32, #tpu.memory_space<vmem>> -> memref<40x128xf32, #tpu.memory_space<vmem>>
    tpu.wait_dma2 semaphore(%dma_wait3A_556 : memref<!tpu.dma_semaphore, #tpu.memory_space<semaphore_mem>>) src(%dma_wait3A_562 : memref<40x128xf32, #tpu.memory_space<vmem>>) dst(%dma_wait3A_558 : memref<40x128xf32, #tpu.memory_space<hbm>>)
    return
  }
}

</mosaic_0001>

<sc_bundles>
// kernel: _run.3.cloned.1.call-start
scs
__scs_entry_jumppad:
0x0: {  	(pc) =	sbr.rel $0x88, $3  }
0x1: {  	(tag) =	ssettag $0x0;
	lr =	simm.s32 $0x1  }
0x2: {  	[smem:$0x3F9E] =	sst lr;
	_ =	strace $0xD0000000  }
0x3: {  	_ = 	snop  }
0x4: {  	_ = 	snop  }
0x5: {  	_ = 	snop  }
0x6: {  	_ = 	snop  }
0x7: {  	_ = 	snop  }
__scs_overlays_trampoline_lowered:
0x8: {  	[smem:$0x3FAD] =	sst s0  }
0x9: {  	[smem:$0x3FAE] =	sst s1  }
0xa: {  	[smem:$0x3FAF] =	sst s2  }
0xb: {  	[smem:$0x3FB0] =	sst s3  }
0xc: {  	[smem:$0x3FB1] =	sst s4  }
0xd: {  	[smem:$0x3FB2] =	sst s5  }
0xe: {  	[smem:$0x3FB3] =	sst s6  }
0xf: {  	[smem:$0x3FB4] =	sst s7  }
0x10: {  	[smem:$0x3FB5] =	sst s8  }
0x11: {  	[smem:$0x3FB6] =	sst s9;
	s0 =	simm.s32 @!p0 $0x0  }
0x12: {  	s1 =	sld [smem:$0x3F9C];
	s0 =	simm.s32 @p0 $0x1  }
0x13: {  	[smem:$0x3FB7] =	sst s0;
	s0 =	simm.s32 @!p1 $0x0  }
0x14: {  	s2 =	sld [smem:$0x3F9B];
	s0 =	simm.s32 @p1 $0x1  }
0x15: {  	[smem:$0x3FB8] =	sst s0;
	s0 =	simm.s32 @!p2 $0x0  }
0x16: {  	s3 =	sld [smem:$0x3FDB];
	s0 =	simm.s32 @p2 $0x1  }
0x17: {  	s4 =	simm.s32 $0x1BF5;
	[smem:$0x3FBA] =	sst s0  }
0x18: {  	s0 =	sld [smem:$0x3F9D];
	_ =	swait.ge [sflag:s4], $0x0  }
0x19: {  	s7 =	sld [smem:$0x3F9E]  }
0x1a: {  	s8 =	sadd.s32 $0xFFFFE003, lr  }
0x1b: {  	s9 =	sadd.s32 $0xFFFFFEF7, lr;
	s5 =	simm.s32 $0xFFFFFFFF;
	p2 =	slt.u32 s8, $0xFFFFF086  }
0x1c: {  	p1 =	slt.u32 s9, $0xF7A;
	s5 =	simm.s32 @!p2 $0x0  }
0x1d: {  	s5 =	simm.s32 @p1 $0x1;
	p0 =	seq.s32 s7, s2  }
0x1e: {  	s7 =	smul.u32 @!p0 $0xF7A, s2;
	p2 =	seq.s32 @!p0 s5, $0x0  }
0x1f: {  	s9 =	smul.u32 $0xF7A, s1;
	s8 =	simm.s32 @!p0 $0x1BF5;
	p2 =	por !p2, p0  }
0x20: {  	[sflag:s8] =	ssyncset.s32 @!p0 $0xFFFFF086;
	s6 =	sadd.s32 @!p0 s3, s7;
	s7 =	simm.s32 @!p0 $0x108  }
0x21: {  	s3 =	sadd.s32 s3, s9;
	s6 =	sadd.s32 @!p0 $0x88, s6;
	s7 =	simm.s32 @p2 $0x1082  }
0x22: {  	[simem:s7], [sflag:s8] =	dma.local @!p0 [hbm:s6], $0xF7A  }
0x23: {  	s9 =	sor.u32 $0xD0000000, s2;
	s6 =	simm.s32 $0x108;
	_ =	swait.ge @!p0 [sflag:s8], $0x0  }
0x24: {  	s3 =	sadd.s32 $0x88, s3;
	s6 =	simm.s32 @!p1 $0x1082;
	[sflag:s4] =	ssyncset.s32 $0xFFFFF086  }
0x25: {  	[simem:s6], [sflag:s4] =	dma.local [hbm:s3], $0xF7A  }
0x26: {  	[smem:$0x3F9E] =	sst s1;
	(tag) =	ssettag s2;
	_ =	strace s9  }
0x27: {  	s1 =	sld [smem:$0x3FAE]  }
0x28: {  	s2 =	sld [smem:$0x3FAF]  }
0x29: {  	s4 =	sld [smem:$0x3FB1]  }
0x2a: {  	p0 =	seq.s32 s5, $0x0;
	s5 =	sld [smem:$0x3FB2]  }
0x2b: {  	s6 =	sld [smem:$0x3FB3]  }
0x2c: {  	s7 =	sld [smem:$0x3FB4]  }
0x2d: {  	s3 =	simm.s32 $0x108;
	s8 =	sld [smem:$0x3FB5]  }
0x2e: {  	s3 =	simm.s32 @!p0 $0x1082;
	s9 =	sld [smem:$0x3FB6]  }
0x2f: {  	lr =	sadd.s32 s0, s3;
	s0 =	sld [smem:$0x3FAD]  }
0x30: {  	s3 =	sld [smem:$0x3FB0]  }
0x31: {  	[smem:$0x3FB9] =	sst s10  }
0x32: {  	s10 =	sld [smem:$0x3FB7];
	_ =	sdelay $0x3  }
0x33: {  	p0 =	seq.s32 s10, $0x1;
	s10 =	sld [smem:$0x3FB9];
	_ =	sdelay $0x3  }
0x34: {  	[smem:$0x3FB9] =	sst s10  }
0x35: {  	s10 =	sld [smem:$0x3FB8];
	_ =	sdelay $0x3  }
0x36: {  	p1 =	seq.s32 s10, $0x1;
	s10 =	sld [smem:$0x3FB9];
	_ =	sdelay $0x3  }
0x37: {  	[smem:$0x3FB9] =	sst s10  }
0x38: {  	s10 =	sld [smem:$0x3FBA]  }
0x39: {  	_ = 	snop;
	(pc) =	sbr.ind lr, $3  }
0x3a: {  	_ = 	snop  }
0x3b: {  	_ = 	snop  }
0x3c: {  	p2 =	seq.s32 s10, $0x1;
	s10 =	sld [smem:$0x3FB9]  }
0x3d: {  	_ =	shalt  }
0x3e: {  	_ =	shalt  }
0x3f: {  	_ =	shalt  }
0x40: {  	_ =	shalt  }
0x41: {  	_ =	shalt  }
0x42: {  	_ =	shalt  }
0x43: {  	_ =	shalt  }
0x44: {  	_ =	shalt  }
0x45: {  	_ =	shalt  }
0x46: {  	_ =	shalt  }
0x47: {  	_ =	shalt  }
0x48: {  	_ =	shalt  }
0x49: {  	_ =	shalt  }
0x4a: {  	_ =	shalt  }
0x4b: {  	_ =	shalt  }
0x4c: {  	_ =	shalt  }
0x4d: {  	_ =	shalt  }
0x4e: {  	_ =	shalt  }
0x4f: {  	_ =	shalt  }
0x50: {  	_ =	shalt  }
0x51: {  	_ =	shalt  }
0x52: {  	_ =	shalt  }
0x53: {  	_ =	shalt  }
0x54: {  	_ =	shalt  }
0x55: {  	_ =	shalt  }
0x56: {  	_ =	shalt  }
0x57: {  	_ =	shalt  }
0x58: {  	_ =	shalt  }
0x59: {  	_ =	shalt  }
0x5a: {  	_ =	shalt  }
0x5b: {  	_ =	shalt  }
0x5c: {  	_ =	shalt  }
0x5d: {  	_ =	shalt  }
0x5e: {  	_ =	shalt  }
0x5f: {  	_ =	shalt  }
0x60: {  	_ =	shalt  }
0x61: {  	_ =	shalt  }
0x62: {  	_ =	shalt  }
0x63: {  	_ =	shalt  }
0x64: {  	_ =	shalt  }
0x65: {  	_ =	shalt  }
0x66: {  	_ =	shalt  }
0x67: {  	_ =	shalt  }
0x68: {  	_ =	shalt  }
0x69: {  	_ =	shalt  }
0x6a: {  	_ =	shalt  }
0x6b: {  	_ =	shalt  }
0x6c: {  	_ =	shalt  }
0x6d: {  	_ =	shalt  }
0x6e: {  	_ =	shalt  }
0x6f: {  	_ =	shalt  }
0x70: {  	_ =	shalt  }
0x71: {  	_ =	shalt  }
0x72: {  	_ =	shalt  }
0x73: {  	_ =	shalt  }
0x74: {  	_ =	shalt  }
0x75: {  	_ =	shalt  }
0x76: {  	_ =	shalt  }
0x77: {  	_ =	shalt  }
0x78: {  	_ =	shalt  }
0x79: {  	_ =	shalt  }
0x7a: {  	_ =	shalt  }
0x7b: {  	_ =	shalt  }
0x7c: {  	_ =	shalt  }
0x7d: {  	_ =	shalt  }
0x7e: {  	_ =	shalt  }
0x7f: {  	_ =	shalt  }
0x80: {  	_ =	shalt  }
0x81: {  	_ =	shalt  }
0x82: {  	_ =	shalt  }
0x83: {  	_ =	shalt  }
0x84: {  	_ =	shalt  }
0x85: {  	_ =	shalt  }
0x86: {  	_ =	shalt  }
0x87: {  	_ =	shalt  }
.Lfunc_end0:
.L_simem_size_0:
called_computation_lowered:
.L_overlay_start_0:
0x88: {  	s2 =	sld [smem:$0x3FD9]  }
0x89: {  	s3 =	sld [smem:$0x3FFE];
	_ =	sdelay $0x1  }
0x8a: {  	s1 =	srdreg.scid  }
0x8b: {  	s0 =	sand.u32 $0x1, s1  }
0x8c: {  	s17 =	sshll.u32 s0, $0xA;
	s2 =	sadd.s32 s3, s2  }
0x8d: {  	s2 =	sadd.s32 s2, s17  }
0x8e: {  	[smem:$0x3FC5] =	sst s2  }
0x8f: {  	_ = 	snop  }
0x90: {  	s2 =	sld [smem:$0x3FC8]  }
0x91: {  	s18 =	sld [smem:$0x3FC7]  }
0x92: {  	s4 =	sld [smem:$0x3FD0];
	(tm) =	ssettm $0x1  }
0x93: {  	s5 =	sld [smem:$0x3FFB];
	_ =	sdelay $0x3  }
0x94: {  	_ =	strace s5  }
0x95: {  	s5 =	sld [smem:$0x3FFC];
	_ =	sdelay $0x3  }
0x96: {  	_ =	strace s5  }
0x97: {  	s5 =	sld [smem:$0x3FFD];
	_ =	sdelay $0x3  }
0x98: {  	_ =	strace s5  }
0x99: {  	_ =	strace $0x8FFFFFFF  }
0x9a: {  	s19 =	sld [smem:$0x3FDB];
	_ =	sdelay $0x1  }
0x9b: {  	s6 =	simm.s32 $_scs_section_size  }
0x9c: {  	s7 =	simm.s32 $_size__tile_overlayer_lowered;
	s8 =	simm.s32 $_tile_overlayer_lowered  }
0x9d: {  	s22 =	simm.s32 $0x1BFF;
	s21 =	sshll.u32 s8, $0x1;
	s5 =	sadd.s32 s6, s19  }
0x9e: {  	s9 =	simm.s32 $0x0;
	s20 =	sshll.u32 s7, $0x1;
	s7 =	sadd.s32 s21, s5  }
0x9f: {  	[timem:s9], [sflag:s22] =	dma.local [hbm:s7], s20  }
0xa0: {  	_ =	swait.ge [sflag:s22], s20  }
0xa1: {  	s6 =	ssub.s32 $0x0, s20;
	[sflag:s22] =	ssyncset.done $0x0  }
0xa2: {  	[sflag:s22] =	ssyncadd.s32 s6;
	_ =	sdelay $0x1  }
0xa3: {  	s23 =	simm.s32 $0x1B8B  }
0xa4: {  	_ =	swait.ge [sflag:s23], $0x1  }
0xa5: {  	[sflag:s23] =	ssyncset.done $0x0  }
0xa6: {  	s25 =	simm.s32 $0x1B8E;
	s24 =	sld [smem:$0x3FFE];
	[sflag:s23] =	ssyncadd.s32 $0xFFFFFFFF  }
0xa7: {  	s26 =	simm.s32 $execute0_lowered;
	[smem:$0x3FD2] =	sst s25  }
0xa8: {  	s7 =	sshll.u32 s26, $0x1;
	_ =	strace $0x80000046;
	[dreg:$0x1] =	wrdreg $0xFFFFFFFF  }
0xa9: {  	s28 =	simm.s32 $_size_execute0_lowered;
	s5 =	sadd.s32 s5, s7;
	[dreg:$0x0] =	wrdreg $0x0  }
0xaa: {  	s7 =	sshll.u32 s28, $0x1;
	[dreg:$0x2] =	wrdreg s5  }
0xab: {  	[dreg:$0x3] =	wrdreg s7  }
0xac: {  	[dreg:$0x4] =	wrdreg $0xC0  }
0xad: {  	_ =	task [dreg:s9], $0x5FFFF  }
0xae: {  	[dreg:$0x1] =	wrdreg $0xFFFFFFFF  }
0xaf: {  	[dreg:$0x0] =	wrdreg $0x60  }
0xb0: {  	[dreg:$0x2] =	wrdreg s24  }
0xb1: {  	[dreg:$0x3] =	wrdreg s2  }
0xb2: {  	[dreg:$0x4] =	wrdreg s18  }
0xb3: {  	[dreg:$0x5] =	wrdreg s4  }
0xb4: {  	[dreg:$0x6] =	wrdreg $0x9  }
0xb5: {  	_ =	task.clear_ibuf [dreg:s9], $0x7FFFF;
	_ =	strace $0x90000046  }
0xb6: {  	s29 =	simm.s32 $0x9;
	_ =	strace $0x80000048  }
0xb7: {  	_ =	swait.ge [sflag:s29], $0x1  }
0xb8: {  	[sflag:s29] =	ssyncadd.s32 $0xFFFFFFFF  }
0xb9: {  	_ =	strace $0x90000048  }
0xba: {  	_ =	sfence  }
0xbb: {  	s30 =	sld [smem:$0x0];
	_ =	sdelay $0x2  }
0xbc: {  	s31 =	sshll.u32 s1, $0xD;
	s1 =	sshrl.u32 s1, $0x2  }
0xbd: {  	s3 =	sand.u32 $0x4000, s31;
	s1 =	sadd.s32 s1, s30  }
0xbe: {  	s0 =	sor.u32 s3, s0;
	s1 =	sshll.u32 s1, $0x11  }
0xbf: {  	s0 =	sor.u32 s1, s0  }
0xc0: {  	s0 =	sadd.s32 $0x8F2B, s0  }
0xc1: {  	[sflag:s0] =	ssyncadd.remote.s32 $0x1  }
0xc2: {  	_ =	sfence.sel $0xFFFF  }
0xc3: {  	[dreg:$0x0] =	wrdreg $0xFFFFFFFF;
	(pc) =	sbr.abs _section_cstart, $3  }
0xc4: {  	[dreg:$0x1] =	wrdreg $0xFFFFFFFF  }
0xc5: {  	_ =	task.clear_ibuf [dreg:s9], $0x2FFFF;
	_ =	strace $0x9FFFFFFF  }
0xc6: {  	(tm) =	ssettm $0x7FFFFFFF  }
0xc7: {  	_ =	shalt  }
tec
execute0_lowered:
.L_overlay_start_1:
0x0: {  	(tag) =	ssettag $0x1  }
0x1: {  	s0 =	rddreg [dreg:$0x0]  }
0x2: {  	s1 =	rddreg [dreg:$0x1];
	s2 =	srdreg.scid  }
0x3: {  	s8 =	stileid.u32;
	s5 =	rddreg [dreg:$0x3]  }
0x4: {  	s4 =	simm.s32 $0x0;
	s15 =	simm.s32 $0x7C80;
	s31 =	simm.s32 $0xA  }
0x5: {  	s28 =	simm.s32 $0x1A;
	s2 =	sand.u32 $0x1, s2;
	s21 =	smul.u32 $0xC8000, s8  }
0x6: {  	s3 =	sshll.u32 s8, $0x1;
	s0 =	sadd.s32 $0x400, s0;
	s24 =	smul.u32 $0x5000, s8  }
0x7: {  	[smem:$0x7FF] =	sst s4;
	s3 =	sor.u32 s2, s3;
	s29 =	smul.u32 $0x2800, s2  }
0x8: {  	s8 =	simm.s32 $0x10;
	s6 =	ssub.s32 $0x2, s2;
	s3 =	smul.u32 $0x2800, s3  }
0x9: {  	_ =	strace $0x80000047;
	s2 =	smul.u32 $0x64000, s2;
	s7 =	sshrl.u32 s6, $0x1  }
0xa: {  	s5 =	sadd.s32 s21, s5;
	s17 =	ssub.s32 s6, s7;
	s9 =	sadd.s32 s0, s3  }
0xb: {  	s21 =	simm.s32 $0x7C80;
	s3 =	smax.u32 s17, $0x1;
	[dreg:$0x5] =	wrdreg s9  }
0xc: {  	s16 =	sadd.s32 s2, s5;
	s18 =	sadd.s32 $0x10, s9;
	[dreg:$0xf] =	wrdreg s3  }
0xd: {  	s2 =	simm.s32 $0x28;
	s19 =	sadd.s32 $0x20, s9;
	[dreg:$0x6] =	wrdreg s18  }
0xe: {  	s5 =	simm.s32 $0xE;
	s20 =	sadd.s32 $0x30, s9;
	[dreg:$0x7] =	wrdreg s19  }
0xf: {  	s6 =	simm.s32 $0xF;
	s22 =	sadd.s32 $0x40, s9;
	[dreg:$0x8] =	wrdreg s20  }
0x10: {  	s7 =	simm.s32 $0x0;
	s23 =	sadd.s32 $0x50, s9;
	[dreg:$0x9] =	wrdreg s22  }
0x11: {  	s0 =	sadd.s32 s24, s0;
	s25 =	sadd.s32 $0x60, s9;
	[dreg:$0xa] =	wrdreg s23  }
0x12: {  	s24 =	simm.s32 $0x9;
	s26 =	sadd.s32 $0x70, s9;
	[dreg:$0xb] =	wrdreg s25  }
.Ltmp0:
0x13: {  	s10 =	sadd.s32 $0x80, s9;
	[dreg:$0xc] =	wrdreg s26;
	(pc) =	sbr.rel .LBB2_1-.Ltmp0, $4  }
0x14: {  	s30 =	sadd.s32 $0x90, s9;
	s0 =	sadd.s32 s29, s0;
	[dreg:$0xd] =	wrdreg s10  }
0x15: {  	s17 =	simm.s32 $0x13400;
	[dreg:$0xe] =	wrdreg s30;
	s0 =	sadd.s32 $0x130, s0  }
0x16: {  	s10 =	simm.s32 $0x11;
	s18 =	simm.s32 $0x12;
	s25 =	simm.s32 $0x13  }
0x17: {  	s26 =	simm.s32 $0x14;
	s23 =	simm.s32 $0x13400;
	[dreg:$0x10] =	wrdreg s0  }
.LBB2_4:
0x18: {  	[hbm4b:s0+s4] =	stream.linear.scatter [tilespmem:s23], [sflag:$0x1E], $0x1400, $0x38;
	[tilespmem:$0x14800] =	vst v63  }
0x19: {  	s13 =	simm.s32 $0x15  }
0x1a: {  	_ =	swait.ge [sflag:s13], $0x1400  }
0x1b: {  	[sflag:s13] =	ssyncset.done $0x0  }
0x1c: {  	s14 =	simm.s32 $0x16;
	[sflag:s13] =	ssyncadd.s32 $0xFFFFEC00  }
0x1d: {  	_ =	swait.ge [sflag:s14], $0x1400  }
0x1e: {  	[sflag:s14] =	ssyncset.done $0x0  }
0x1f: {  	s15 =	simm.s32 $0x17;
	[sflag:s14] =	ssyncadd.s32 $0xFFFFEC00  }
0x20: {  	_ =	swait.ge [sflag:s15], $0x1400  }
0x21: {  	[sflag:s15] =	ssyncset.done $0x0  }
0x22: {  	s17 =	simm.s32 $0x18;
	[sflag:s15] =	ssyncadd.s32 $0xFFFFEC00  }
0x23: {  	_ =	swait.ge [sflag:s17], $0x1400  }
0x24: {  	[sflag:s17] =	ssyncset.done $0x0  }
0x25: {  	s19 =	simm.s32 $0x19;
	[sflag:s17] =	ssyncadd.s32 $0xFFFFEC00  }
0x26: {  	_ =	swait.ge [sflag:s19], $0x1400  }
0x27: {  	[sflag:s19] =	ssyncset.done $0x0  }
0x28: {  	[sflag:s19] =	ssyncadd.s32 $0xFFFFEC00  }
0x29: {  	_ =	swait.ge [sflag:s28], $0x1400  }
0x2a: {  	[sflag:s28] =	ssyncset.done $0x0  }
0x2b: {  	s20 =	simm.s32 $0x1B;
	[sflag:s28] =	ssyncadd.s32 $0xFFFFEC00  }
0x2c: {  	_ =	swait.ge [sflag:s20], $0x1400  }
0x2d: {  	[sflag:s20] =	ssyncset.done $0x0  }
0x2e: {  	s22 =	simm.s32 $0x1C;
	[sflag:s20] =	ssyncadd.s32 $0xFFFFEC00  }
0x2f: {  	_ =	swait.ge [sflag:s22], $0x1400  }
0x30: {  	[sflag:s22] =	ssyncset.done $0x0  }
0x31: {  	s29 =	simm.s32 $0x1D;
	[sflag:s22] =	ssyncadd.s32 $0xFFFFEC00  }
0x32: {  	_ =	swait.ge [sflag:s29], $0x1400  }
0x33: {  	[sflag:s29] =	ssyncset.done $0x0  }
0x34: {  	s3 =	simm.s32 $0x1E;
	[sflag:s29] =	ssyncadd.s32 $0xFFFFEC00  }
0x35: {  	_ =	swait.ge [sflag:s3], $0x1400  }
0x36: {  	s7 =	rddreg [dreg:$0x11]  }
0x37: {  	s30 =	rddreg [dreg:$0xf];
	s7 =	sadd.s32 $0x1, s7  }
0x38: {  	p0 =	sne.s32 s7, s30  }
.Ltmp1:
0x39: {  	_ = 	snop;
	(pc) =	sbr.rel @!p0 .LBB2_5-.Ltmp1, $3  }
0x3a: {  	_ =	sdelay $0x1  }
0x3b: {  	[sflag:s3] =	ssyncset.done $0x0  }
0x3c: {  	s15 =	simm.s32 $0x7C80;
	s17 =	simm.s32 $0x13400;
	[sflag:s3] =	ssyncadd.s32 $0xFFFFEC00  }
.LBB2_1:
0x3d: {  	[dreg:$0x11] =	wrdreg s7  }
0x3e: {  	s0 =	rddreg [dreg:$0x2];
	s3 =	simm.s32 $0x1F  }
0x3f: {  	[tilespmem:s4], [sflag:$0x1F] =	stream.linear.gather [hbm4b:s0+s4], $0x6400, $0x38;
	[tilespmem:$0x14800] =	vst v63  }
0x40: {  	_ =	swait.ge [sflag:s3], $0x6400  }
0x41: {  	[sflag:s3] =	ssyncset.done $0x0  }
0x42: {  	s11 =	simm.s32 $0x6400;
	[sflag:s3] =	ssyncadd.s32 $0xFFFF9C00  }
0x43: {  	[tilespmem:s11], [sflag:$0x1F] =	stream.linear.gather [hbm4b:s0+s4], $0x1400, $0x38;
	[tilespmem:$0x14800] =	vst v63  }
0x44: {  	_ =	swait.ge [sflag:s3], $0x1400  }
0x45: {  	[sflag:s3] =	ssyncset.done $0x0  }
0x46: {  	s12 =	rddreg [dreg:$0x5];
	[sflag:s3] =	ssyncadd.s32 $0xFFFFEC00;
	s3 =	simm.s32 $0x7800  }
0x47: {  	[tilespmem:s3], [sflag:$0x1] =	stream.linear.gather [hbm4b:s12+s4], $0x80, $0x38;
	[tilespmem:$0x14800] =	vst v63  }
0x48: {  	s7 =	simm.s32 $0x7880;
	s13 =	rddreg [dreg:$0x6]  }
0x49: {  	[tilespmem:s7], [sflag:$0x2] =	stream.linear.gather [hbm4b:s13+s4], $0x80, $0x38;
	[tilespmem:$0x14800] =	vst v63  }
0x4a: {  	s9 =	simm.s32 $0x7900;
	s14 =	rddreg [dreg:$0x7]  }
0x4b: {  	[tilespmem:s9], [sflag:$0x3] =	stream.linear.gather [hbm4b:s14+s4], $0x80, $0x38;
	[tilespmem:$0x14800] =	vst v63  }
0x4c: {  	s11 =	simm.s32 $0x7980;
	s19 =	rddreg [dreg:$0x8]  }
0x4d: {  	[tilespmem:s11], [sflag:$0x4] =	stream.linear.gather [hbm4b:s19+s4], $0x80, $0x38;
	[tilespmem:$0x14800] =	vst v63  }
0x4e: {  	s20 =	rddreg [dreg:$0x9];
	s12 =	simm.s32 $0x7A00  }
0x4f: {  	[tilespmem:s12], [sflag:$0x5] =	stream.linear.gather [hbm4b:s20+s4], $0x80, $0x38;
	[tilespmem:$0x14800] =	vst v63  }
0x50: {  	s22 =	rddreg [dreg:$0xa];
	s13 =	simm.s32 $0x7A80  }
0x51: {  	[tilespmem:s13], [sflag:$0x6] =	stream.linear.gather [hbm4b:s22+s4], $0x80, $0x38;
	[tilespmem:$0x14800] =	vst v63  }
0x52: {  	s30 =	rddreg [dreg:$0xb];
	s14 =	simm.s32 $0x7B00  }
0x53: {  	[tilespmem:s14], [sflag:$0x7] =	stream.linear.gather [hbm4b:s30+s4], $0x80, $0x38;
	[tilespmem:$0x14800] =	vst v63  }
0x54: {  	s19 =	rddreg [dreg:$0xc];
	s20 =	simm.s32 $0x7B80  }
0x55: {  	[tilespmem:s20], [sflag:$0x8] =	stream.linear.gather [hbm4b:s19+s4], $0x80, $0x38;
	[tilespmem:$0x14800] =	vst v63  }
0x56: {  	s22 =	rddreg [dreg:$0xd];
	s30 =	simm.s32 $0x7C00  }
0x57: {  	[tilespmem:s30], [sflag:$0x9] =	stream.linear.gather [hbm4b:s22+s4], $0x80, $0x38;
	[tilespmem:$0x14800] =	vst v63  }
0x58: {  	s14 =	rddreg [dreg:$0xe];
	s19 =	simm.s32 $0x1  }
0x59: {  	[tilespmem:s15], [sflag:$0xA] =	stream.linear.gather [hbm4b:s14+s4], $0x80, $0x38;
	[tilespmem:$0x14800] =	vst v63  }
0x5a: {  	_ =	swait.ge [sflag:s19], $0x80  }
0x5b: {  	[sflag:s19] =	ssyncset.done $0x0  }
0x5c: {  	s20 =	simm.s32 $0x8000;
	s22 =	simm.s32 $0x2;
	[sflag:s19] =	ssyncadd.s32 $0xFFFFFF80  }
0x5d: {  	[tilespmem:s20], [sflag:$0xB] =	stream.indirect.gather [hbm4b:s1+s2], $0x80, s3, s2, $0xb8;
	[tilespmem:$0x14800] =	vst v63  }
0x5e: {  	_ =	swait.ge [sflag:s22], $0x80  }
0x5f: {  	[sflag:s22] =	ssyncset.done $0x0  }
0x60: {  	s30 =	simm.s32 $0x9400;
	s3 =	simm.s32 $0x3;
	[sflag:s22] =	ssyncadd.s32 $0xFFFFFF80  }
0x61: {  	[tilespmem:s30], [sflag:$0xC] =	stream.indirect.gather [hbm4b:s1+s2], $0x80, s7, s2, $0xb8;
	[tilespmem:$0x14800] =	vst v63  }
0x62: {  	_ =	swait.ge [sflag:s3], $0x80  }
0x63: {  	[sflag:s3] =	ssyncset.done $0x0  }
0x64: {  	s7 =	simm.s32 $0xA800;
	[sflag:s3] =	ssyncadd.s32 $0xFFFFFF80  }
0x65: {  	[tilespmem:s7], [sflag:$0xD] =	stream.indirect.gather [hbm4b:s1+s2], $0x80, s9, s2, $0xb8;
	[tilespmem:$0x14800] =	vst v63  }
0x66: {  	s9 =	simm.s32 $0x4  }
0x67: {  	_ =	swait.ge [sflag:s9], $0x80  }
0x68: {  	[sflag:s9] =	ssyncset.done $0x0  }
0x69: {  	s14 =	simm.s32 $0xBC00;
	s19 =	simm.s32 $0x5;
	[sflag:s9] =	ssyncadd.s32 $0xFFFFFF80  }
0x6a: {  	[tilespmem:s14], [sflag:$0xE] =	stream.indirect.gather [hbm4b:s1+s2], $0x80, s11, s2, $0xb8;
	[tilespmem:$0x14800] =	vst v63  }
0x6b: {  	_ =	swait.ge [sflag:s19], $0x80  }
0x6c: {  	[sflag:s19] =	ssyncset.done $0x0  }
0x6d: {  	s20 =	simm.s32 $0xD000;
	s22 =	simm.s32 $0x6;
	[sflag:s19] =	ssyncadd.s32 $0xFFFFFF80  }
0x6e: {  	[tilespmem:s20], [sflag:$0xF] =	stream.indirect.gather [hbm4b:s1+s2], $0x80, s12, s2, $0xb8;
	[tilespmem:$0x14800] =	vst v63  }
0x6f: {  	_ =	swait.ge [sflag:s22], $0x80  }
0x70: {  	s30 =	simm.s32 $0xE400;
	[sflag:s22] =	ssyncset.done $0x0  }
0x71: {  	s12 =	simm.s32 $0x0;
	s29 =	rddreg [dreg:$0x10];
	[sflag:s22] =	ssyncadd.s32 $0xFFFFFF80  }
0x72: {  	[tilespmem:s30], [sflag:$0x10] =	stream.indirect.gather [hbm4b:s1+s2], $0x80, s13, s2, $0xb8;
	[tilespmem:$0x14800] =	vst v63  }
.LBB2_2:
0x73: {  	s0 =	simm.s32 $0xB  }
0x74: {  	p0 =	seq.s32 s12, $0x62700;
	_ =	swait.ge [sflag:s0], $0x1400  }
0x75: {  	s3 =	simm.s32 @!p0 $0x0;
	[sflag:s0] =	ssyncset.done $0x0  }
0x76: {  	s14 =	simm.s32 @!p0 $0x7800;
	[sflag:s0] =	ssyncadd.s32 $0xFFFFEC00;
	s0 =	sadd.s32 @!p0 $0xFFFFFF70, s29  }
0x77: {  	[tilespmem:s14], [sflag:$0x1] =	stream.linear.gather @!p0 [hbm4b:s0+s3], $0x80, $0x38;
	[tilespmem:$0x14800] =	vst v63  }
0x78: {  	s7 =	simm.s32 $0x8000;
	p1 =	seq.s32 s12, $0x0;
	s0 =	sadd.s32 s12, s16  }
0x79: {  	[hbm4b:s0+s4] =	stream.linear.scatter [tilespmem:s7], [sflag:$0x15], $0x1400, $0x38;
	[tilespmem:$0x14800] =	vst v63  }
0x7a: {  	s7 =	simm.s32 @!p1 $0x1B  }
0x7b: {  	_ =	swait.ge @!p1 [sflag:s7], $0x1400  }
0x7c: {  	[sflag:s7] =	ssyncset.done @!p1 $0x0  }
0x7d: {  	s13 =	simm.s32 $0x7;
	[sflag:s7] =	ssyncadd.s32 @!p1 $0xFFFFEC00  }
0x7e: {  	_ =	swait.ge [sflag:s13], $0x80  }
0x7f: {  	s19 =	simm.s32 $0x7B00;
	[sflag:s13] =	ssyncset.done $0x0  }
0x80: {  	s9 =	simm.s32 $0xF800;
	s20 =	simm.s32 $0xC;
	[sflag:s13] =	ssyncadd.s32 $0xFFFFFF80  }
0x81: {  	[tilespmem:s9], [sflag:$0x11] =	stream.indirect.gather [hbm4b:s1+s2], $0x80, s19, s2, $0xb8;
	[tilespmem:$0x14800] =	vst v63  }
0x82: {  	_ =	swait.ge [sflag:s20], $0x1400  }
0x83: {  	[sflag:s20] =	ssyncset.done $0x0  }
0x84: {  	s7 =	sadd.s32 @!p0 $0xFFFFFF80, s29;
	s19 =	simm.s32 @!p0 $0x7880;
	[sflag:s20] =	ssyncadd.s32 $0xFFFFEC00  }
0x85: {  	[tilespmem:s19], [sflag:$0x2] =	stream.linear.gather @!p0 [hbm4b:s7+s3], $0x80, $0x38;
	[tilespmem:$0x14800] =	vst v63  }
0x86: {  	s30 =	simm.s32 $0x9400;
	s22 =	sadd.s32 $0x280, s0;
	s7 =	simm.s32 @!p1 $0x1C  }
0x87: {  	[hbm4b:s22+s4] =	stream.linear.scatter [tilespmem:s30], [sflag:$0x16], $0x1400, $0x38;
	[tilespmem:$0x14800] =	vst v63  }
0x88: {  	_ =	swait.ge @!p1 [sflag:s7], $0x1400  }
0x89: {  	[sflag:s7] =	ssyncset.done @!p1 $0x0  }
0x8a: {  	s11 =	simm.s32 $0x8;
	[sflag:s7] =	ssyncadd.s32 @!p1 $0xFFFFEC00  }
0x8b: {  	_ =	swait.ge [sflag:s11], $0x80  }
0x8c: {  	s13 =	simm.s32 $0x7B80;
	[sflag:s11] =	ssyncset.done $0x0  }
0x8d: {  	s20 =	simm.s32 $0x10C00;
	s22 =	simm.s32 $0xD;
	[sflag:s11] =	ssyncadd.s32 $0xFFFFFF80  }
0x8e: {  	[tilespmem:s20], [sflag:$0x12] =	stream.indirect.gather [hbm4b:s1+s2], $0x80, s13, s2, $0xb8;
	[tilespmem:$0x14800] =	vst v63  }
0x8f: {  	_ =	swait.ge [sflag:s22], $0x1400  }
0x90: {  	[sflag:s22] =	ssyncset.done $0x0  }
0x91: {  	s9 =	simm.s32 @!p0 $0x7900;
	s7 =	sadd.s32 @!p0 $0xFFFFFF90, s29;
	[sflag:s22] =	ssyncadd.s32 $0xFFFFEC00  }
0x92: {  	[tilespmem:s9], [sflag:$0x3] =	stream.linear.gather @!p0 [hbm4b:s7+s3], $0x80, $0x38;
	[tilespmem:$0x14800] =	vst v63  }
0x93: {  	s30 =	sadd.s32 $0x500, s0;
	s11 =	simm.s32 $0xA800;
	s7 =	simm.s32 @!p1 $0x1D  }
0x94: {  	[hbm4b:s30+s4] =	stream.linear.scatter [tilespmem:s11], [sflag:$0x17], $0x1400, $0x38;
	[tilespmem:$0x14800] =	vst v63  }
0x95: {  	_ =	swait.ge @!p1 [sflag:s7], $0x1400  }
0x96: {  	[sflag:s7] =	ssyncset.done @!p1 $0x0  }
0x97: {  	[sflag:s7] =	ssyncadd.s32 @!p1 $0xFFFFEC00  }
0x98: {  	_ =	swait.ge [sflag:s24], $0x80  }
0x99: {  	[sflag:s24] =	ssyncset.done $0x0  }
0x9a: {  	s13 =	simm.s32 $0x7C00;
	s20 =	simm.s32 $0x12000;
	[sflag:s24] =	ssyncadd.s32 $0xFFFFFF80  }
0x9b: {  	[tilespmem:s20], [sflag:$0x13] =	stream.indirect.gather [hbm4b:s1+s2], $0x80, s13, s2, $0xb8;
	[tilespmem:$0x14800] =	vst v63  }
0x9c: {  	_ =	swait.ge [sflag:s5], $0x1400  }
0x9d: {  	[sflag:s5] =	ssyncset.done $0x0  }
0x9e: {  	s7 =	sadd.s32 @!p0 $0xFFFFFFA0, s29;
	s20 =	simm.s32 @!p0 $0x7980;
	[sflag:s5] =	ssyncadd.s32 $0xFFFFEC00  }
0x9f: {  	[tilespmem:s20], [sflag:$0x4] =	stream.linear.gather @!p0 [hbm4b:s7+s3], $0x80, $0x38;
	[tilespmem:$0x14800] =	vst v63  }
0xa0: {  	s22 =	sadd.s32 $0x780, s0;
	s30 =	simm.s32 $0xBC00;
	s7 =	simm.s32 @!p1 $0x1E  }
0xa1: {  	[hbm4b:s22+s4] =	stream.linear.scatter [tilespmem:s30], [sflag:$0x18], $0x1400, $0x38;
	[tilespmem:$0x14800] =	vst v63  }
0xa2: {  	_ =	swait.ge @!p1 [sflag:s7], $0x1400  }
0xa3: {  	[sflag:s7] =	ssyncset.done @!p1 $0x0  }
0xa4: {  	[sflag:s7] =	ssyncadd.s32 @!p1 $0xFFFFEC00  }
0xa5: {  	_ =	swait.ge [sflag:s31], $0x80  }
0xa6: {  	[sflag:s31] =	ssyncset.done $0x0  }
0xa7: {  	[sflag:s31] =	ssyncadd.s32 $0xFFFFFF80  }
0xa8: {  	[tilespmem:s17], [sflag:$0x14] =	stream.indirect.gather [hbm4b:s1+s2], $0x80, s15, s2, $0xb8;
	[tilespmem:$0x14800] =	vst v63  }
0xa9: {  	_ =	swait.ge [sflag:s6], $0x1400  }
0xaa: {  	s11 =	simm.s32 @p0 $0xD000;
	s17 =	sadd.s32 @p0 s12, s16;
	[sflag:s6] =	ssyncset.done $0x0  }
0xab: {  	s30 =	simm.s32 @p0 $0x0;
	s7 =	sadd.s32 @p0 $0xA00, s17;
	[sflag:s6] =	ssyncadd.s32 $0xFFFFEC00  }
0xac: {  	[hbm4b:s7+s30] =	stream.linear.scatter @p0 [tilespmem:s11], [sflag:$0x19], $0x1400, $0x38;
	[tilespmem:$0x14800] =	vst v63  }
0xad: {  	s11 =	sadd.s32 @!p0 $0xFFFFFFB0, s29;
	s7 =	simm.s32 @!p0 $0x7A00  }
0xae: {  	[tilespmem:s7], [sflag:$0x5] =	stream.linear.gather @!p0 [hbm4b:s11+s3], $0x80, $0x38;
	[tilespmem:$0x14800] =	vst v63  }
0xaf: {  	s11 =	sadd.s32 @!p0 s12, s16  }
0xb0: {  	s22 =	simm.s32 @!p0 $0xD000;
	s13 =	sadd.s32 @!p0 $0xA00, s11  }
0xb1: {  	[hbm4b:s13+s3] =	stream.linear.scatter @!p0 [tilespmem:s22], [sflag:$0x19], $0x1400, $0x38;
	[tilespmem:$0x14800] =	vst v63  }
0xb2: {  	s13 =	simm.s32 @!p0 $0x15  }
0xb3: {  	_ =	swait.ge @!p0 [sflag:s13], $0x1400  }
0xb4: {  	[sflag:s13] =	ssyncset.done @!p0 $0x0  }
0xb5: {  	[sflag:s13] =	ssyncadd.s32 @!p0 $0xFFFFEC00;
	s13 =	simm.s32 @!p0 $0x1  }
0xb6: {  	_ =	swait.ge @!p0 [sflag:s13], $0x80  }
0xb7: {  	[sflag:s13] =	ssyncset.done @!p0 $0x0  }
0xb8: {  	s15 =	simm.s32 @!p0 $0x8000;
	[sflag:s13] =	ssyncadd.s32 @!p0 $0xFFFFFF80;
	s13 =	simm.s32 @!p0 $0x28  }
0xb9: {  	[tilespmem:s15], [sflag:$0xB] =	stream.indirect.gather @!p0 [hbm4b:s1+s13], $0x80, s14, s13, $0xb8;
	[tilespmem:$0x14800] =	vst v63  }
0xba: {  	_ =	swait.ge [sflag:s8], $0x1400  }
0xbb: {  	[sflag:s8] =	ssyncset.done $0x0  }
0xbc: {  	s14 =	sadd.s32 @p0 $0xC80, s17;
	s15 =	simm.s32 @p0 $0xE400;
	[sflag:s8] =	ssyncadd.s32 $0xFFFFEC00  }
0xbd: {  	[hbm4b:s14+s30] =	stream.linear.scatter @p0 [tilespmem:s15], [sflag:$0x1A], $0x1400, $0x38;
	[tilespmem:$0x14800] =	vst v63  }
0xbe: {  	s14 =	sadd.s32 @!p0 $0xFFFFFFC0, s29;
	s15 =	simm.s32 @!p0 $0x7A80  }
0xbf: {  	[tilespmem:s15], [sflag:$0x6] =	stream.linear.gather @!p0 [hbm4b:s14+s3], $0x80, $0x38;
	[tilespmem:$0x14800] =	vst v63  }
0xc0: {  	s14 =	sadd.s32 @!p0 $0xC80, s11;
	s15 =	simm.s32 @!p0 $0xE400  }
0xc1: {  	[hbm4b:s14+s3] =	stream.linear.scatter @!p0 [tilespmem:s15], [sflag:$0x1A], $0x1400, $0x38;
	[tilespmem:$0x14800] =	vst v63  }
0xc2: {  	s14 =	simm.s32 @!p0 $0x16  }
0xc3: {  	_ =	swait.ge @!p0 [sflag:s14], $0x1400  }
0xc4: {  	[sflag:s14] =	ssyncset.done @!p0 $0x0  }
0xc5: {  	[sflag:s14] =	ssyncadd.s32 @!p0 $0xFFFFEC00;
	s14 =	simm.s32 @!p0 $0x2  }
0xc6: {  	_ =	swait.ge @!p0 [sflag:s14], $0x80  }
0xc7: {  	[sflag:s14] =	ssyncset.done @!p0 $0x0  }
0xc8: {  	[sflag:s14] =	ssyncadd.s32 @!p0 $0xFFFFFF80;
	s14 =	simm.s32 @!p0 $0x9400  }
0xc9: {  	[tilespmem:s14], [sflag:$0xC] =	stream.indirect.gather @!p0 [hbm4b:s1+s13], $0x80, s19, s13, $0xb8;
	[tilespmem:$0x14800] =	vst v63  }
0xca: {  	_ =	swait.ge [sflag:s10], $0x1400  }
0xcb: {  	[sflag:s10] =	ssyncset.done $0x0  }
0xcc: {  	s15 =	simm.s32 @p0 $0xF800;
	s14 =	sadd.s32 @p0 $0xF00, s17;
	[sflag:s10] =	ssyncadd.s32 $0xFFFFEC00  }
0xcd: {  	[hbm4b:s14+s30] =	stream.linear.scatter @p0 [tilespmem:s15], [sflag:$0x1B], $0x1400, $0x38;
	[tilespmem:$0x14800] =	vst v63  }
0xce: {  	s14 =	sadd.s32 @!p0 $0xFFFFFFD0, s29;
	s15 =	simm.s32 @!p0 $0x7B00  }
0xcf: {  	[tilespmem:s15], [sflag:$0x7] =	stream.linear.gather @!p0 [hbm4b:s14+s3], $0x80, $0x38;
	[tilespmem:$0x14800] =	vst v63  }
0xd0: {  	s14 =	sadd.s32 @!p0 $0xF00, s11;
	s15 =	simm.s32 @!p0 $0xF800  }
0xd1: {  	[hbm4b:s14+s3] =	stream.linear.scatter @!p0 [tilespmem:s15], [sflag:$0x1B], $0x1400, $0x38;
	[tilespmem:$0x14800] =	vst v63  }
0xd2: {  	s14 =	simm.s32 @!p0 $0x17  }
0xd3: {  	_ =	swait.ge @!p0 [sflag:s14], $0x1400  }
0xd4: {  	[sflag:s14] =	ssyncset.done @!p0 $0x0  }
0xd5: {  	[sflag:s14] =	ssyncadd.s32 @!p0 $0xFFFFEC00;
	s14 =	simm.s32 @!p0 $0x3  }
0xd6: {  	_ =	swait.ge @!p0 [sflag:s14], $0x80  }
0xd7: {  	[sflag:s14] =	ssyncset.done @!p0 $0x0  }
0xd8: {  	[sflag:s14] =	ssyncadd.s32 @!p0 $0xFFFFFF80;
	s14 =	simm.s32 @!p0 $0xA800  }
0xd9: {  	[tilespmem:s14], [sflag:$0xD] =	stream.indirect.gather @!p0 [hbm4b:s1+s13], $0x80, s9, s13, $0xb8;
	[tilespmem:$0x14800] =	vst v63  }
0xda: {  	_ =	swait.ge [sflag:s18], $0x1400  }
0xdb: {  	[sflag:s18] =	ssyncset.done $0x0  }
0xdc: {  	s9 =	sadd.s32 @p0 $0x1180, s17;
	s14 =	simm.s32 @p0 $0x10C00;
	[sflag:s18] =	ssyncadd.s32 $0xFFFFEC00  }
0xdd: {  	[hbm4b:s9+s30] =	stream.linear.scatter @p0 [tilespmem:s14], [sflag:$0x1C], $0x1400, $0x38;
	[tilespmem:$0x14800] =	vst v63  }
0xde: {  	s9 =	sadd.s32 @!p0 $0xFFFFFFE0, s29;
	s14 =	simm.s32 @!p0 $0x7B80  }
0xdf: {  	[tilespmem:s14], [sflag:$0x8] =	stream.linear.gather @!p0 [hbm4b:s9+s3], $0x80, $0x38;
	[tilespmem:$0x14800] =	vst v63  }
0xe0: {  	s9 =	sadd.s32 @!p0 $0x1180, s11;
	s14 =	simm.s32 @!p0 $0x10C00  }
0xe1: {  	[hbm4b:s9+s3] =	stream.linear.scatter @!p0 [tilespmem:s14], [sflag:$0x1C], $0x1400, $0x38;
	[tilespmem:$0x14800] =	vst v63  }
0xe2: {  	s9 =	simm.s32 @!p0 $0x18  }
0xe3: {  	_ =	swait.ge @!p0 [sflag:s9], $0x1400  }
0xe4: {  	[sflag:s9] =	ssyncset.done @!p0 $0x0  }
0xe5: {  	[sflag:s9] =	ssyncadd.s32 @!p0 $0xFFFFEC00;
	s9 =	simm.s32 @!p0 $0x4  }
0xe6: {  	_ =	swait.ge @!p0 [sflag:s9], $0x80  }
0xe7: {  	[sflag:s9] =	ssyncset.done @!p0 $0x0  }
0xe8: {  	[sflag:s9] =	ssyncadd.s32 @!p0 $0xFFFFFF80;
	s9 =	simm.s32 @!p0 $0xBC00  }
0xe9: {  	[tilespmem:s9], [sflag:$0xE] =	stream.indirect.gather @!p0 [hbm4b:s1+s13], $0x80, s20, s13, $0xb8;
	[tilespmem:$0x14800] =	vst v63  }
0xea: {  	_ =	swait.ge [sflag:s25], $0x1400  }
0xeb: {  	[sflag:s25] =	ssyncset.done $0x0  }
0xec: {  	s14 =	simm.s32 @p0 $0x12000;
	s9 =	sadd.s32 @p0 $0x1400, s17;
	[sflag:s25] =	ssyncadd.s32 $0xFFFFEC00  }
0xed: {  	[hbm4b:s9+s30] =	stream.linear.scatter @p0 [tilespmem:s14], [sflag:$0x1D], $0x1400, $0x38;
	[tilespmem:$0x14800] =	vst v63  }
0xee: {  	s9 =	sadd.s32 @!p0 $0xFFFFFFF0, s29;
	s14 =	simm.s32 @!p0 $0x7C00  }
0xef: {  	[tilespmem:s14], [sflag:$0x9] =	stream.linear.gather @!p0 [hbm4b:s9+s3], $0x80, $0x38;
	[tilespmem:$0x14800] =	vst v63  }
0xf0: {  	s9 =	sadd.s32 @!p0 $0x1400, s11;
	s11 =	simm.s32 @!p0 $0x12000  }
0xf1: {  	[hbm4b:s9+s3] =	stream.linear.scatter @!p0 [tilespmem:s11], [sflag:$0x1D], $0x1400, $0x38;
	[tilespmem:$0x14800] =	vst v63  }
0xf2: {  	s3 =	simm.s32 @!p0 $0x19  }
0xf3: {  	_ =	swait.ge @!p0 [sflag:s3], $0x1400  }
0xf4: {  	[sflag:s3] =	ssyncset.done @!p0 $0x0  }
0xf5: {  	[sflag:s3] =	ssyncadd.s32 @!p0 $0xFFFFEC00;
	s3 =	simm.s32 @!p0 $0x5  }
0xf6: {  	_ =	swait.ge @!p0 [sflag:s3], $0x80  }
0xf7: {  	[sflag:s3] =	ssyncset.done @!p0 $0x0  }
.Ltmp2:
0xf8: {  	[sflag:s3] =	ssyncadd.s32 @!p0 $0xFFFFFF80;
	(pc) =	sbr.rel @p0 .LBB2_4-.Ltmp2, $4  }
0xf9: {  	[tilespmem:s22], [sflag:$0xF] =	stream.indirect.gather @!p0 [hbm4b:s1+s13], $0x80, s7, s13, $0xb8;
	[tilespmem:$0x14800] =	vst v63  }
0xfa: {  	_ =	swait.ge [sflag:s26], $0x1400  }
0xfb: {  	[sflag:s26] =	ssyncset.done $0x0  }
0xfc: {  	s0 =	sadd.s32 $0x1680, s0;
	[sflag:s26] =	ssyncadd.s32 $0xFFFFEC00  }
0xfd: {  	[tilespmem:s21], [sflag:$0xA] =	stream.linear.gather [hbm4b:s29+s4], $0x80, $0x38;
	[tilespmem:$0x14800] =	vst v63  }
0xfe: {  	_ = 	snop  }
0xff: {  	[hbm4b:s0+s4] =	stream.linear.scatter [tilespmem:s23], [sflag:$0x1E], $0x1400, $0x38;
	[tilespmem:$0x14800] =	vst v63  }
0x100: {  	_ =	swait.ge [sflag:s28], $0x1400  }
0x101: {  	[sflag:s28] =	ssyncset.done $0x0  }
.Ltmp3:
0x102: {  	s22 =	simm.s32 $0x6;
	[sflag:s28] =	ssyncadd.s32 $0xFFFFEC00;
	(pc) =	sbr.rel .LBB2_2-.Ltmp3, $4  }
0x103: {  	s30 =	simm.s32 $0x7A80;
	s3 =	simm.s32 $0xE400;
	_ =	swait.ge [sflag:s22], $0x80  }
0x104: {  	s12 =	sadd.s32 $0x1900, s12;
	s29 =	sadd.s32 $0xA0, s29;
	[sflag:s22] =	ssyncset.done $0x0  }
0x105: {  	s15 =	simm.s32 $0x7C80;
	s17 =	simm.s32 $0x13400;
	[sflag:s22] =	ssyncadd.s32 $0xFFFFFF80  }
0x106: {  	[tilespmem:s3], [sflag:$0x10] =	stream.indirect.gather [hbm4b:s1+s2], $0x80, s30, s2, $0xb8;
	[tilespmem:$0x14800] =	vst v63  }
.LBB2_5:
0x107: {  	_ =	sfence.sel $0x180000  }
0x108: {  	[bflag:$0x0] =	sbarrier.arrive $0xFFFF  }
0x109: {  	_ =	strace $0x90000047  }
0x10a: {  	s0 =	stileid.u32;
	[bflag:$0x2] =	sbarrier.arrive $0xFFFF  }
0x10b: {  	p0 =	sne.s32 s0, $0x0;
	s0 =	rddreg [dreg:$0x4]  }
0x10c: {  	s0 =	sadd.s32 @!p0 $0x100000, s0  }
0x10d: {  	[sflag:s0] =	ssyncadd.tile.s32 @!p0 $0x1;
	_ =	shalt  }
.Lfunc_end2:
_tile_overlayer_lowered:
.L_overlay_start_2:
0x10e: {  	(tag) =	ssettag $0x2  }
0x10f: {  	s0 =	rddreg [dreg:$0x0];
	s2 =	stileid.u32  }
0x110: {  	s1 =	rddreg [dreg:$0x1];
	p0 =	sne.s32 s2, $0x0  }
0x111: {  	s3 =	rddreg [dreg:$0x2];
	[bflag:$0x3] =	sbarrier.arrive $0xFFFF;
	s2 =	simm.s32 @!p0 $0x1C1F  }
0x112: {  	[timem:s3], [sflag:s2] =	dma.local @!p0 [hbm:s0], s1  }
0x113: {  	s0 =	simm.s32 @!p0 $0x1F  }
0x114: {  	_ =	swait.ge @!p0 [sflag:s0], s1  }
0x115: {  	s1 =	ssub.s32 @!p0 $0x0, s1;
	[sflag:s0] =	ssyncset.done @!p0 $0x0  }
0x116: {  	[sflag:s0] =	ssyncadd.s32 @!p0 s1  }
0x117: {  	[bflag:$0x3] =	sbarrier.arrive $0xFFFF  }
0x118: {  	_ =	shalt  }

</sc_bundles>
